<compile_context>
chip_gen: v7x
topology: tpu7x:2x2x1
jax: 0.10.2.dev20260603
libtpu: 0.0.44.dev20260713+nightly
codegen_flags: <defaults>
</compile_context>

<pallas_src>
import jax
import jax.numpy as jnp
from jax import lax
from jax.experimental import pallas as pl
from jax.experimental.pallas import tpu as pltpu
from jax.experimental.pallas import tpu_sc as plsc

_B = 64
_N = 8192
_K = 256
_L = 16
_NW = 32
_ROWS_PER_W = _B // _NW
_NBLK = _N // _L
_UNROLL = 8
_C_UNROLL = 8
_SPLIT = 0x40000000
_HI0 = 0x7F800000
_ABS = 0x7FFFFFFF


def _abs_bits(x):
    return lax.bitcast_convert_type(x, jnp.int32) & _ABS


def _process_row(row_v, out_v, cbuf, cnts, offs):
    zeros_v = jnp.zeros((_L,), jnp.int32)
    lane = lax.iota(jnp.int32, _L)

    def ablk(i, acc):
        for k in range(_UNROLL):
            b = i * _UNROLL + k
            a = _abs_bits(row_v[pl.ds(b * _L, _L)])
            pc = plsc.all_reduce_population_count(a >= _SPLIT)
            cnts[pl.ds(b * _L, _L)] = pc
            acc = acc + pc
        return acc

    acc = lax.fori_loop(0, _NBLK // _UNROLL, ablk, zeros_v)
    c = acc[0]
    ge = c >= _K
    lo = jnp.where(ge, _SPLIT, 0)
    hi = jnp.where(ge, _HI0, _SPLIT)
    n_hi = jnp.where(ge, 0, c)
    c_lo = jnp.where(ge, c, _N)
    u = jnp.where(ge, c, _N - c)

    def ogrp(g, carry):
        idx = (g * _L + lane) * _L
        cnt16 = plsc.load_gather(cnts, [idx])
        cs = plsc.cumsum(cnt16)
        offs[pl.ds(g * _L, _L)] = cs - cnt16 + carry
        return carry + cs[_L - 1]

    lax.fori_loop(0, _NBLK // _L, ogrp, jnp.int32(0))

    def bgrp(g, carry):
        offs16 = offs[pl.ds(g * _L, _L)]
        for k in range(_L):
            b = g * _L + k
            a = _abs_bits(row_v[pl.ds(b * _L, _L)])
            mhigh = a >= _SPLIT
            m = mhigh == ge
            ohi = offs16[k]
            base = jnp.where(ge, ohi, b * _L - ohi)
            plsc.store_compressed(cbuf.at[pl.ds(base, _L)], a, mask=m)
        return carry

    lax.fori_loop(0, _NBLK // _L, bgrp, jnp.int32(0))

    for k in range(_C_UNROLL):
        plsc.store_scatter(cbuf, [u + k * _L + lane], zeros_v)
    nchunk = (u + _L * _C_UNROLL - 1) // (_L * _C_UNROLL)

    def cond2(carry):
        lo, hi, _ = carry
        return hi - lo > 1

    def step2(carry):
        lo, hi, c_lo = carry
        mid = lo + ((hi - lo) >> 1)

        def blk(g, cv):
            for k in range(_C_UNROLL):
                a = cbuf[pl.ds(g * (_L * _C_UNROLL) + k * _L, _L)]
                cv = cv + jnp.where(a >= mid, 1, 0)
            return cv

        cc = n_hi + jnp.sum(lax.fori_loop(0, nchunk, blk, zeros_v))
        gg = cc >= _K
        return (jnp.where(gg, mid, lo), jnp.where(gg, hi, mid),
                jnp.where(gg, cc, c_lo))

    t, _, c_t = lax.while_loop(cond2, step2, (lo, hi, c_lo))

    def mblk(i, carry):
        for k in range(_UNROLL):
            off = i * (_L * _UNROLL) + k * _L
            a = _abs_bits(row_v[pl.ds(off, _L)])
            out_v[pl.ds(off, _L)] = jnp.where(a >= t, 1.0, 0.0).astype(
                jnp.float32)
        return carry

    lax.fori_loop(0, _NBLK // _UNROLL, mblk, jnp.int32(0))

    def fixup():
        def fblk(i, rem):
            b = (_NBLK - 1 - i) * _L
            a = _abs_bits(row_v[pl.ds(b, _L)])
            eq = a == t
            eqi = eq.astype(jnp.int32)
            cs = plsc.cumsum(eqi)
            tot = jnp.sum(eqi)
            scnt = tot - cs + eqi
            kill = eq & (scnt <= rem)
            ob = out_v[pl.ds(b, _L)]
            out_v[pl.ds(b, _L)] = jnp.where(kill, 0.0, ob)
            return jnp.maximum(rem - tot, 0)

        lax.fori_loop(0, _NBLK, fblk, c_t - _K)

    lax.cond(c_t > _K, fixup, lambda: None)


def _topk_mask_body(v_hbm, out_hbm, row0, row1, out0, out1, cbuf, cnts, offs,
                    sem_i0, sem_i1, sem_o0, sem_o1):
    cid = lax.axis_index("c")
    sid = lax.axis_index("s")
    wid = sid * 2 + cid
    r0 = wid * _ROWS_PER_W
    r1 = r0 + 1

    cp0 = pltpu.async_copy(v_hbm.at[r0], row0, sem_i0)
    cp1 = pltpu.async_copy(v_hbm.at[r1], row1, sem_i1)

    cp0.wait()
    _process_row(row0, out0, cbuf, cnts, offs)
    o0 = pltpu.async_copy(out0, out_hbm.at[r0], sem_o0)

    cp1.wait()
    _process_row(row1, out1, cbuf, cnts, offs)
    o1 = pltpu.async_copy(out1, out_hbm.at[r1], sem_o1)

    o0.wait()
    o1.wait()


@jax.jit
def _topk_mask(v):
    mesh = plsc.VectorSubcoreMesh(core_axis_name="c", subcore_axis_name="s",
                                  num_cores=2, num_subcores=16)
    return pl.kernel(
        _topk_mask_body,
        out_type=jax.ShapeDtypeStruct((_B, _N), jnp.float32),
        mesh=mesh,
        scratch_types=[
            pltpu.VMEM((_N,), jnp.float32),
            pltpu.VMEM((_N,), jnp.float32),
            pltpu.VMEM((_N,), jnp.float32),
            pltpu.VMEM((_N,), jnp.float32),
            pltpu.VMEM((_N + _L * _C_UNROLL,), jnp.int32),
            pltpu.VMEM((_NBLK * _L,), jnp.int32),
            pltpu.VMEM((_NBLK,), jnp.int32),
            pltpu.SemaphoreType.DMA,
            pltpu.SemaphoreType.DMA,
            pltpu.SemaphoreType.DMA,
            pltpu.SemaphoreType.DMA,
        ],
        compiler_params=pltpu.CompilerParams(needs_layout_passes=False),
    )(v)


def kernel(v):
    return _topk_mask(v)

# --- scband reference (transcript-rebuilt; emitter-appended) ---
"""Pipeline reference for scband-top-kstraight-through-84507776516158 (READ-ONLY COPY).

The authoritative reference and input builder live on the scoring server;
editing this copy changes nothing except your own understanding.
"""

import jax, jax.numpy as jnp
import numpy as np

K = 256
TEMP = 0.1

def setup_inputs(seed: int = 0) -> dict:
    key = jax.random.key(seed)
    v = jax.random.normal(key, (64, 8192), dtype=jnp.float32)
    return {"v": v}

def reference(v):
    abs_v = jnp.abs(v)
    mask_prob = jax.nn.softmax(abs_v / TEMP, axis=1)
    topk_vals, topk_indices = jax.lax.top_k(mask_prob, K)
    B = mask_prob.shape[0]
    row_idx = jnp.arange(B)[:, None]
    mask_hard = jnp.zeros_like(mask_prob).at[row_idx, topk_indices].set(1.0)
    return mask_hard + (mask_prob - jax.lax.stop_gradient(mask_prob))

if __name__ == "__main__":
    import jax
    _d = setup_inputs()
    print(jax.jit(kernel)(*tuple(_d.values())))

</pallas_src>

<mosaic_0001>
#map = affine_map<(d0, d1) -> (0, 0)>
module attributes {stable_mosaic.version = 14 : i64} {
  func.func @_topk_mask_body(%arg0: i32, %arg1: i32, %arg2: memref<64x8192xf32, #tpu.memory_space<hbm>>, %arg3: memref<64x8192xf32, #tpu.memory_space<hbm>>, %arg4: memref<8192xf32, #tpu.memory_space<vmem>>, %arg5: memref<8192xf32, #tpu.memory_space<vmem>>, %arg6: memref<8192xf32, #tpu.memory_space<vmem>>, %arg7: memref<8192xf32, #tpu.memory_space<vmem>>, %arg8: memref<8320xi32, #tpu.memory_space<vmem>>, %arg9: memref<8192xi32, #tpu.memory_space<vmem>>, %arg10: memref<512xi32, #tpu.memory_space<vmem>>, %arg11: memref<!tpu.dma_semaphore, #tpu.memory_space<semaphore_mem>>, %arg12: memref<!tpu.dma_semaphore, #tpu.memory_space<semaphore_mem>>, %arg13: memref<!tpu.dma_semaphore, #tpu.memory_space<semaphore_mem>>, %arg14: memref<!tpu.dma_semaphore, #tpu.memory_space<semaphore_mem>>) attributes {dimension_semantics = [#tpu.dimension_semantics<core_parallel>, #tpu.dimension_semantics<subcore_parallel>], iteration_bounds = array<i64: 2, 16>, scalar_prefetch = 0 : i64, scratch_operands = 11 : i64, tpu.core_type = #tpu.core_type<sc_vector_subcore>, window_params = [{transform_indices = #map}, {transform_indices = #map}]} {
    %mul3A = arith.constant 2 : i32
    %mul3A_0 = arith.muli %arg1, %mul3A : i32
    %add3A = arith.addi %mul3A_0, %arg0 : i32
    %mul3A_1 = arith.constant 2 : i32
    %mul3A_2 = arith.muli %add3A, %mul3A_1 : i32
    %add3A_3 = arith.constant 1 : i32
    %add3A_4 = arith.addi %mul3A_2, %add3A_3 : i32
    %dma_start3A = arith.constant 0 : i32
    %dma_start3A_5 = tpu.memref_slice %arg2[%mul3A_2, %dma_start3A] : memref<64x8192xf32, #tpu.memory_space<hbm>> -> memref<1x8192xf32, #tpu.memory_space<hbm>>
    %dma_start3A_6 = tpu.memref_squeeze %dma_start3A_5 : memref<1x8192xf32, #tpu.memory_space<hbm>> -> memref<8192xf32, #tpu.memory_space<hbm>>
    %dma_start3A_7 = arith.constant 0 : i32
    %dma_start3A_8 = tpu.memref_slice %arg2[%mul3A_2, %dma_start3A_7] : memref<64x8192xf32, #tpu.memory_space<hbm>> -> memref<1x8192xf32, #tpu.memory_space<hbm>>
    %dma_start3A_9 = tpu.memref_squeeze %dma_start3A_8 : memref<1x8192xf32, #tpu.memory_space<hbm>> -> memref<8192xf32, #tpu.memory_space<hbm>>
    tpu.enqueue_dma source(%dma_start3A_9 : memref<8192xf32, #tpu.memory_space<hbm>>) target(%arg4 : memref<8192xf32, #tpu.memory_space<vmem>>) target_semaphore(%arg11 : memref<!tpu.dma_semaphore, #tpu.memory_space<semaphore_mem>>)
    %dma_start3A_10 = arith.constant 0 : i32
    %dma_start3A_11 = tpu.memref_slice %arg2[%add3A_4, %dma_start3A_10] : memref<64x8192xf32, #tpu.memory_space<hbm>> -> memref<1x8192xf32, #tpu.memory_space<hbm>>
    %dma_start3A_12 = tpu.memref_squeeze %dma_start3A_11 : memref<1x8192xf32, #tpu.memory_space<hbm>> -> memref<8192xf32, #tpu.memory_space<hbm>>
    %dma_start3A_13 = arith.constant 0 : i32
    %dma_start3A_14 = tpu.memref_slice %arg2[%add3A_4, %dma_start3A_13] : memref<64x8192xf32, #tpu.memory_space<hbm>> -> memref<1x8192xf32, #tpu.memory_space<hbm>>
    %dma_start3A_15 = tpu.memref_squeeze %dma_start3A_14 : memref<1x8192xf32, #tpu.memory_space<hbm>> -> memref<8192xf32, #tpu.memory_space<hbm>>
    tpu.enqueue_dma source(%dma_start3A_15 : memref<8192xf32, #tpu.memory_space<hbm>>) target(%arg5 : memref<8192xf32, #tpu.memory_space<vmem>>) target_semaphore(%arg12 : memref<!tpu.dma_semaphore, #tpu.memory_space<semaphore_mem>>)
    %dma_wait3A = arith.constant 0 : i32
    %dma_wait3A_16 = tpu.memref_slice %arg2[%mul3A_2, %dma_wait3A] : memref<64x8192xf32, #tpu.memory_space<hbm>> -> memref<1x8192xf32, #tpu.memory_space<hbm>>
    %dma_wait3A_17 = tpu.memref_squeeze %dma_wait3A_16 : memref<1x8192xf32, #tpu.memory_space<hbm>> -> memref<8192xf32, #tpu.memory_space<hbm>>
    %dma_wait3A_18 = arith.constant 0 : i32
    %dma_wait3A_19 = tpu.memref_slice %arg2[%mul3A_2, %dma_wait3A_18] : memref<64x8192xf32, #tpu.memory_space<hbm>> -> memref<1x8192xf32, #tpu.memory_space<hbm>>
    %dma_wait3A_20 = tpu.memref_squeeze %dma_wait3A_19 : memref<1x8192xf32, #tpu.memory_space<hbm>> -> memref<8192xf32, #tpu.memory_space<hbm>>
    tpu.wait_dma2 semaphore(%arg11 : memref<!tpu.dma_semaphore, #tpu.memory_space<semaphore_mem>>) src(%dma_wait3A_20 : memref<8192xf32, #tpu.memory_space<hbm>>) dst(%arg4 : memref<8192xf32, #tpu.memory_space<vmem>>)
    %broadcast_in_dim3A = arith.constant 0 : i32
    %broadcast_in_dim3A_21 = vector.broadcast %broadcast_in_dim3A : i32 to vector<16xi32>
    %iota3A = tpu.iota {dimensions = array<i32: 0>} : vector<16xi32>
    %scan3A = arith.constant 0 : i32
    %scan3A_22 = arith.constant 64 : i32
    %scan3A_23 = arith.addi %scan3A, %scan3A_22 : i32
    %scan3A_24 = arith.constant 1 : i32
    %scan3A_25 = scf.for %scan3A_255 = %scan3A to %scan3A_23 step %scan3A_24 iter_args(%scan3A_256 = %broadcast_in_dim3A_21) -> (vector<16xi32>)  : i32 {
      %mul3A_257 = arith.constant 8 : i32
      %mul3A_258 = arith.muli %scan3A_255, %mul3A_257 : i32
      %add3A_259 = arith.constant 0 : i32
      %add3A_260 = arith.addi %mul3A_258, %add3A_259 : i32
      %mul3A_261 = arith.constant 16 : i32
      %mul3A_262 = arith.muli %add3A_260, %mul3A_261 : i32
      %get3A = arith.index_cast %mul3A_262 : i32 to index
      %get3A_263 = tpu.vector_load %arg4[%get3A] {strides = array<i32>} : memref<8192xf32, #tpu.memory_space<vmem>>, vector<16xf32>,
      %bitcast_convert_type3A = tpu.bitcast %get3A_263 : vector<16xf32> -> vector<16xi32>
      %and3A_264 = arith.constant 2147483647 : i32
      %and3A_265 = vector.broadcast %and3A_264 : i32 to vector<16xi32>
      %and3A_266 = arith.andi %bitcast_convert_type3A, %and3A_265 : vector<16xi32>
      %ge3A_267 = arith.constant 1073741824 : i32
      %ge3A_268 = vector.broadcast %ge3A_267 : i32 to vector<16xi32>
      %ge3A_269 = arith.cmpi sge, %and3A_266, %ge3A_268 : vector<16xi32>
      %all_reduce_population_count3A = tpu.all_reduce %ge3A_269 {dim = 0 : i64, kind = #tpu.reduction_kind<sum>} : vector<16xi1> -> vector<16xi32>
      %mul3A_270 = arith.constant 16 : i32
      %mul3A_271 = arith.muli %add3A_260, %mul3A_270 : i32
      %swap3A = arith.index_cast %mul3A_271 : i32 to index
      %swap3A_272 = tpu.vector_load %arg9[%swap3A] {strides = array<i32>} : memref<8192xi32, #tpu.memory_space<vmem>>, vector<16xi32>,
      tpu.vector_store %arg9[%swap3A], %all_reduce_population_count3A {strides = array<i32>} : memref<8192xi32, #tpu.memory_space<vmem>>, vector<16xi32>,
      %add3A_273 = arith.addi %scan3A_256, %all_reduce_population_count3A : vector<16xi32>
      %mul3A_274 = arith.constant 8 : i32
      %mul3A_275 = arith.muli %scan3A_255, %mul3A_274 : i32
      %add3A_276 = arith.constant 1 : i32
      %add3A_277 = arith.addi %mul3A_275, %add3A_276 : i32
      %mul3A_278 = arith.constant 16 : i32
      %mul3A_279 = arith.muli %add3A_277, %mul3A_278 : i32
      %get3A_280 = arith.index_cast %mul3A_279 : i32 to index
      %get3A_281 = tpu.vector_load %arg4[%get3A_280] {strides = array<i32>} : memref<8192xf32, #tpu.memory_space<vmem>>, vector<16xf32>,
      %bitcast_convert_type3A_282 = tpu.bitcast %get3A_281 : vector<16xf32> -> vector<16xi32>
      %and3A_283 = arith.constant 2147483647 : i32
      %and3A_284 = vector.broadcast %and3A_283 : i32 to vector<16xi32>
      %and3A_285 = arith.andi %bitcast_convert_type3A_282, %and3A_284 : vector<16xi32>
      %ge3A_286 = arith.constant 1073741824 : i32
      %ge3A_287 = vector.broadcast %ge3A_286 : i32 to vector<16xi32>
      %ge3A_288 = arith.cmpi sge, %and3A_285, %ge3A_287 : vector<16xi32>
      %all_reduce_population_count3A_289 = tpu.all_reduce %ge3A_288 {dim = 0 : i64, kind = #tpu.reduction_kind<sum>} : vector<16xi1> -> vector<16xi32>
      %mul3A_290 = arith.constant 16 : i32
      %mul3A_291 = arith.muli %add3A_277, %mul3A_290 : i32
      %swap3A_292 = arith.index_cast %mul3A_291 : i32 to index
      %swap3A_293 = tpu.vector_load %arg9[%swap3A_292] {strides = array<i32>} : memref<8192xi32, #tpu.memory_space<vmem>>, vector<16xi32>,
      tpu.vector_store %arg9[%swap3A_292], %all_reduce_population_count3A_289 {strides = array<i32>} : memref<8192xi32, #tpu.memory_space<vmem>>, vector<16xi32>,
      %add3A_294 = arith.addi %add3A_273, %all_reduce_population_count3A_289 : vector<16xi32>
      %mul3A_295 = arith.constant 8 : i32
      %mul3A_296 = arith.muli %scan3A_255, %mul3A_295 : i32
      %add3A_297 = arith.constant 2 : i32
      %add3A_298 = arith.addi %mul3A_296, %add3A_297 : i32
      %mul3A_299 = arith.constant 16 : i32
      %mul3A_300 = arith.muli %add3A_298, %mul3A_299 : i32
      %get3A_301 = arith.index_cast %mul3A_300 : i32 to index
      %get3A_302 = tpu.vector_load %arg4[%get3A_301] {strides = array<i32>} : memref<8192xf32, #tpu.memory_space<vmem>>, vector<16xf32>,
      %bitcast_convert_type3A_303 = tpu.bitcast %get3A_302 : vector<16xf32> -> vector<16xi32>
      %and3A_304 = arith.constant 2147483647 : i32
      %and3A_305 = vector.broadcast %and3A_304 : i32 to vector<16xi32>
      %and3A_306 = arith.andi %bitcast_convert_type3A_303, %and3A_305 : vector<16xi32>
      %ge3A_307 = arith.constant 1073741824 : i32
      %ge3A_308 = vector.broadcast %ge3A_307 : i32 to vector<16xi32>
      %ge3A_309 = arith.cmpi sge, %and3A_306, %ge3A_308 : vector<16xi32>
      %all_reduce_population_count3A_310 = tpu.all_reduce %ge3A_309 {dim = 0 : i64, kind = #tpu.reduction_kind<sum>} : vector<16xi1> -> vector<16xi32>
      %mul3A_311 = arith.constant 16 : i32
      %mul3A_312 = arith.muli %add3A_298, %mul3A_311 : i32
      %swap3A_313 = arith.index_cast %mul3A_312 : i32 to index
      %swap3A_314 = tpu.vector_load %arg9[%swap3A_313] {strides = array<i32>} : memref<8192xi32, #tpu.memory_space<vmem>>, vector<16xi32>,
      tpu.vector_store %arg9[%swap3A_313], %all_reduce_population_count3A_310 {strides = array<i32>} : memref<8192xi32, #tpu.memory_space<vmem>>, vector<16xi32>,
      %add3A_315 = arith.addi %add3A_294, %all_reduce_population_count3A_310 : vector<16xi32>
      %mul3A_316 = arith.constant 8 : i32
      %mul3A_317 = arith.muli %scan3A_255, %mul3A_316 : i32
      %add3A_318 = arith.constant 3 : i32
      %add3A_319 = arith.addi %mul3A_317, %add3A_318 : i32
      %mul3A_320 = arith.constant 16 : i32
      %mul3A_321 = arith.muli %add3A_319, %mul3A_320 : i32
      %get3A_322 = arith.index_cast %mul3A_321 : i32 to index
      %get3A_323 = tpu.vector_load %arg4[%get3A_322] {strides = array<i32>} : memref<8192xf32, #tpu.memory_space<vmem>>, vector<16xf32>,
      %bitcast_convert_type3A_324 = tpu.bitcast %get3A_323 : vector<16xf32> -> vector<16xi32>
      %and3A_325 = arith.constant 2147483647 : i32
      %and3A_326 = vector.broadcast %and3A_325 : i32 to vector<16xi32>
      %and3A_327 = arith.andi %bitcast_convert_type3A_324, %and3A_326 : vector<16xi32>
      %ge3A_328 = arith.constant 1073741824 : i32
      %ge3A_329 = vector.broadcast %ge3A_328 : i32 to vector<16xi32>
      %ge3A_330 = arith.cmpi sge, %and3A_327, %ge3A_329 : vector<16xi32>
      %all_reduce_population_count3A_331 = tpu.all_reduce %ge3A_330 {dim = 0 : i64, kind = #tpu.reduction_kind<sum>} : vector<16xi1> -> vector<16xi32>
      %mul3A_332 = arith.constant 16 : i32
      %mul3A_333 = arith.muli %add3A_319, %mul3A_332 : i32
      %swap3A_334 = arith.index_cast %mul3A_333 : i32 to index
      %swap3A_335 = tpu.vector_load %arg9[%swap3A_334] {strides = array<i32>} : memref<8192xi32, #tpu.memory_space<vmem>>, vector<16xi32>,
      tpu.vector_store %arg9[%swap3A_334], %all_reduce_population_count3A_331 {strides = array<i32>} : memref<8192xi32, #tpu.memory_space<vmem>>, vector<16xi32>,
      %add3A_336 = arith.addi %add3A_315, %all_reduce_population_count3A_331 : vector<16xi32>
      %mul3A_337 = arith.constant 8 : i32
      %mul3A_338 = arith.muli %scan3A_255, %mul3A_337 : i32
      %add3A_339 = arith.constant 4 : i32
      %add3A_340 = arith.addi %mul3A_338, %add3A_339 : i32
      %mul3A_341 = arith.constant 16 : i32
      %mul3A_342 = arith.muli %add3A_340, %mul3A_341 : i32
      %get3A_343 = arith.index_cast %mul3A_342 : i32 to index
      %get3A_344 = tpu.vector_load %arg4[%get3A_343] {strides = array<i32>} : memref<8192xf32, #tpu.memory_space<vmem>>, vector<16xf32>,
      %bitcast_convert_type3A_345 = tpu.bitcast %get3A_344 : vector<16xf32> -> vector<16xi32>
      %and3A_346 = arith.constant 2147483647 : i32
      %and3A_347 = vector.broadcast %and3A_346 : i32 to vector<16xi32>
      %and3A_348 = arith.andi %bitcast_convert_type3A_345, %and3A_347 : vector<16xi32>
      %ge3A_349 = arith.constant 1073741824 : i32
      %ge3A_350 = vector.broadcast %ge3A_349 : i32 to vector<16xi32>
      %ge3A_351 = arith.cmpi sge, %and3A_348, %ge3A_350 : vector<16xi32>
      %all_reduce_population_count3A_352 = tpu.all_reduce %ge3A_351 {dim = 0 : i64, kind = #tpu.reduction_kind<sum>} : vector<16xi1> -> vector<16xi32>
      %mul3A_353 = arith.constant 16 : i32
      %mul3A_354 = arith.muli %add3A_340, %mul3A_353 : i32
      %swap3A_355 = arith.index_cast %mul3A_354 : i32 to index
      %swap3A_356 = tpu.vector_load %arg9[%swap3A_355] {strides = array<i32>} : memref<8192xi32, #tpu.memory_space<vmem>>, vector<16xi32>,
      tpu.vector_store %arg9[%swap3A_355], %all_reduce_population_count3A_352 {strides = array<i32>} : memref<8192xi32, #tpu.memory_space<vmem>>, vector<16xi32>,
      %add3A_357 = arith.addi %add3A_336, %all_reduce_population_count3A_352 : vector<16xi32>
      %mul3A_358 = arith.constant 8 : i32
      %mul3A_359 = arith.muli %scan3A_255, %mul3A_358 : i32
      %add3A_360 = arith.constant 5 : i32
      %add3A_361 = arith.addi %mul3A_359, %add3A_360 : i32
      %mul3A_362 = arith.constant 16 : i32
      %mul3A_363 = arith.muli %add3A_361, %mul3A_362 : i32
      %get3A_364 = arith.index_cast %mul3A_363 : i32 to index
      %get3A_365 = tpu.vector_load %arg4[%get3A_364] {strides = array<i32>} : memref<8192xf32, #tpu.memory_space<vmem>>, vector<16xf32>,
      %bitcast_convert_type3A_366 = tpu.bitcast %get3A_365 : vector<16xf32> -> vector<16xi32>
      %and3A_367 = arith.constant 2147483647 : i32
      %and3A_368 = vector.broadcast %and3A_367 : i32 to vector<16xi32>
      %and3A_369 = arith.andi %bitcast_convert_type3A_366, %and3A_368 : vector<16xi32>
      %ge3A_370 = arith.constant 1073741824 : i32
      %ge3A_371 = vector.broadcast %ge3A_370 : i32 to vector<16xi32>
      %ge3A_372 = arith.cmpi sge, %and3A_369, %ge3A_371 : vector<16xi32>
      %all_reduce_population_count3A_373 = tpu.all_reduce %ge3A_372 {dim = 0 : i64, kind = #tpu.reduction_kind<sum>} : vector<16xi1> -> vector<16xi32>
      %mul3A_374 = arith.constant 16 : i32
      %mul3A_375 = arith.muli %add3A_361, %mul3A_374 : i32
      %swap3A_376 = arith.index_cast %mul3A_375 : i32 to index
      %swap3A_377 = tpu.vector_load %arg9[%swap3A_376] {strides = array<i32>} : memref<8192xi32, #tpu.memory_space<vmem>>, vector<16xi32>,
      tpu.vector_store %arg9[%swap3A_376], %all_reduce_population_count3A_373 {strides = array<i32>} : memref<8192xi32, #tpu.memory_space<vmem>>, vector<16xi32>,
      %add3A_378 = arith.addi %add3A_357, %all_reduce_population_count3A_373 : vector<16xi32>
      %mul3A_379 = arith.constant 8 : i32
      %mul3A_380 = arith.muli %scan3A_255, %mul3A_379 : i32
      %add3A_381 = arith.constant 6 : i32
      %add3A_382 = arith.addi %mul3A_380, %add3A_381 : i32
      %mul3A_383 = arith.constant 16 : i32
      %mul3A_384 = arith.muli %add3A_382, %mul3A_383 : i32
      %get3A_385 = arith.index_cast %mul3A_384 : i32 to index
      %get3A_386 = tpu.vector_load %arg4[%get3A_385] {strides = array<i32>} : memref<8192xf32, #tpu.memory_space<vmem>>, vector<16xf32>,
      %bitcast_convert_type3A_387 = tpu.bitcast %get3A_386 : vector<16xf32> -> vector<16xi32>
      %and3A_388 = arith.constant 2147483647 : i32
      %and3A_389 = vector.broadcast %and3A_388 : i32 to vector<16xi32>
      %and3A_390 = arith.andi %bitcast_convert_type3A_387, %and3A_389 : vector<16xi32>
      %ge3A_391 = arith.constant 1073741824 : i32
      %ge3A_392 = vector.broadcast %ge3A_391 : i32 to vector<16xi32>
      %ge3A_393 = arith.cmpi sge, %and3A_390, %ge3A_392 : vector<16xi32>
      %all_reduce_population_count3A_394 = tpu.all_reduce %ge3A_393 {dim = 0 : i64, kind = #tpu.reduction_kind<sum>} : vector<16xi1> -> vector<16xi32>
      %mul3A_395 = arith.constant 16 : i32
      %mul3A_396 = arith.muli %add3A_382, %mul3A_395 : i32
      %swap3A_397 = arith.index_cast %mul3A_396 : i32 to index
      %swap3A_398 = tpu.vector_load %arg9[%swap3A_397] {strides = array<i32>} : memref<8192xi32, #tpu.memory_space<vmem>>, vector<16xi32>,
      tpu.vector_store %arg9[%swap3A_397], %all_reduce_population_count3A_394 {strides = array<i32>} : memref<8192xi32, #tpu.memory_space<vmem>>, vector<16xi32>,
      %add3A_399 = arith.addi %add3A_378, %all_reduce_population_count3A_394 : vector<16xi32>
      %mul3A_400 = arith.constant 8 : i32
      %mul3A_401 = arith.muli %scan3A_255, %mul3A_400 : i32
      %add3A_402 = arith.constant 7 : i32
      %add3A_403 = arith.addi %mul3A_401, %add3A_402 : i32
      %mul3A_404 = arith.constant 16 : i32
      %mul3A_405 = arith.muli %add3A_403, %mul3A_404 : i32
      %get3A_406 = arith.index_cast %mul3A_405 : i32 to index
      %get3A_407 = tpu.vector_load %arg4[%get3A_406] {strides = array<i32>} : memref<8192xf32, #tpu.memory_space<vmem>>, vector<16xf32>,
      %bitcast_convert_type3A_408 = tpu.bitcast %get3A_407 : vector<16xf32> -> vector<16xi32>
      %and3A_409 = arith.constant 2147483647 : i32
      %and3A_410 = vector.broadcast %and3A_409 : i32 to vector<16xi32>
      %and3A_411 = arith.andi %bitcast_convert_type3A_408, %and3A_410 : vector<16xi32>
      %ge3A_412 = arith.constant 1073741824 : i32
      %ge3A_413 = vector.broadcast %ge3A_412 : i32 to vector<16xi32>
      %ge3A_414 = arith.cmpi sge, %and3A_411, %ge3A_413 : vector<16xi32>
      %all_reduce_population_count3A_415 = tpu.all_reduce %ge3A_414 {dim = 0 : i64, kind = #tpu.reduction_kind<sum>} : vector<16xi1> -> vector<16xi32>
      %mul3A_416 = arith.constant 16 : i32
      %mul3A_417 = arith.muli %add3A_403, %mul3A_416 : i32
      %swap3A_418 = arith.index_cast %mul3A_417 : i32 to index
      %swap3A_419 = tpu.vector_load %arg9[%swap3A_418] {strides = array<i32>} : memref<8192xi32, #tpu.memory_space<vmem>>, vector<16xi32>,
      tpu.vector_store %arg9[%swap3A_418], %all_reduce_population_count3A_415 {strides = array<i32>} : memref<8192xi32, #tpu.memory_space<vmem>>, vector<16xi32>,
      %add3A_420 = arith.addi %add3A_399, %all_reduce_population_count3A_415 : vector<16xi32>
      scf.yield %add3A_420 : vector<16xi32>
    }
    %scan3A_26 = arith.constant 64 : i32
    %slice3A = vector.extract_strided_slice %scan3A_25 {offsets = [0], sizes = [1], strides = [1]} : vector<16xi32> to vector<1xi32>
    %squeeze3A = vector.extract %slice3A[0] : i32 from vector<1xi32>
    %ge3A = arith.constant 256 : i32
    %ge3A_27 = arith.cmpi sge, %squeeze3A, %ge3A : i32
    %jit3A = arith.constant 1073741824 : i32
    %jit3A_28 = arith.constant 0 : i32
    %select_n3A = arith.select %ge3A_27, %jit3A, %jit3A_28 : i32
    %jit3A_29 = arith.constant 2139095040 : i32
    %jit3A_30 = arith.constant 1073741824 : i32
    %select_n3A_31 = arith.select %ge3A_27, %jit3A_29, %jit3A_30 : i32
    %jit3A_32 = arith.constant 0 : i32
    %select_n3A_33 = arith.select %ge3A_27, %jit3A_32, %squeeze3A : i32
    %jit3A_34 = arith.constant 8192 : i32
    %select_n3A_35 = arith.select %ge3A_27, %squeeze3A, %jit3A_34 : i32
    %sub3A = arith.constant 8192 : i32
    %sub3A_36 = arith.subi %sub3A, %squeeze3A : i32
    %select_n3A_37 = arith.select %ge3A_27, %squeeze3A, %sub3A_36 : i32
    %scan3A_38 = arith.constant 0 : i32
    %scan3A_39 = arith.constant 0 : i32
    %scan3A_40 = arith.constant 32 : i32
    %scan3A_41 = arith.addi %scan3A_39, %scan3A_40 : i32
    %scan3A_42 = arith.constant 1 : i32
    %scan3A_43 = scf.for %scan3A_255 = %scan3A_39 to %scan3A_41 step %scan3A_42 iter_args(%scan3A_256 = %scan3A_38) -> (i32)  : i32 {
      %mul3A_257 = arith.constant 16 : i32
      %mul3A_258 = arith.muli %scan3A_255, %mul3A_257 : i32
      %add3A_259 = vector.broadcast %mul3A_258 : i32 to vector<16xi32>
      %add3A_260 = arith.addi %add3A_259, %iota3A : vector<16xi32>
      %mul3A_261 = arith.constant 16 : i32
      %mul3A_262 = vector.broadcast %mul3A_261 : i32 to vector<16xi32>
      %mul3A_263 = arith.muli %add3A_260, %mul3A_262 : vector<16xi32>
      %gather3A = tpu.vector_load_idx %arg9[%mul3A_263] : memref<8192xi32, #tpu.memory_space<vmem>>[vector<16xi32>], vector<16xi32>,
      %broadcast_in_dim3A_264 = arith.constant true
      %broadcast_in_dim3A_265 = vector.broadcast %broadcast_in_dim3A_264 : i1 to vector<16xi1>
      %masked_cumsum3A = tpu.scan <sum>, %gather3A masked %broadcast_in_dim3A_265 : vector<16xi32>, vector<16xi1> -> vector<16xi32>
      %sub3A_266 = arith.subi %masked_cumsum3A, %gather3A : vector<16xi32>
      %add3A_267 = vector.broadcast %scan3A_256 : i32 to vector<16xi32>
      %add3A_268 = arith.addi %sub3A_266, %add3A_267 : vector<16xi32>
      %mul3A_269 = arith.constant 16 : i32
      %mul3A_270 = arith.muli %scan3A_255, %mul3A_269 : i32
      %swap3A = arith.index_cast %mul3A_270 : i32 to index
      %swap3A_271 = tpu.vector_load %arg10[%swap3A] {strides = array<i32>} : memref<512xi32, #tpu.memory_space<vmem>>, vector<16xi32>,
      tpu.vector_store %arg10[%swap3A], %add3A_268 {strides = array<i32>} : memref<512xi32, #tpu.memory_space<vmem>>, vector<16xi32>,
      %slice3A_272 = vector.extract_strided_slice %masked_cumsum3A {offsets = [15], sizes = [1], strides = [1]} : vector<16xi32> to vector<1xi32>
      %squeeze3A_273 = vector.extract %slice3A_272[0] : i32 from vector<1xi32>
      %add3A_274 = arith.addi %scan3A_256, %squeeze3A_273 : i32
      scf.yield %add3A_274 : i32
    }
    %scan3A_44 = arith.constant 32 : i32
    %scan3A_45 = arith.constant 0 : i32
    %scan3A_46 = arith.constant 0 : i32
    %scan3A_47 = arith.constant 32 : i32
    %scan3A_48 = arith.addi %scan3A_46, %scan3A_47 : i32
    %scan3A_49 = arith.constant 1 : i32
    scf.for %scan3A_255 = %scan3A_46 to %scan3A_48 step %scan3A_49  : i32 {
      %mul3A_256 = arith.constant 16 : i32
      %mul3A_257 = arith.muli %scan3A_255, %mul3A_256 : i32
      %get3A = arith.index_cast %mul3A_257 : i32 to index
      %get3A_258 = tpu.vector_load %arg10[%get3A] {strides = array<i32>} : memref<512xi32, #tpu.memory_space<vmem>>, vector<16xi32>,
      %mul3A_259 = arith.constant 16 : i32
      %mul3A_260 = arith.muli %scan3A_255, %mul3A_259 : i32
      %add3A_261 = arith.constant 0 : i32
      %add3A_262 = arith.addi %mul3A_260, %add3A_261 : i32
      %mul3A_263 = arith.constant 16 : i32
      %mul3A_264 = arith.muli %add3A_262, %mul3A_263 : i32
      %get3A_265 = arith.index_cast %mul3A_264 : i32 to index
      %get3A_266 = tpu.vector_load %arg4[%get3A_265] {strides = array<i32>} : memref<8192xf32, #tpu.memory_space<vmem>>, vector<16xf32>,
      %bitcast_convert_type3A = tpu.bitcast %get3A_266 : vector<16xf32> -> vector<16xi32>
      %and3A_267 = arith.constant 2147483647 : i32
      %and3A_268 = vector.broadcast %and3A_267 : i32 to vector<16xi32>
      %and3A_269 = arith.andi %bitcast_convert_type3A, %and3A_268 : vector<16xi32>
      %ge3A_270 = arith.constant 1073741824 : i32
      %ge3A_271 = vector.broadcast %ge3A_270 : i32 to vector<16xi32>
      %ge3A_272 = arith.cmpi sge, %and3A_269, %ge3A_271 : vector<16xi32>
      %eq3A = vector.broadcast %ge3A_27 : i1 to vector<16xi1>
      %eq3A_273 = vector.broadcast %eq3A : vector<16xi1> to vector<16xi1>
      %eq3A_274 = arith.xori %ge3A_272, %eq3A_273 : vector<16xi1>
      %eq3A_275 = arith.constant dense<true> : vector<16xi1>
      %eq3A_276 = arith.xori %eq3A_274, %eq3A_275 : vector<16xi1>
      %slice3A_277 = vector.extract_strided_slice %get3A_258 {offsets = [0], sizes = [1], strides = [1]} : vector<16xi32> to vector<1xi32>
      %squeeze3A_278 = vector.extract %slice3A_277[0] : i32 from vector<1xi32>
      %mul3A_279 = arith.constant 16 : i32
      %mul3A_280 = arith.muli %add3A_262, %mul3A_279 : i32
      %sub3A_281 = arith.subi %mul3A_280, %squeeze3A_278 : i32
      %select_n3A_282 = arith.select %ge3A_27, %squeeze3A_278, %sub3A_281 : i32
      %swap3A = arith.index_cast %select_n3A_282 : i32 to index
      %swap3A_283 = tpu.vector_load %arg8[%swap3A] masked %eq3A_276 {strides = array<i32>} : memref<8320xi32, #tpu.memory_space<vmem>>, vector<16xi32>, vector<16xi1>
      tpu.vector_store %arg8[%swap3A], %and3A_269 masked %eq3A_276 {strides = array<i32>} : memref<8320xi32, #tpu.memory_space<vmem>>, vector<16xi32>, vector<16xi1>
      %mul3A_284 = arith.constant 16 : i32
      %mul3A_285 = arith.muli %scan3A_255, %mul3A_284 : i32
      %add3A_286 = arith.constant 1 : i32
      %add3A_287 = arith.addi %mul3A_285, %add3A_286 : i32
      %mul3A_288 = arith.constant 16 : i32
      %mul3A_289 = arith.muli %add3A_287, %mul3A_288 : i32
      %get3A_290 = arith.index_cast %mul3A_289 : i32 to index
      %get3A_291 = tpu.vector_load %arg4[%get3A_290] {strides = array<i32>} : memref<8192xf32, #tpu.memory_space<vmem>>, vector<16xf32>,
      %bitcast_convert_type3A_292 = tpu.bitcast %get3A_291 : vector<16xf32> -> vector<16xi32>
      %and3A_293 = arith.constant 2147483647 : i32
      %and3A_294 = vector.broadcast %and3A_293 : i32 to vector<16xi32>
      %and3A_295 = arith.andi %bitcast_convert_type3A_292, %and3A_294 : vector<16xi32>
      %ge3A_296 = arith.constant 1073741824 : i32
      %ge3A_297 = vector.broadcast %ge3A_296 : i32 to vector<16xi32>
      %ge3A_298 = arith.cmpi sge, %and3A_295, %ge3A_297 : vector<16xi32>
      %eq3A_299 = vector.broadcast %ge3A_27 : i1 to vector<16xi1>
      %eq3A_300 = vector.broadcast %eq3A_299 : vector<16xi1> to vector<16xi1>
      %eq3A_301 = arith.xori %ge3A_298, %eq3A_300 : vector<16xi1>
      %eq3A_302 = arith.constant dense<true> : vector<16xi1>
      %eq3A_303 = arith.xori %eq3A_301, %eq3A_302 : vector<16xi1>
      %slice3A_304 = vector.extract_strided_slice %get3A_258 {offsets = [1], sizes = [1], strides = [1]} : vector<16xi32> to vector<1xi32>
      %squeeze3A_305 = vector.extract %slice3A_304[0] : i32 from vector<1xi32>
      %mul3A_306 = arith.constant 16 : i32
      %mul3A_307 = arith.muli %add3A_287, %mul3A_306 : i32
      %sub3A_308 = arith.subi %mul3A_307, %squeeze3A_305 : i32
      %select_n3A_309 = arith.select %ge3A_27, %squeeze3A_305, %sub3A_308 : i32
      %swap3A_310 = arith.index_cast %select_n3A_309 : i32 to index
      %swap3A_311 = tpu.vector_load %arg8[%swap3A_310] masked %eq3A_303 {strides = array<i32>} : memref<8320xi32, #tpu.memory_space<vmem>>, vector<16xi32>, vector<16xi1>
      tpu.vector_store %arg8[%swap3A_310], %and3A_295 masked %eq3A_303 {strides = array<i32>} : memref<8320xi32, #tpu.memory_space<vmem>>, vector<16xi32>, vector<16xi1>
      %mul3A_312 = arith.constant 16 : i32
      %mul3A_313 = arith.muli %scan3A_255, %mul3A_312 : i32
      %add3A_314 = arith.constant 2 : i32
      %add3A_315 = arith.addi %mul3A_313, %add3A_314 : i32
      %mul3A_316 = arith.constant 16 : i32
      %mul3A_317 = arith.muli %add3A_315, %mul3A_316 : i32
      %get3A_318 = arith.index_cast %mul3A_317 : i32 to index
      %get3A_319 = tpu.vector_load %arg4[%get3A_318] {strides = array<i32>} : memref<8192xf32, #tpu.memory_space<vmem>>, vector<16xf32>,
      %bitcast_convert_type3A_320 = tpu.bitcast %get3A_319 : vector<16xf32> -> vector<16xi32>
      %and3A_321 = arith.constant 2147483647 : i32
      %and3A_322 = vector.broadcast %and3A_321 : i32 to vector<16xi32>
      %and3A_323 = arith.andi %bitcast_convert_type3A_320, %and3A_322 : vector<16xi32>
      %ge3A_324 = arith.constant 1073741824 : i32
      %ge3A_325 = vector.broadcast %ge3A_324 : i32 to vector<16xi32>
      %ge3A_326 = arith.cmpi sge, %and3A_323, %ge3A_325 : vector<16xi32>
      %eq3A_327 = vector.broadcast %ge3A_27 : i1 to vector<16xi1>
      %eq3A_328 = vector.broadcast %eq3A_327 : vector<16xi1> to vector<16xi1>
      %eq3A_329 = arith.xori %ge3A_326, %eq3A_328 : vector<16xi1>
      %eq3A_330 = arith.constant dense<true> : vector<16xi1>
      %eq3A_331 = arith.xori %eq3A_329, %eq3A_330 : vector<16xi1>
      %slice3A_332 = vector.extract_strided_slice %get3A_258 {offsets = [2], sizes = [1], strides = [1]} : vector<16xi32> to vector<1xi32>
      %squeeze3A_333 = vector.extract %slice3A_332[0] : i32 from vector<1xi32>
      %mul3A_334 = arith.constant 16 : i32
      %mul3A_335 = arith.muli %add3A_315, %mul3A_334 : i32
      %sub3A_336 = arith.subi %mul3A_335, %squeeze3A_333 : i32
      %select_n3A_337 = arith.select %ge3A_27, %squeeze3A_333, %sub3A_336 : i32
      %swap3A_338 = arith.index_cast %select_n3A_337 : i32 to index
      %swap3A_339 = tpu.vector_load %arg8[%swap3A_338] masked %eq3A_331 {strides = array<i32>} : memref<8320xi32, #tpu.memory_space<vmem>>, vector<16xi32>, vector<16xi1>
      tpu.vector_store %arg8[%swap3A_338], %and3A_323 masked %eq3A_331 {strides = array<i32>} : memref<8320xi32, #tpu.memory_space<vmem>>, vector<16xi32>, vector<16xi1>
      %mul3A_340 = arith.constant 16 : i32
      %mul3A_341 = arith.muli %scan3A_255, %mul3A_340 : i32
      %add3A_342 = arith.constant 3 : i32
      %add3A_343 = arith.addi %mul3A_341, %add3A_342 : i32
      %mul3A_344 = arith.constant 16 : i32
      %mul3A_345 = arith.muli %add3A_343, %mul3A_344 : i32
      %get3A_346 = arith.index_cast %mul3A_345 : i32 to index
      %get3A_347 = tpu.vector_load %arg4[%get3A_346] {strides = array<i32>} : memref<8192xf32, #tpu.memory_space<vmem>>, vector<16xf32>,
      %bitcast_convert_type3A_348 = tpu.bitcast %get3A_347 : vector<16xf32> -> vector<16xi32>
      %and3A_349 = arith.constant 2147483647 : i32
      %and3A_350 = vector.broadcast %and3A_349 : i32 to vector<16xi32>
      %and3A_351 = arith.andi %bitcast_convert_type3A_348, %and3A_350 : vector<16xi32>
      %ge3A_352 = arith.constant 1073741824 : i32
      %ge3A_353 = vector.broadcast %ge3A_352 : i32 to vector<16xi32>
      %ge3A_354 = arith.cmpi sge, %and3A_351, %ge3A_353 : vector<16xi32>
      %eq3A_355 = vector.broadcast %ge3A_27 : i1 to vector<16xi1>
      %eq3A_356 = vector.broadcast %eq3A_355 : vector<16xi1> to vector<16xi1>
      %eq3A_357 = arith.xori %ge3A_354, %eq3A_356 : vector<16xi1>
      %eq3A_358 = arith.constant dense<true> : vector<16xi1>
      %eq3A_359 = arith.xori %eq3A_357, %eq3A_358 : vector<16xi1>
      %slice3A_360 = vector.extract_strided_slice %get3A_258 {offsets = [3], sizes = [1], strides = [1]} : vector<16xi32> to vector<1xi32>
      %squeeze3A_361 = vector.extract %slice3A_360[0] : i32 from vector<1xi32>
      %mul3A_362 = arith.constant 16 : i32
      %mul3A_363 = arith.muli %add3A_343, %mul3A_362 : i32
      %sub3A_364 = arith.subi %mul3A_363, %squeeze3A_361 : i32
      %select_n3A_365 = arith.select %ge3A_27, %squeeze3A_361, %sub3A_364 : i32
      %swap3A_366 = arith.index_cast %select_n3A_365 : i32 to index
      %swap3A_367 = tpu.vector_load %arg8[%swap3A_366] masked %eq3A_359 {strides = array<i32>} : memref<8320xi32, #tpu.memory_space<vmem>>, vector<16xi32>, vector<16xi1>
      tpu.vector_store %arg8[%swap3A_366], %and3A_351 masked %eq3A_359 {strides = array<i32>} : memref<8320xi32, #tpu.memory_space<vmem>>, vector<16xi32>, vector<16xi1>
      %mul3A_368 = arith.constant 16 : i32
      %mul3A_369 = arith.muli %scan3A_255, %mul3A_368 : i32
      %add3A_370 = arith.constant 4 : i32
      %add3A_371 = arith.addi %mul3A_369, %add3A_370 : i32
      %mul3A_372 = arith.constant 16 : i32
      %mul3A_373 = arith.muli %add3A_371, %mul3A_372 : i32
      %get3A_374 = arith.index_cast %mul3A_373 : i32 to index
      %get3A_375 = tpu.vector_load %arg4[%get3A_374] {strides = array<i32>} : memref<8192xf32, #tpu.memory_space<vmem>>, vector<16xf32>,
      %bitcast_convert_type3A_376 = tpu.bitcast %get3A_375 : vector<16xf32> -> vector<16xi32>
      %and3A_377 = arith.constant 2147483647 : i32
      %and3A_378 = vector.broadcast %and3A_377 : i32 to vector<16xi32>
      %and3A_379 = arith.andi %bitcast_convert_type3A_376, %and3A_378 : vector<16xi32>
      %ge3A_380 = arith.constant 1073741824 : i32
      %ge3A_381 = vector.broadcast %ge3A_380 : i32 to vector<16xi32>
      %ge3A_382 = arith.cmpi sge, %and3A_379, %ge3A_381 : vector<16xi32>
      %eq3A_383 = vector.broadcast %ge3A_27 : i1 to vector<16xi1>
      %eq3A_384 = vector.broadcast %eq3A_383 : vector<16xi1> to vector<16xi1>
      %eq3A_385 = arith.xori %ge3A_382, %eq3A_384 : vector<16xi1>
      %eq3A_386 = arith.constant dense<true> : vector<16xi1>
      %eq3A_387 = arith.xori %eq3A_385, %eq3A_386 : vector<16xi1>
      %slice3A_388 = vector.extract_strided_slice %get3A_258 {offsets = [4], sizes = [1], strides = [1]} : vector<16xi32> to vector<1xi32>
      %squeeze3A_389 = vector.extract %slice3A_388[0] : i32 from vector<1xi32>
      %mul3A_390 = arith.constant 16 : i32
      %mul3A_391 = arith.muli %add3A_371, %mul3A_390 : i32
      %sub3A_392 = arith.subi %mul3A_391, %squeeze3A_389 : i32
      %select_n3A_393 = arith.select %ge3A_27, %squeeze3A_389, %sub3A_392 : i32
      %swap3A_394 = arith.index_cast %select_n3A_393 : i32 to index
      %swap3A_395 = tpu.vector_load %arg8[%swap3A_394] masked %eq3A_387 {strides = array<i32>} : memref<8320xi32, #tpu.memory_space<vmem>>, vector<16xi32>, vector<16xi1>
      tpu.vector_store %arg8[%swap3A_394], %and3A_379 masked %eq3A_387 {strides = array<i32>} : memref<8320xi32, #tpu.memory_space<vmem>>, vector<16xi32>, vector<16xi1>
      %mul3A_396 = arith.constant 16 : i32
      %mul3A_397 = arith.muli %scan3A_255, %mul3A_396 : i32
      %add3A_398 = arith.constant 5 : i32
      %add3A_399 = arith.addi %mul3A_397, %add3A_398 : i32
      %mul3A_400 = arith.constant 16 : i32
      %mul3A_401 = arith.muli %add3A_399, %mul3A_400 : i32
      %get3A_402 = arith.index_cast %mul3A_401 : i32 to index
      %get3A_403 = tpu.vector_load %arg4[%get3A_402] {strides = array<i32>} : memref<8192xf32, #tpu.memory_space<vmem>>, vector<16xf32>,
      %bitcast_convert_type3A_404 = tpu.bitcast %get3A_403 : vector<16xf32> -> vector<16xi32>
      %and3A_405 = arith.constant 2147483647 : i32
      %and3A_406 = vector.broadcast %and3A_405 : i32 to vector<16xi32>
      %and3A_407 = arith.andi %bitcast_convert_type3A_404, %and3A_406 : vector<16xi32>
      %ge3A_408 = arith.constant 1073741824 : i32
      %ge3A_409 = vector.broadcast %ge3A_408 : i32 to vector<16xi32>
      %ge3A_410 = arith.cmpi sge, %and3A_407, %ge3A_409 : vector<16xi32>
      %eq3A_411 = vector.broadcast %ge3A_27 : i1 to vector<16xi1>
      %eq3A_412 = vector.broadcast %eq3A_411 : vector<16xi1> to vector<16xi1>
      %eq3A_413 = arith.xori %ge3A_410, %eq3A_412 : vector<16xi1>
      %eq3A_414 = arith.constant dense<true> : vector<16xi1>
      %eq3A_415 = arith.xori %eq3A_413, %eq3A_414 : vector<16xi1>
      %slice3A_416 = vector.extract_strided_slice %get3A_258 {offsets = [5], sizes = [1], strides = [1]} : vector<16xi32> to vector<1xi32>
      %squeeze3A_417 = vector.extract %slice3A_416[0] : i32 from vector<1xi32>
      %mul3A_418 = arith.constant 16 : i32
      %mul3A_419 = arith.muli %add3A_399, %mul3A_418 : i32
      %sub3A_420 = arith.subi %mul3A_419, %squeeze3A_417 : i32
      %select_n3A_421 = arith.select %ge3A_27, %squeeze3A_417, %sub3A_420 : i32
      %swap3A_422 = arith.index_cast %select_n3A_421 : i32 to index
      %swap3A_423 = tpu.vector_load %arg8[%swap3A_422] masked %eq3A_415 {strides = array<i32>} : memref<8320xi32, #tpu.memory_space<vmem>>, vector<16xi32>, vector<16xi1>
      tpu.vector_store %arg8[%swap3A_422], %and3A_407 masked %eq3A_415 {strides = array<i32>} : memref<8320xi32, #tpu.memory_space<vmem>>, vector<16xi32>, vector<16xi1>
      %mul3A_424 = arith.constant 16 : i32
      %mul3A_425 = arith.muli %scan3A_255, %mul3A_424 : i32
      %add3A_426 = arith.constant 6 : i32
      %add3A_427 = arith.addi %mul3A_425, %add3A_426 : i32
      %mul3A_428 = arith.constant 16 : i32
      %mul3A_429 = arith.muli %add3A_427, %mul3A_428 : i32
      %get3A_430 = arith.index_cast %mul3A_429 : i32 to index
      %get3A_431 = tpu.vector_load %arg4[%get3A_430] {strides = array<i32>} : memref<8192xf32, #tpu.memory_space<vmem>>, vector<16xf32>,
      %bitcast_convert_type3A_432 = tpu.bitcast %get3A_431 : vector<16xf32> -> vector<16xi32>
      %and3A_433 = arith.constant 2147483647 : i32
      %and3A_434 = vector.broadcast %and3A_433 : i32 to vector<16xi32>
      %and3A_435 = arith.andi %bitcast_convert_type3A_432, %and3A_434 : vector<16xi32>
      %ge3A_436 = arith.constant 1073741824 : i32
      %ge3A_437 = vector.broadcast %ge3A_436 : i32 to vector<16xi32>
      %ge3A_438 = arith.cmpi sge, %and3A_435, %ge3A_437 : vector<16xi32>
      %eq3A_439 = vector.broadcast %ge3A_27 : i1 to vector<16xi1>
      %eq3A_440 = vector.broadcast %eq3A_439 : vector<16xi1> to vector<16xi1>
      %eq3A_441 = arith.xori %ge3A_438, %eq3A_440 : vector<16xi1>
      %eq3A_442 = arith.constant dense<true> : vector<16xi1>
      %eq3A_443 = arith.xori %eq3A_441, %eq3A_442 : vector<16xi1>
      %slice3A_444 = vector.extract_strided_slice %get3A_258 {offsets = [6], sizes = [1], strides = [1]} : vector<16xi32> to vector<1xi32>
      %squeeze3A_445 = vector.extract %slice3A_444[0] : i32 from vector<1xi32>
      %mul3A_446 = arith.constant 16 : i32
      %mul3A_447 = arith.muli %add3A_427, %mul3A_446 : i32
      %sub3A_448 = arith.subi %mul3A_447, %squeeze3A_445 : i32
      %select_n3A_449 = arith.select %ge3A_27, %squeeze3A_445, %sub3A_448 : i32
      %swap3A_450 = arith.index_cast %select_n3A_449 : i32 to index
      %swap3A_451 = tpu.vector_load %arg8[%swap3A_450] masked %eq3A_443 {strides = array<i32>} : memref<8320xi32, #tpu.memory_space<vmem>>, vector<16xi32>, vector<16xi1>
      tpu.vector_store %arg8[%swap3A_450], %and3A_435 masked %eq3A_443 {strides = array<i32>} : memref<8320xi32, #tpu.memory_space<vmem>>, vector<16xi32>, vector<16xi1>
      %mul3A_452 = arith.constant 16 : i32
      %mul3A_453 = arith.muli %scan3A_255, %mul3A_452 : i32
      %add3A_454 = arith.constant 7 : i32
      %add3A_455 = arith.addi %mul3A_453, %add3A_454 : i32
      %mul3A_456 = arith.constant 16 : i32
      %mul3A_457 = arith.muli %add3A_455, %mul3A_456 : i32
      %get3A_458 = arith.index_cast %mul3A_457 : i32 to index
      %get3A_459 = tpu.vector_load %arg4[%get3A_458] {strides = array<i32>} : memref<8192xf32, #tpu.memory_space<vmem>>, vector<16xf32>,
      %bitcast_convert_type3A_460 = tpu.bitcast %get3A_459 : vector<16xf32> -> vector<16xi32>
      %and3A_461 = arith.constant 2147483647 : i32
      %and3A_462 = vector.broadcast %and3A_461 : i32 to vector<16xi32>
      %and3A_463 = arith.andi %bitcast_convert_type3A_460, %and3A_462 : vector<16xi32>
      %ge3A_464 = arith.constant 1073741824 : i32
      %ge3A_465 = vector.broadcast %ge3A_464 : i32 to vector<16xi32>
      %ge3A_466 = arith.cmpi sge, %and3A_463, %ge3A_465 : vector<16xi32>
      %eq3A_467 = vector.broadcast %ge3A_27 : i1 to vector<16xi1>
      %eq3A_468 = vector.broadcast %eq3A_467 : vector<16xi1> to vector<16xi1>
      %eq3A_469 = arith.xori %ge3A_466, %eq3A_468 : vector<16xi1>
      %eq3A_470 = arith.constant dense<true> : vector<16xi1>
      %eq3A_471 = arith.xori %eq3A_469, %eq3A_470 : vector<16xi1>
      %slice3A_472 = vector.extract_strided_slice %get3A_258 {offsets = [7], sizes = [1], strides = [1]} : vector<16xi32> to vector<1xi32>
      %squeeze3A_473 = vector.extract %slice3A_472[0] : i32 from vector<1xi32>
      %mul3A_474 = arith.constant 16 : i32
      %mul3A_475 = arith.muli %add3A_455, %mul3A_474 : i32
      %sub3A_476 = arith.subi %mul3A_475, %squeeze3A_473 : i32
      %select_n3A_477 = arith.select %ge3A_27, %squeeze3A_473, %sub3A_476 : i32
      %swap3A_478 = arith.index_cast %select_n3A_477 : i32 to index
      %swap3A_479 = tpu.vector_load %arg8[%swap3A_478] masked %eq3A_471 {strides = array<i32>} : memref<8320xi32, #tpu.memory_space<vmem>>, vector<16xi32>, vector<16xi1>
      tpu.vector_store %arg8[%swap3A_478], %and3A_463 masked %eq3A_471 {strides = array<i32>} : memref<8320xi32, #tpu.memory_space<vmem>>, vector<16xi32>, vector<16xi1>
      %mul3A_480 = arith.constant 16 : i32
      %mul3A_481 = arith.muli %scan3A_255, %mul3A_480 : i32
      %add3A_482 = arith.constant 8 : i32
      %add3A_483 = arith.addi %mul3A_481, %add3A_482 : i32
      %mul3A_484 = arith.constant 16 : i32
      %mul3A_485 = arith.muli %add3A_483, %mul3A_484 : i32
      %get3A_486 = arith.index_cast %mul3A_485 : i32 to index
      %get3A_487 = tpu.vector_load %arg4[%get3A_486] {strides = array<i32>} : memref<8192xf32, #tpu.memory_space<vmem>>, vector<16xf32>,
      %bitcast_convert_type3A_488 = tpu.bitcast %get3A_487 : vector<16xf32> -> vector<16xi32>
      %and3A_489 = arith.constant 2147483647 : i32
      %and3A_490 = vector.broadcast %and3A_489 : i32 to vector<16xi32>
      %and3A_491 = arith.andi %bitcast_convert_type3A_488, %and3A_490 : vector<16xi32>
      %ge3A_492 = arith.constant 1073741824 : i32
      %ge3A_493 = vector.broadcast %ge3A_492 : i32 to vector<16xi32>
      %ge3A_494 = arith.cmpi sge, %and3A_491, %ge3A_493 : vector<16xi32>
      %eq3A_495 = vector.broadcast %ge3A_27 : i1 to vector<16xi1>
      %eq3A_496 = vector.broadcast %eq3A_495 : vector<16xi1> to vector<16xi1>
      %eq3A_497 = arith.xori %ge3A_494, %eq3A_496 : vector<16xi1>
      %eq3A_498 = arith.constant dense<true> : vector<16xi1>
      %eq3A_499 = arith.xori %eq3A_497, %eq3A_498 : vector<16xi1>
      %slice3A_500 = vector.extract_strided_slice %get3A_258 {offsets = [8], sizes = [1], strides = [1]} : vector<16xi32> to vector<1xi32>
      %squeeze3A_501 = vector.extract %slice3A_500[0] : i32 from vector<1xi32>
      %mul3A_502 = arith.constant 16 : i32
      %mul3A_503 = arith.muli %add3A_483, %mul3A_502 : i32
      %sub3A_504 = arith.subi %mul3A_503, %squeeze3A_501 : i32
      %select_n3A_505 = arith.select %ge3A_27, %squeeze3A_501, %sub3A_504 : i32
      %swap3A_506 = arith.index_cast %select_n3A_505 : i32 to index
      %swap3A_507 = tpu.vector_load %arg8[%swap3A_506] masked %eq3A_499 {strides = array<i32>} : memref<8320xi32, #tpu.memory_space<vmem>>, vector<16xi32>, vector<16xi1>
      tpu.vector_store %arg8[%swap3A_506], %and3A_491 masked %eq3A_499 {strides = array<i32>} : memref<8320xi32, #tpu.memory_space<vmem>>, vector<16xi32>, vector<16xi1>
      %mul3A_508 = arith.constant 16 : i32
      %mul3A_509 = arith.muli %scan3A_255, %mul3A_508 : i32
      %add3A_510 = arith.constant 9 : i32
      %add3A_511 = arith.addi %mul3A_509, %add3A_510 : i32
      %mul3A_512 = arith.constant 16 : i32
      %mul3A_513 = arith.muli %add3A_511, %mul3A_512 : i32
      %get3A_514 = arith.index_cast %mul3A_513 : i32 to index
      %get3A_515 = tpu.vector_load %arg4[%get3A_514] {strides = array<i32>} : memref<8192xf32, #tpu.memory_space<vmem>>, vector<16xf32>,
      %bitcast_convert_type3A_516 = tpu.bitcast %get3A_515 : vector<16xf32> -> vector<16xi32>
      %and3A_517 = arith.constant 2147483647 : i32
      %and3A_518 = vector.broadcast %and3A_517 : i32 to vector<16xi32>
      %and3A_519 = arith.andi %bitcast_convert_type3A_516, %and3A_518 : vector<16xi32>
      %ge3A_520 = arith.constant 1073741824 : i32
      %ge3A_521 = vector.broadcast %ge3A_520 : i32 to vector<16xi32>
      %ge3A_522 = arith.cmpi sge, %and3A_519, %ge3A_521 : vector<16xi32>
      %eq3A_523 = vector.broadcast %ge3A_27 : i1 to vector<16xi1>
      %eq3A_524 = vector.broadcast %eq3A_523 : vector<16xi1> to vector<16xi1>
      %eq3A_525 = arith.xori %ge3A_522, %eq3A_524 : vector<16xi1>
      %eq3A_526 = arith.constant dense<true> : vector<16xi1>
      %eq3A_527 = arith.xori %eq3A_525, %eq3A_526 : vector<16xi1>
      %slice3A_528 = vector.extract_strided_slice %get3A_258 {offsets = [9], sizes = [1], strides = [1]} : vector<16xi32> to vector<1xi32>
      %squeeze3A_529 = vector.extract %slice3A_528[0] : i32 from vector<1xi32>
      %mul3A_530 = arith.constant 16 : i32
      %mul3A_531 = arith.muli %add3A_511, %mul3A_530 : i32
      %sub3A_532 = arith.subi %mul3A_531, %squeeze3A_529 : i32
      %select_n3A_533 = arith.select %ge3A_27, %squeeze3A_529, %sub3A_532 : i32
      %swap3A_534 = arith.index_cast %select_n3A_533 : i32 to index
      %swap3A_535 = tpu.vector_load %arg8[%swap3A_534] masked %eq3A_527 {strides = array<i32>} : memref<8320xi32, #tpu.memory_space<vmem>>, vector<16xi32>, vector<16xi1>
      tpu.vector_store %arg8[%swap3A_534], %and3A_519 masked %eq3A_527 {strides = array<i32>} : memref<8320xi32, #tpu.memory_space<vmem>>, vector<16xi32>, vector<16xi1>
      %mul3A_536 = arith.constant 16 : i32
      %mul3A_537 = arith.muli %scan3A_255, %mul3A_536 : i32
      %add3A_538 = arith.constant 10 : i32
      %add3A_539 = arith.addi %mul3A_537, %add3A_538 : i32
      %mul3A_540 = arith.constant 16 : i32
      %mul3A_541 = arith.muli %add3A_539, %mul3A_540 : i32
      %get3A_542 = arith.index_cast %mul3A_541 : i32 to index
      %get3A_543 = tpu.vector_load %arg4[%get3A_542] {strides = array<i32>} : memref<8192xf32, #tpu.memory_space<vmem>>, vector<16xf32>,
      %bitcast_convert_type3A_544 = tpu.bitcast %get3A_543 : vector<16xf32> -> vector<16xi32>
      %and3A_545 = arith.constant 2147483647 : i32
      %and3A_546 = vector.broadcast %and3A_545 : i32 to vector<16xi32>
      %and3A_547 = arith.andi %bitcast_convert_type3A_544, %and3A_546 : vector<16xi32>
      %ge3A_548 = arith.constant 1073741824 : i32
      %ge3A_549 = vector.broadcast %ge3A_548 : i32 to vector<16xi32>
      %ge3A_550 = arith.cmpi sge, %and3A_547, %ge3A_549 : vector<16xi32>
      %eq3A_551 = vector.broadcast %ge3A_27 : i1 to vector<16xi1>
      %eq3A_552 = vector.broadcast %eq3A_551 : vector<16xi1> to vector<16xi1>
      %eq3A_553 = arith.xori %ge3A_550, %eq3A_552 : vector<16xi1>
      %eq3A_554 = arith.constant dense<true> : vector<16xi1>
      %eq3A_555 = arith.xori %eq3A_553, %eq3A_554 : vector<16xi1>
      %slice3A_556 = vector.extract_strided_slice %get3A_258 {offsets = [10], sizes = [1], strides = [1]} : vector<16xi32> to vector<1xi32>
      %squeeze3A_557 = vector.extract %slice3A_556[0] : i32 from vector<1xi32>
      %mul3A_558 = arith.constant 16 : i32
      %mul3A_559 = arith.muli %add3A_539, %mul3A_558 : i32
      %sub3A_560 = arith.subi %mul3A_559, %squeeze3A_557 : i32
      %select_n3A_561 = arith.select %ge3A_27, %squeeze3A_557, %sub3A_560 : i32
      %swap3A_562 = arith.index_cast %select_n3A_561 : i32 to index
      %swap3A_563 = tpu.vector_load %arg8[%swap3A_562] masked %eq3A_555 {strides = array<i32>} : memref<8320xi32, #tpu.memory_space<vmem>>, vector<16xi32>, vector<16xi1>
      tpu.vector_store %arg8[%swap3A_562], %and3A_547 masked %eq3A_555 {strides = array<i32>} : memref<8320xi32, #tpu.memory_space<vmem>>, vector<16xi32>, vector<16xi1>
      %mul3A_564 = arith.constant 16 : i32
      %mul3A_565 = arith.muli %scan3A_255, %mul3A_564 : i32
      %add3A_566 = arith.constant 11 : i32
      %add3A_567 = arith.addi %mul3A_565, %add3A_566 : i32
      %mul3A_568 = arith.constant 16 : i32
      %mul3A_569 = arith.muli %add3A_567, %mul3A_568 : i32
      %get3A_570 = arith.index_cast %mul3A_569 : i32 to index
      %get3A_571 = tpu.vector_load %arg4[%get3A_570] {strides = array<i32>} : memref<8192xf32, #tpu.memory_space<vmem>>, vector<16xf32>,
      %bitcast_convert_type3A_572 = tpu.bitcast %get3A_571 : vector<16xf32> -> vector<16xi32>
      %and3A_573 = arith.constant 2147483647 : i32
      %and3A_574 = vector.broadcast %and3A_573 : i32 to vector<16xi32>
      %and3A_575 = arith.andi %bitcast_convert_type3A_572, %and3A_574 : vector<16xi32>
      %ge3A_576 = arith.constant 1073741824 : i32
      %ge3A_577 = vector.broadcast %ge3A_576 : i32 to vector<16xi32>
      %ge3A_578 = arith.cmpi sge, %and3A_575, %ge3A_577 : vector<16xi32>
      %eq3A_579 = vector.broadcast %ge3A_27 : i1 to vector<16xi1>
      %eq3A_580 = vector.broadcast %eq3A_579 : vector<16xi1> to vector<16xi1>
      %eq3A_581 = arith.xori %ge3A_578, %eq3A_580 : vector<16xi1>
      %eq3A_582 = arith.constant dense<true> : vector<16xi1>
      %eq3A_583 = arith.xori %eq3A_581, %eq3A_582 : vector<16xi1>
      %slice3A_584 = vector.extract_strided_slice %get3A_258 {offsets = [11], sizes = [1], strides = [1]} : vector<16xi32> to vector<1xi32>
      %squeeze3A_585 = vector.extract %slice3A_584[0] : i32 from vector<1xi32>
      %mul3A_586 = arith.constant 16 : i32
      %mul3A_587 = arith.muli %add3A_567, %mul3A_586 : i32
      %sub3A_588 = arith.subi %mul3A_587, %squeeze3A_585 : i32
      %select_n3A_589 = arith.select %ge3A_27, %squeeze3A_585, %sub3A_588 : i32
      %swap3A_590 = arith.index_cast %select_n3A_589 : i32 to index
      %swap3A_591 = tpu.vector_load %arg8[%swap3A_590] masked %eq3A_583 {strides = array<i32>} : memref<8320xi32, #tpu.memory_space<vmem>>, vector<16xi32>, vector<16xi1>
      tpu.vector_store %arg8[%swap3A_590], %and3A_575 masked %eq3A_583 {strides = array<i32>} : memref<8320xi32, #tpu.memory_space<vmem>>, vector<16xi32>, vector<16xi1>
      %mul3A_592 = arith.constant 16 : i32
      %mul3A_593 = arith.muli %scan3A_255, %mul3A_592 : i32
      %add3A_594 = arith.constant 12 : i32
      %add3A_595 = arith.addi %mul3A_593, %add3A_594 : i32
      %mul3A_596 = arith.constant 16 : i32
      %mul3A_597 = arith.muli %add3A_595, %mul3A_596 : i32
      %get3A_598 = arith.index_cast %mul3A_597 : i32 to index
      %get3A_599 = tpu.vector_load %arg4[%get3A_598] {strides = array<i32>} : memref<8192xf32, #tpu.memory_space<vmem>>, vector<16xf32>,
      %bitcast_convert_type3A_600 = tpu.bitcast %get3A_599 : vector<16xf32> -> vector<16xi32>
      %and3A_601 = arith.constant 2147483647 : i32
      %and3A_602 = vector.broadcast %and3A_601 : i32 to vector<16xi32>
      %and3A_603 = arith.andi %bitcast_convert_type3A_600, %and3A_602 : vector<16xi32>
      %ge3A_604 = arith.constant 1073741824 : i32
      %ge3A_605 = vector.broadcast %ge3A_604 : i32 to vector<16xi32>
      %ge3A_606 = arith.cmpi sge, %and3A_603, %ge3A_605 : vector<16xi32>
      %eq3A_607 = vector.broadcast %ge3A_27 : i1 to vector<16xi1>
      %eq3A_608 = vector.broadcast %eq3A_607 : vector<16xi1> to vector<16xi1>
      %eq3A_609 = arith.xori %ge3A_606, %eq3A_608 : vector<16xi1>
      %eq3A_610 = arith.constant dense<true> : vector<16xi1>
      %eq3A_611 = arith.xori %eq3A_609, %eq3A_610 : vector<16xi1>
      %slice3A_612 = vector.extract_strided_slice %get3A_258 {offsets = [12], sizes = [1], strides = [1]} : vector<16xi32> to vector<1xi32>
      %squeeze3A_613 = vector.extract %slice3A_612[0] : i32 from vector<1xi32>
      %mul3A_614 = arith.constant 16 : i32
      %mul3A_615 = arith.muli %add3A_595, %mul3A_614 : i32
      %sub3A_616 = arith.subi %mul3A_615, %squeeze3A_613 : i32
      %select_n3A_617 = arith.select %ge3A_27, %squeeze3A_613, %sub3A_616 : i32
      %swap3A_618 = arith.index_cast %select_n3A_617 : i32 to index
      %swap3A_619 = tpu.vector_load %arg8[%swap3A_618] masked %eq3A_611 {strides = array<i32>} : memref<8320xi32, #tpu.memory_space<vmem>>, vector<16xi32>, vector<16xi1>
      tpu.vector_store %arg8[%swap3A_618], %and3A_603 masked %eq3A_611 {strides = array<i32>} : memref<8320xi32, #tpu.memory_space<vmem>>, vector<16xi32>, vector<16xi1>
      %mul3A_620 = arith.constant 16 : i32
      %mul3A_621 = arith.muli %scan3A_255, %mul3A_620 : i32
      %add3A_622 = arith.constant 13 : i32
      %add3A_623 = arith.addi %mul3A_621, %add3A_622 : i32
      %mul3A_624 = arith.constant 16 : i32
      %mul3A_625 = arith.muli %add3A_623, %mul3A_624 : i32
      %get3A_626 = arith.index_cast %mul3A_625 : i32 to index
      %get3A_627 = tpu.vector_load %arg4[%get3A_626] {strides = array<i32>} : memref<8192xf32, #tpu.memory_space<vmem>>, vector<16xf32>,
      %bitcast_convert_type3A_628 = tpu.bitcast %get3A_627 : vector<16xf32> -> vector<16xi32>
      %and3A_629 = arith.constant 2147483647 : i32
      %and3A_630 = vector.broadcast %and3A_629 : i32 to vector<16xi32>
      %and3A_631 = arith.andi %bitcast_convert_type3A_628, %and3A_630 : vector<16xi32>
      %ge3A_632 = arith.constant 1073741824 : i32
      %ge3A_633 = vector.broadcast %ge3A_632 : i32 to vector<16xi32>
      %ge3A_634 = arith.cmpi sge, %and3A_631, %ge3A_633 : vector<16xi32>
      %eq3A_635 = vector.broadcast %ge3A_27 : i1 to vector<16xi1>
      %eq3A_636 = vector.broadcast %eq3A_635 : vector<16xi1> to vector<16xi1>
      %eq3A_637 = arith.xori %ge3A_634, %eq3A_636 : vector<16xi1>
      %eq3A_638 = arith.constant dense<true> : vector<16xi1>
      %eq3A_639 = arith.xori %eq3A_637, %eq3A_638 : vector<16xi1>
      %slice3A_640 = vector.extract_strided_slice %get3A_258 {offsets = [13], sizes = [1], strides = [1]} : vector<16xi32> to vector<1xi32>
      %squeeze3A_641 = vector.extract %slice3A_640[0] : i32 from vector<1xi32>
      %mul3A_642 = arith.constant 16 : i32
      %mul3A_643 = arith.muli %add3A_623, %mul3A_642 : i32
      %sub3A_644 = arith.subi %mul3A_643, %squeeze3A_641 : i32
      %select_n3A_645 = arith.select %ge3A_27, %squeeze3A_641, %sub3A_644 : i32
      %swap3A_646 = arith.index_cast %select_n3A_645 : i32 to index
      %swap3A_647 = tpu.vector_load %arg8[%swap3A_646] masked %eq3A_639 {strides = array<i32>} : memref<8320xi32, #tpu.memory_space<vmem>>, vector<16xi32>, vector<16xi1>
      tpu.vector_store %arg8[%swap3A_646], %and3A_631 masked %eq3A_639 {strides = array<i32>} : memref<8320xi32, #tpu.memory_space<vmem>>, vector<16xi32>, vector<16xi1>
      %mul3A_648 = arith.constant 16 : i32
      %mul3A_649 = arith.muli %scan3A_255, %mul3A_648 : i32
      %add3A_650 = arith.constant 14 : i32
      %add3A_651 = arith.addi %mul3A_649, %add3A_650 : i32
      %mul3A_652 = arith.constant 16 : i32
      %mul3A_653 = arith.muli %add3A_651, %mul3A_652 : i32
      %get3A_654 = arith.index_cast %mul3A_653 : i32 to index
      %get3A_655 = tpu.vector_load %arg4[%get3A_654] {strides = array<i32>} : memref<8192xf32, #tpu.memory_space<vmem>>, vector<16xf32>,
      %bitcast_convert_type3A_656 = tpu.bitcast %get3A_655 : vector<16xf32> -> vector<16xi32>
      %and3A_657 = arith.constant 2147483647 : i32
      %and3A_658 = vector.broadcast %and3A_657 : i32 to vector<16xi32>
      %and3A_659 = arith.andi %bitcast_convert_type3A_656, %and3A_658 : vector<16xi32>
      %ge3A_660 = arith.constant 1073741824 : i32
      %ge3A_661 = vector.broadcast %ge3A_660 : i32 to vector<16xi32>
      %ge3A_662 = arith.cmpi sge, %and3A_659, %ge3A_661 : vector<16xi32>
      %eq3A_663 = vector.broadcast %ge3A_27 : i1 to vector<16xi1>
      %eq3A_664 = vector.broadcast %eq3A_663 : vector<16xi1> to vector<16xi1>
      %eq3A_665 = arith.xori %ge3A_662, %eq3A_664 : vector<16xi1>
      %eq3A_666 = arith.constant dense<true> : vector<16xi1>
      %eq3A_667 = arith.xori %eq3A_665, %eq3A_666 : vector<16xi1>
      %slice3A_668 = vector.extract_strided_slice %get3A_258 {offsets = [14], sizes = [1], strides = [1]} : vector<16xi32> to vector<1xi32>
      %squeeze3A_669 = vector.extract %slice3A_668[0] : i32 from vector<1xi32>
      %mul3A_670 = arith.constant 16 : i32
      %mul3A_671 = arith.muli %add3A_651, %mul3A_670 : i32
      %sub3A_672 = arith.subi %mul3A_671, %squeeze3A_669 : i32
      %select_n3A_673 = arith.select %ge3A_27, %squeeze3A_669, %sub3A_672 : i32
      %swap3A_674 = arith.index_cast %select_n3A_673 : i32 to index
      %swap3A_675 = tpu.vector_load %arg8[%swap3A_674] masked %eq3A_667 {strides = array<i32>} : memref<8320xi32, #tpu.memory_space<vmem>>, vector<16xi32>, vector<16xi1>
      tpu.vector_store %arg8[%swap3A_674], %and3A_659 masked %eq3A_667 {strides = array<i32>} : memref<8320xi32, #tpu.memory_space<vmem>>, vector<16xi32>, vector<16xi1>
      %mul3A_676 = arith.constant 16 : i32
      %mul3A_677 = arith.muli %scan3A_255, %mul3A_676 : i32
      %add3A_678 = arith.constant 15 : i32
      %add3A_679 = arith.addi %mul3A_677, %add3A_678 : i32
      %mul3A_680 = arith.constant 16 : i32
      %mul3A_681 = arith.muli %add3A_679, %mul3A_680 : i32
      %get3A_682 = arith.index_cast %mul3A_681 : i32 to index
      %get3A_683 = tpu.vector_load %arg4[%get3A_682] {strides = array<i32>} : memref<8192xf32, #tpu.memory_space<vmem>>, vector<16xf32>,
      %bitcast_convert_type3A_684 = tpu.bitcast %get3A_683 : vector<16xf32> -> vector<16xi32>
      %and3A_685 = arith.constant 2147483647 : i32
      %and3A_686 = vector.broadcast %and3A_685 : i32 to vector<16xi32>
      %and3A_687 = arith.andi %bitcast_convert_type3A_684, %and3A_686 : vector<16xi32>
      %ge3A_688 = arith.constant 1073741824 : i32
      %ge3A_689 = vector.broadcast %ge3A_688 : i32 to vector<16xi32>
      %ge3A_690 = arith.cmpi sge, %and3A_687, %ge3A_689 : vector<16xi32>
      %eq3A_691 = vector.broadcast %ge3A_27 : i1 to vector<16xi1>
      %eq3A_692 = vector.broadcast %eq3A_691 : vector<16xi1> to vector<16xi1>
      %eq3A_693 = arith.xori %ge3A_690, %eq3A_692 : vector<16xi1>
      %eq3A_694 = arith.constant dense<true> : vector<16xi1>
      %eq3A_695 = arith.xori %eq3A_693, %eq3A_694 : vector<16xi1>
      %slice3A_696 = vector.extract_strided_slice %get3A_258 {offsets = [15], sizes = [1], strides = [1]} : vector<16xi32> to vector<1xi32>
      %squeeze3A_697 = vector.extract %slice3A_696[0] : i32 from vector<1xi32>
      %mul3A_698 = arith.constant 16 : i32
      %mul3A_699 = arith.muli %add3A_679, %mul3A_698 : i32
      %sub3A_700 = arith.subi %mul3A_699, %squeeze3A_697 : i32
      %select_n3A_701 = arith.select %ge3A_27, %squeeze3A_697, %sub3A_700 : i32
      %swap3A_702 = arith.index_cast %select_n3A_701 : i32 to index
      %swap3A_703 = tpu.vector_load %arg8[%swap3A_702] masked %eq3A_695 {strides = array<i32>} : memref<8320xi32, #tpu.memory_space<vmem>>, vector<16xi32>, vector<16xi1>
      tpu.vector_store %arg8[%swap3A_702], %and3A_687 masked %eq3A_695 {strides = array<i32>} : memref<8320xi32, #tpu.memory_space<vmem>>, vector<16xi32>, vector<16xi1>
    }
    %scan3A_50 = arith.constant 32 : i32
    %add3A_51 = arith.constant 0 : i32
    %add3A_52 = arith.addi %select_n3A_37, %add3A_51 : i32
    %add3A_53 = vector.broadcast %add3A_52 : i32 to vector<16xi32>
    %add3A_54 = arith.addi %add3A_53, %iota3A : vector<16xi32>
    tpu.vector_store_idx %arg8[%add3A_54], %broadcast_in_dim3A_21 : memref<8320xi32, #tpu.memory_space<vmem>>[vector<16xi32>], vector<16xi32>,
    %add3A_55 = arith.constant 16 : i32
    %add3A_56 = arith.addi %select_n3A_37, %add3A_55 : i32
    %add3A_57 = vector.broadcast %add3A_56 : i32 to vector<16xi32>
    %add3A_58 = arith.addi %add3A_57, %iota3A : vector<16xi32>
    tpu.vector_store_idx %arg8[%add3A_58], %broadcast_in_dim3A_21 : memref<8320xi32, #tpu.memory_space<vmem>>[vector<16xi32>], vector<16xi32>,
    %add3A_59 = arith.constant 32 : i32
    %add3A_60 = arith.addi %select_n3A_37, %add3A_59 : i32
    %add3A_61 = vector.broadcast %add3A_60 : i32 to vector<16xi32>
    %add3A_62 = arith.addi %add3A_61, %iota3A : vector<16xi32>
    tpu.vector_store_idx %arg8[%add3A_62], %broadcast_in_dim3A_21 : memref<8320xi32, #tpu.memory_space<vmem>>[vector<16xi32>], vector<16xi32>,
    %add3A_63 = arith.constant 48 : i32
    %add3A_64 = arith.addi %select_n3A_37, %add3A_63 : i32
    %add3A_65 = vector.broadcast %add3A_64 : i32 to vector<16xi32>
    %add3A_66 = arith.addi %add3A_65, %iota3A : vector<16xi32>
    tpu.vector_store_idx %arg8[%add3A_66], %broadcast_in_dim3A_21 : memref<8320xi32, #tpu.memory_space<vmem>>[vector<16xi32>], vector<16xi32>,
    %add3A_67 = arith.constant 64 : i32
    %add3A_68 = arith.addi %select_n3A_37, %add3A_67 : i32
    %add3A_69 = vector.broadcast %add3A_68 : i32 to vector<16xi32>
    %add3A_70 = arith.addi %add3A_69, %iota3A : vector<16xi32>
    tpu.vector_store_idx %arg8[%add3A_70], %broadcast_in_dim3A_21 : memref<8320xi32, #tpu.memory_space<vmem>>[vector<16xi32>], vector<16xi32>,
    %add3A_71 = arith.constant 80 : i32
    %add3A_72 = arith.addi %select_n3A_37, %add3A_71 : i32
    %add3A_73 = vector.broadcast %add3A_72 : i32 to vector<16xi32>
    %add3A_74 = arith.addi %add3A_73, %iota3A : vector<16xi32>
    tpu.vector_store_idx %arg8[%add3A_74], %broadcast_in_dim3A_21 : memref<8320xi32, #tpu.memory_space<vmem>>[vector<16xi32>], vector<16xi32>,
    %add3A_75 = arith.constant 96 : i32
    %add3A_76 = arith.addi %select_n3A_37, %add3A_75 : i32
    %add3A_77 = vector.broadcast %add3A_76 : i32 to vector<16xi32>
    %add3A_78 = arith.addi %add3A_77, %iota3A : vector<16xi32>
    tpu.vector_store_idx %arg8[%add3A_78], %broadcast_in_dim3A_21 : memref<8320xi32, #tpu.memory_space<vmem>>[vector<16xi32>], vector<16xi32>,
    %add3A_79 = arith.constant 112 : i32
    %add3A_80 = arith.addi %select_n3A_37, %add3A_79 : i32
    %add3A_81 = vector.broadcast %add3A_80 : i32 to vector<16xi32>
    %add3A_82 = arith.addi %add3A_81, %iota3A : vector<16xi32>
    tpu.vector_store_idx %arg8[%add3A_82], %broadcast_in_dim3A_21 : memref<8320xi32, #tpu.memory_space<vmem>>[vector<16xi32>], vector<16xi32>,
    %add3A_83 = arith.constant 128 : i32
    %add3A_84 = arith.addi %select_n3A_37, %add3A_83 : i32
    %sub3A_85 = arith.constant 1 : i32
    %sub3A_86 = arith.subi %add3A_84, %sub3A_85 : i32
    %jit3A_87 = arith.constant 128 : i32
    %div3A = arith.divsi %sub3A_86, %jit3A_87 : i32
    %sign3A = arith.constant 0 : i32
    %sign3A_88 = arith.cmpi sgt, %sub3A_86, %sign3A : i32
    %sign3A_89 = arith.extui %sign3A_88 : i1 to i32
    %sign3A_90 = arith.constant 0 : i32
    %sign3A_91 = arith.cmpi slt, %sub3A_86, %sign3A_90 : i32
    %sign3A_92 = arith.extui %sign3A_91 : i1 to i32
    %sign3A_93 = arith.subi %sign3A_89, %sign3A_92 : i32
    %sign3A_94 = arith.constant 0 : i32
    %sign3A_95 = arith.cmpi sgt, %jit3A_87, %sign3A_94 : i32
    %sign3A_96 = arith.extui %sign3A_95 : i1 to i32
    %sign3A_97 = arith.constant 0 : i32
    %sign3A_98 = arith.cmpi slt, %jit3A_87, %sign3A_97 : i32
    %sign3A_99 = arith.extui %sign3A_98 : i1 to i32
    %sign3A_100 = arith.subi %sign3A_96, %sign3A_99 : i32
    %ne3A = arith.cmpi ne, %sign3A_93, %sign3A_100 : i32
    %rem3A = arith.remsi %sub3A_86, %jit3A_87 : i32
    %ne3A_101 = arith.constant 0 : i32
    %ne3A_102 = arith.cmpi ne, %rem3A, %ne3A_101 : i32
    %and3A = arith.andi %ne3A, %ne3A_102 : i1
    %sub3A_103 = arith.constant 1 : i32
    %sub3A_104 = arith.subi %div3A, %sub3A_103 : i32
    %select_n3A_105 = arith.select %and3A, %sub3A_104, %div3A : i32
    %while3A:3 = scf.while (%while3A_255 = %select_n3A, %while3A_256 = %select_n3A_31, %while3A_257 = %select_n3A_35) : (i32, i32, i32) -> (i32, i32, i32) {
      %sub3A_258 = arith.subi %while3A_256, %while3A_255 : i32
      %gt3A_259 = arith.constant 1 : i32
      %gt3A_260 = arith.cmpi sgt, %sub3A_258, %gt3A_259 : i32
      scf.condition(%gt3A_260) %while3A_255, %while3A_256, %while3A_257 : i32, i32, i32
    } do {
    ^bb0(%while3A_255: i32, %while3A_256: i32, %while3A_257: i32):
      %sub3A_258 = arith.subi %while3A_256, %while3A_255 : i32
      %shift_right_arithmetic3A = arith.constant 1 : i32
      %shift_right_arithmetic3A_259 = arith.shrsi %sub3A_258, %shift_right_arithmetic3A : i32
      %add3A_260 = arith.addi %while3A_255, %shift_right_arithmetic3A_259 : i32
      %while3A_261 = arith.constant 0 : i32
      %while3A_262 = arith.subi %select_n3A_105, %while3A_261 : i32
      %while3A_263 = arith.addi %while3A_261, %while3A_262 : i32
      %while3A_264 = arith.constant 1 : i32
      %while3A_265 = arith.divsi %while3A_262, %while3A_264 : i32
      %while3A_266 = arith.muli %while3A_265, %while3A_264 : i32
      %while3A_267 = arith.addi %while3A_261, %while3A_266 : i32
      %while3A_268 = arith.constant 1 : i32
      %while3A_269 = scf.for %while3A_281 = %while3A_261 to %while3A_267 step %while3A_268 iter_args(%while3A_282 = %broadcast_in_dim3A_21) -> (vector<16xi32>)  : i32 {
        %mul3A_283 = arith.constant 128 : i32
        %mul3A_284 = arith.muli %while3A_281, %mul3A_283 : i32
        %add3A_285 = arith.constant 0 : i32
        %add3A_286 = arith.addi %mul3A_284, %add3A_285 : i32
        %get3A = arith.index_cast %add3A_286 : i32 to index
        %get3A_287 = tpu.vector_load %arg8[%get3A] {strides = array<i32>} : memref<8320xi32, #tpu.memory_space<vmem>>, vector<16xi32>,
        %ge3A_288 = vector.broadcast %add3A_260 : i32 to vector<16xi32>
        %ge3A_289 = arith.cmpi sge, %get3A_287, %ge3A_288 : vector<16xi32>
        %jit3A_290 = arith.constant 1 : i32
        %jit3A_291 = arith.constant 0 : i32
        %broadcast_in_dim3A_292 = vector.broadcast %jit3A_290 : i32 to vector<16xi32>
        %broadcast_in_dim3A_293 = vector.broadcast %jit3A_291 : i32 to vector<16xi32>
        %select_n3A_294 = arith.select %ge3A_289, %broadcast_in_dim3A_292, %broadcast_in_dim3A_293 : vector<16xi1>, vector<16xi32>
        %add3A_295 = arith.addi %while3A_282, %select_n3A_294 : vector<16xi32>
        %mul3A_296 = arith.constant 128 : i32
        %mul3A_297 = arith.muli %while3A_281, %mul3A_296 : i32
        %add3A_298 = arith.constant 16 : i32
        %add3A_299 = arith.addi %mul3A_297, %add3A_298 : i32
        %get3A_300 = arith.index_cast %add3A_299 : i32 to index
        %get3A_301 = tpu.vector_load %arg8[%get3A_300] {strides = array<i32>} : memref<8320xi32, #tpu.memory_space<vmem>>, vector<16xi32>,
        %ge3A_302 = vector.broadcast %add3A_260 : i32 to vector<16xi32>
        %ge3A_303 = arith.cmpi sge, %get3A_301, %ge3A_302 : vector<16xi32>
        %jit3A_304 = arith.constant 1 : i32
        %jit3A_305 = arith.constant 0 : i32
        %broadcast_in_dim3A_306 = vector.broadcast %jit3A_304 : i32 to vector<16xi32>
        %broadcast_in_dim3A_307 = vector.broadcast %jit3A_305 : i32 to vector<16xi32>
        %select_n3A_308 = arith.select %ge3A_303, %broadcast_in_dim3A_306, %broadcast_in_dim3A_307 : vector<16xi1>, vector<16xi32>
        %add3A_309 = arith.addi %add3A_295, %select_n3A_308 : vector<16xi32>
        %mul3A_310 = arith.constant 128 : i32
        %mul3A_311 = arith.muli %while3A_281, %mul3A_310 : i32
        %add3A_312 = arith.constant 32 : i32
        %add3A_313 = arith.addi %mul3A_311, %add3A_312 : i32
        %get3A_314 = arith.index_cast %add3A_313 : i32 to index
        %get3A_315 = tpu.vector_load %arg8[%get3A_314] {strides = array<i32>} : memref<8320xi32, #tpu.memory_space<vmem>>, vector<16xi32>,
        %ge3A_316 = vector.broadcast %add3A_260 : i32 to vector<16xi32>
        %ge3A_317 = arith.cmpi sge, %get3A_315, %ge3A_316 : vector<16xi32>
        %jit3A_318 = arith.constant 1 : i32
        %jit3A_319 = arith.constant 0 : i32
        %broadcast_in_dim3A_320 = vector.broadcast %jit3A_318 : i32 to vector<16xi32>
        %broadcast_in_dim3A_321 = vector.broadcast %jit3A_319 : i32 to vector<16xi32>
        %select_n3A_322 = arith.select %ge3A_317, %broadcast_in_dim3A_320, %broadcast_in_dim3A_321 : vector<16xi1>, vector<16xi32>
        %add3A_323 = arith.addi %add3A_309, %select_n3A_322 : vector<16xi32>
        %mul3A_324 = arith.constant 128 : i32
        %mul3A_325 = arith.muli %while3A_281, %mul3A_324 : i32
        %add3A_326 = arith.constant 48 : i32
        %add3A_327 = arith.addi %mul3A_325, %add3A_326 : i32
        %get3A_328 = arith.index_cast %add3A_327 : i32 to index
        %get3A_329 = tpu.vector_load %arg8[%get3A_328] {strides = array<i32>} : memref<8320xi32, #tpu.memory_space<vmem>>, vector<16xi32>,
        %ge3A_330 = vector.broadcast %add3A_260 : i32 to vector<16xi32>
        %ge3A_331 = arith.cmpi sge, %get3A_329, %ge3A_330 : vector<16xi32>
        %jit3A_332 = arith.constant 1 : i32
        %jit3A_333 = arith.constant 0 : i32
        %broadcast_in_dim3A_334 = vector.broadcast %jit3A_332 : i32 to vector<16xi32>
        %broadcast_in_dim3A_335 = vector.broadcast %jit3A_333 : i32 to vector<16xi32>
        %select_n3A_336 = arith.select %ge3A_331, %broadcast_in_dim3A_334, %broadcast_in_dim3A_335 : vector<16xi1>, vector<16xi32>
        %add3A_337 = arith.addi %add3A_323, %select_n3A_336 : vector<16xi32>
        %mul3A_338 = arith.constant 128 : i32
        %mul3A_339 = arith.muli %while3A_281, %mul3A_338 : i32
        %add3A_340 = arith.constant 64 : i32
        %add3A_341 = arith.addi %mul3A_339, %add3A_340 : i32
        %get3A_342 = arith.index_cast %add3A_341 : i32 to index
        %get3A_343 = tpu.vector_load %arg8[%get3A_342] {strides = array<i32>} : memref<8320xi32, #tpu.memory_space<vmem>>, vector<16xi32>,
        %ge3A_344 = vector.broadcast %add3A_260 : i32 to vector<16xi32>
        %ge3A_345 = arith.cmpi sge, %get3A_343, %ge3A_344 : vector<16xi32>
        %jit3A_346 = arith.constant 1 : i32
        %jit3A_347 = arith.constant 0 : i32
        %broadcast_in_dim3A_348 = vector.broadcast %jit3A_346 : i32 to vector<16xi32>
        %broadcast_in_dim3A_349 = vector.broadcast %jit3A_347 : i32 to vector<16xi32>
        %select_n3A_350 = arith.select %ge3A_345, %broadcast_in_dim3A_348, %broadcast_in_dim3A_349 : vector<16xi1>, vector<16xi32>
        %add3A_351 = arith.addi %add3A_337, %select_n3A_350 : vector<16xi32>
        %mul3A_352 = arith.constant 128 : i32
        %mul3A_353 = arith.muli %while3A_281, %mul3A_352 : i32
        %add3A_354 = arith.constant 80 : i32
        %add3A_355 = arith.addi %mul3A_353, %add3A_354 : i32
        %get3A_356 = arith.index_cast %add3A_355 : i32 to index
        %get3A_357 = tpu.vector_load %arg8[%get3A_356] {strides = array<i32>} : memref<8320xi32, #tpu.memory_space<vmem>>, vector<16xi32>,
        %ge3A_358 = vector.broadcast %add3A_260 : i32 to vector<16xi32>
        %ge3A_359 = arith.cmpi sge, %get3A_357, %ge3A_358 : vector<16xi32>
        %jit3A_360 = arith.constant 1 : i32
        %jit3A_361 = arith.constant 0 : i32
        %broadcast_in_dim3A_362 = vector.broadcast %jit3A_360 : i32 to vector<16xi32>
        %broadcast_in_dim3A_363 = vector.broadcast %jit3A_361 : i32 to vector<16xi32>
        %select_n3A_364 = arith.select %ge3A_359, %broadcast_in_dim3A_362, %broadcast_in_dim3A_363 : vector<16xi1>, vector<16xi32>
        %add3A_365 = arith.addi %add3A_351, %select_n3A_364 : vector<16xi32>
        %mul3A_366 = arith.constant 128 : i32
        %mul3A_367 = arith.muli %while3A_281, %mul3A_366 : i32
        %add3A_368 = arith.constant 96 : i32
        %add3A_369 = arith.addi %mul3A_367, %add3A_368 : i32
        %get3A_370 = arith.index_cast %add3A_369 : i32 to index
        %get3A_371 = tpu.vector_load %arg8[%get3A_370] {strides = array<i32>} : memref<8320xi32, #tpu.memory_space<vmem>>, vector<16xi32>,
        %ge3A_372 = vector.broadcast %add3A_260 : i32 to vector<16xi32>
        %ge3A_373 = arith.cmpi sge, %get3A_371, %ge3A_372 : vector<16xi32>
        %jit3A_374 = arith.constant 1 : i32
        %jit3A_375 = arith.constant 0 : i32
        %broadcast_in_dim3A_376 = vector.broadcast %jit3A_374 : i32 to vector<16xi32>
        %broadcast_in_dim3A_377 = vector.broadcast %jit3A_375 : i32 to vector<16xi32>
        %select_n3A_378 = arith.select %ge3A_373, %broadcast_in_dim3A_376, %broadcast_in_dim3A_377 : vector<16xi1>, vector<16xi32>
        %add3A_379 = arith.addi %add3A_365, %select_n3A_378 : vector<16xi32>
        %mul3A_380 = arith.constant 128 : i32
        %mul3A_381 = arith.muli %while3A_281, %mul3A_380 : i32
        %add3A_382 = arith.constant 112 : i32
        %add3A_383 = arith.addi %mul3A_381, %add3A_382 : i32
        %get3A_384 = arith.index_cast %add3A_383 : i32 to index
        %get3A_385 = tpu.vector_load %arg8[%get3A_384] {strides = array<i32>} : memref<8320xi32, #tpu.memory_space<vmem>>, vector<16xi32>,
        %ge3A_386 = vector.broadcast %add3A_260 : i32 to vector<16xi32>
        %ge3A_387 = arith.cmpi sge, %get3A_385, %ge3A_386 : vector<16xi32>
        %jit3A_388 = arith.constant 1 : i32
        %jit3A_389 = arith.constant 0 : i32
        %broadcast_in_dim3A_390 = vector.broadcast %jit3A_388 : i32 to vector<16xi32>
        %broadcast_in_dim3A_391 = vector.broadcast %jit3A_389 : i32 to vector<16xi32>
        %select_n3A_392 = arith.select %ge3A_387, %broadcast_in_dim3A_390, %broadcast_in_dim3A_391 : vector<16xi1>, vector<16xi32>
        %add3A_393 = arith.addi %add3A_379, %select_n3A_392 : vector<16xi32>
        scf.yield %add3A_393 : vector<16xi32>
      }
      %while3A_270 = arith.constant 1 : i32
      %while3A_271 = scf.for %while3A_281 = %while3A_267 to %while3A_263 step %while3A_270 iter_args(%while3A_282 = %while3A_269) -> (vector<16xi32>)  : i32 {
        %mul3A_283 = arith.constant 128 : i32
        %mul3A_284 = arith.muli %while3A_281, %mul3A_283 : i32
        %add3A_285 = arith.constant 0 : i32
        %add3A_286 = arith.addi %mul3A_284, %add3A_285 : i32
        %get3A = arith.index_cast %add3A_286 : i32 to index
        %get3A_287 = tpu.vector_load %arg8[%get3A] {strides = array<i32>} : memref<8320xi32, #tpu.memory_space<vmem>>, vector<16xi32>,
        %ge3A_288 = vector.broadcast %add3A_260 : i32 to vector<16xi32>
        %ge3A_289 = arith.cmpi sge, %get3A_287, %ge3A_288 : vector<16xi32>
        %jit3A_290 = arith.constant 1 : i32
        %jit3A_291 = arith.constant 0 : i32
        %broadcast_in_dim3A_292 = vector.broadcast %jit3A_290 : i32 to vector<16xi32>
        %broadcast_in_dim3A_293 = vector.broadcast %jit3A_291 : i32 to vector<16xi32>
        %select_n3A_294 = arith.select %ge3A_289, %broadcast_in_dim3A_292, %broadcast_in_dim3A_293 : vector<16xi1>, vector<16xi32>
        %add3A_295 = arith.addi %while3A_282, %select_n3A_294 : vector<16xi32>
        %mul3A_296 = arith.constant 128 : i32
        %mul3A_297 = arith.muli %while3A_281, %mul3A_296 : i32
        %add3A_298 = arith.constant 16 : i32
        %add3A_299 = arith.addi %mul3A_297, %add3A_298 : i32
        %get3A_300 = arith.index_cast %add3A_299 : i32 to index
        %get3A_301 = tpu.vector_load %arg8[%get3A_300] {strides = array<i32>} : memref<8320xi32, #tpu.memory_space<vmem>>, vector<16xi32>,
        %ge3A_302 = vector.broadcast %add3A_260 : i32 to vector<16xi32>
        %ge3A_303 = arith.cmpi sge, %get3A_301, %ge3A_302 : vector<16xi32>
        %jit3A_304 = arith.constant 1 : i32
        %jit3A_305 = arith.constant 0 : i32
        %broadcast_in_dim3A_306 = vector.broadcast %jit3A_304 : i32 to vector<16xi32>
        %broadcast_in_dim3A_307 = vector.broadcast %jit3A_305 : i32 to vector<16xi32>
        %select_n3A_308 = arith.select %ge3A_303, %broadcast_in_dim3A_306, %broadcast_in_dim3A_307 : vector<16xi1>, vector<16xi32>
        %add3A_309 = arith.addi %add3A_295, %select_n3A_308 : vector<16xi32>
        %mul3A_310 = arith.constant 128 : i32
        %mul3A_311 = arith.muli %while3A_281, %mul3A_310 : i32
        %add3A_312 = arith.constant 32 : i32
        %add3A_313 = arith.addi %mul3A_311, %add3A_312 : i32
        %get3A_314 = arith.index_cast %add3A_313 : i32 to index
        %get3A_315 = tpu.vector_load %arg8[%get3A_314] {strides = array<i32>} : memref<8320xi32, #tpu.memory_space<vmem>>, vector<16xi32>,
        %ge3A_316 = vector.broadcast %add3A_260 : i32 to vector<16xi32>
        %ge3A_317 = arith.cmpi sge, %get3A_315, %ge3A_316 : vector<16xi32>
        %jit3A_318 = arith.constant 1 : i32
        %jit3A_319 = arith.constant 0 : i32
        %broadcast_in_dim3A_320 = vector.broadcast %jit3A_318 : i32 to vector<16xi32>
        %broadcast_in_dim3A_321 = vector.broadcast %jit3A_319 : i32 to vector<16xi32>
        %select_n3A_322 = arith.select %ge3A_317, %broadcast_in_dim3A_320, %broadcast_in_dim3A_321 : vector<16xi1>, vector<16xi32>
        %add3A_323 = arith.addi %add3A_309, %select_n3A_322 : vector<16xi32>
        %mul3A_324 = arith.constant 128 : i32
        %mul3A_325 = arith.muli %while3A_281, %mul3A_324 : i32
        %add3A_326 = arith.constant 48 : i32
        %add3A_327 = arith.addi %mul3A_325, %add3A_326 : i32
        %get3A_328 = arith.index_cast %add3A_327 : i32 to index
        %get3A_329 = tpu.vector_load %arg8[%get3A_328] {strides = array<i32>} : memref<8320xi32, #tpu.memory_space<vmem>>, vector<16xi32>,
        %ge3A_330 = vector.broadcast %add3A_260 : i32 to vector<16xi32>
        %ge3A_331 = arith.cmpi sge, %get3A_329, %ge3A_330 : vector<16xi32>
        %jit3A_332 = arith.constant 1 : i32
        %jit3A_333 = arith.constant 0 : i32
        %broadcast_in_dim3A_334 = vector.broadcast %jit3A_332 : i32 to vector<16xi32>
        %broadcast_in_dim3A_335 = vector.broadcast %jit3A_333 : i32 to vector<16xi32>
        %select_n3A_336 = arith.select %ge3A_331, %broadcast_in_dim3A_334, %broadcast_in_dim3A_335 : vector<16xi1>, vector<16xi32>
        %add3A_337 = arith.addi %add3A_323, %select_n3A_336 : vector<16xi32>
        %mul3A_338 = arith.constant 128 : i32
        %mul3A_339 = arith.muli %while3A_281, %mul3A_338 : i32
        %add3A_340 = arith.constant 64 : i32
        %add3A_341 = arith.addi %mul3A_339, %add3A_340 : i32
        %get3A_342 = arith.index_cast %add3A_341 : i32 to index
        %get3A_343 = tpu.vector_load %arg8[%get3A_342] {strides = array<i32>} : memref<8320xi32, #tpu.memory_space<vmem>>, vector<16xi32>,
        %ge3A_344 = vector.broadcast %add3A_260 : i32 to vector<16xi32>
        %ge3A_345 = arith.cmpi sge, %get3A_343, %ge3A_344 : vector<16xi32>
        %jit3A_346 = arith.constant 1 : i32
        %jit3A_347 = arith.constant 0 : i32
        %broadcast_in_dim3A_348 = vector.broadcast %jit3A_346 : i32 to vector<16xi32>
        %broadcast_in_dim3A_349 = vector.broadcast %jit3A_347 : i32 to vector<16xi32>
        %select_n3A_350 = arith.select %ge3A_345, %broadcast_in_dim3A_348, %broadcast_in_dim3A_349 : vector<16xi1>, vector<16xi32>
        %add3A_351 = arith.addi %add3A_337, %select_n3A_350 : vector<16xi32>
        %mul3A_352 = arith.constant 128 : i32
        %mul3A_353 = arith.muli %while3A_281, %mul3A_352 : i32
        %add3A_354 = arith.constant 80 : i32
        %add3A_355 = arith.addi %mul3A_353, %add3A_354 : i32
        %get3A_356 = arith.index_cast %add3A_355 : i32 to index
        %get3A_357 = tpu.vector_load %arg8[%get3A_356] {strides = array<i32>} : memref<8320xi32, #tpu.memory_space<vmem>>, vector<16xi32>,
        %ge3A_358 = vector.broadcast %add3A_260 : i32 to vector<16xi32>
        %ge3A_359 = arith.cmpi sge, %get3A_357, %ge3A_358 : vector<16xi32>
        %jit3A_360 = arith.constant 1 : i32
        %jit3A_361 = arith.constant 0 : i32
        %broadcast_in_dim3A_362 = vector.broadcast %jit3A_360 : i32 to vector<16xi32>
        %broadcast_in_dim3A_363 = vector.broadcast %jit3A_361 : i32 to vector<16xi32>
        %select_n3A_364 = arith.select %ge3A_359, %broadcast_in_dim3A_362, %broadcast_in_dim3A_363 : vector<16xi1>, vector<16xi32>
        %add3A_365 = arith.addi %add3A_351, %select_n3A_364 : vector<16xi32>
        %mul3A_366 = arith.constant 128 : i32
        %mul3A_367 = arith.muli %while3A_281, %mul3A_366 : i32
        %add3A_368 = arith.constant 96 : i32
        %add3A_369 = arith.addi %mul3A_367, %add3A_368 : i32
        %get3A_370 = arith.index_cast %add3A_369 : i32 to index
        %get3A_371 = tpu.vector_load %arg8[%get3A_370] {strides = array<i32>} : memref<8320xi32, #tpu.memory_space<vmem>>, vector<16xi32>,
        %ge3A_372 = vector.broadcast %add3A_260 : i32 to vector<16xi32>
        %ge3A_373 = arith.cmpi sge, %get3A_371, %ge3A_372 : vector<16xi32>
        %jit3A_374 = arith.constant 1 : i32
        %jit3A_375 = arith.constant 0 : i32
        %broadcast_in_dim3A_376 = vector.broadcast %jit3A_374 : i32 to vector<16xi32>
        %broadcast_in_dim3A_377 = vector.broadcast %jit3A_375 : i32 to vector<16xi32>
        %select_n3A_378 = arith.select %ge3A_373, %broadcast_in_dim3A_376, %broadcast_in_dim3A_377 : vector<16xi1>, vector<16xi32>
        %add3A_379 = arith.addi %add3A_365, %select_n3A_378 : vector<16xi32>
        %mul3A_380 = arith.constant 128 : i32
        %mul3A_381 = arith.muli %while3A_281, %mul3A_380 : i32
        %add3A_382 = arith.constant 112 : i32
        %add3A_383 = arith.addi %mul3A_381, %add3A_382 : i32
        %get3A_384 = arith.index_cast %add3A_383 : i32 to index
        %get3A_385 = tpu.vector_load %arg8[%get3A_384] {strides = array<i32>} : memref<8320xi32, #tpu.memory_space<vmem>>, vector<16xi32>,
        %ge3A_386 = vector.broadcast %add3A_260 : i32 to vector<16xi32>
        %ge3A_387 = arith.cmpi sge, %get3A_385, %ge3A_386 : vector<16xi32>
        %jit3A_388 = arith.constant 1 : i32
        %jit3A_389 = arith.constant 0 : i32
        %broadcast_in_dim3A_390 = vector.broadcast %jit3A_388 : i32 to vector<16xi32>
        %broadcast_in_dim3A_391 = vector.broadcast %jit3A_389 : i32 to vector<16xi32>
        %select_n3A_392 = arith.select %ge3A_387, %broadcast_in_dim3A_390, %broadcast_in_dim3A_391 : vector<16xi1>, vector<16xi32>
        %add3A_393 = arith.addi %add3A_379, %select_n3A_392 : vector<16xi32>
        scf.yield %add3A_393 : vector<16xi32>
      }
      %reduce_sum3A = arith.constant true
      %reduce_sum3A_272 = vector.broadcast %reduce_sum3A : i1 to vector<16xi1>
      %reduce_sum3A_273 = tpu.scan <sum>, %while3A_271 masked %reduce_sum3A_272 : vector<16xi32>, vector<16xi1> -> vector<16xi32>
      %reduce_sum3A_274 = vector.extract %reduce_sum3A_273[15] : i32 from vector<16xi32>
      %add3A_275 = arith.addi %select_n3A_33, %reduce_sum3A_274 : i32
      %ge3A_276 = arith.constant 256 : i32
      %ge3A_277 = arith.cmpi sge, %add3A_275, %ge3A_276 : i32
      %select_n3A_278 = arith.select %ge3A_277, %add3A_260, %while3A_255 : i32
      %select_n3A_279 = arith.select %ge3A_277, %while3A_256, %add3A_260 : i32
      %select_n3A_280 = arith.select %ge3A_277, %add3A_275, %while3A_257 : i32
      scf.yield %select_n3A_278, %select_n3A_279, %select_n3A_280 : i32, i32, i32
    }
    %scan3A_106 = arith.constant 0 : i32
    %scan3A_107 = arith.constant 0 : i32
    %scan3A_108 = arith.constant 64 : i32
    %scan3A_109 = arith.addi %scan3A_107, %scan3A_108 : i32
    %scan3A_110 = arith.constant 1 : i32
    scf.for %scan3A_255 = %scan3A_107 to %scan3A_109 step %scan3A_110  : i32 {
      %mul3A_256 = arith.constant 128 : i32
      %mul3A_257 = arith.muli %scan3A_255, %mul3A_256 : i32
      %add3A_258 = arith.constant 0 : i32
      %add3A_259 = arith.addi %mul3A_257, %add3A_258 : i32
      %get3A = arith.index_cast %add3A_259 : i32 to index
      %get3A_260 = tpu.vector_load %arg4[%get3A] {strides = array<i32>} : memref<8192xf32, #tpu.memory_space<vmem>>, vector<16xf32>,
      %bitcast_convert_type3A = tpu.bitcast %get3A_260 : vector<16xf32> -> vector<16xi32>
      %and3A_261 = arith.constant 2147483647 : i32
      %and3A_262 = vector.broadcast %and3A_261 : i32 to vector<16xi32>
      %and3A_263 = arith.andi %bitcast_convert_type3A, %and3A_262 : vector<16xi32>
      %ge3A_264 = vector.broadcast %while3A#0 : i32 to vector<16xi32>
      %ge3A_265 = arith.cmpi sge, %and3A_263, %ge3A_264 : vector<16xi32>
      %jit3A_266 = arith.constant 1.000000e+00 : f32
      %jit3A_267 = arith.constant 0.000000e+00 : f32
      %broadcast_in_dim3A_268 = vector.broadcast %jit3A_266 : f32 to vector<16xf32>
      %broadcast_in_dim3A_269 = vector.broadcast %jit3A_267 : f32 to vector<16xf32>
      %select_n3A_270 = arith.select %ge3A_265, %broadcast_in_dim3A_268, %broadcast_in_dim3A_269 : vector<16xi1>, vector<16xf32>
      %swap3A = arith.index_cast %add3A_259 : i32 to index
      %swap3A_271 = tpu.vector_load %arg6[%swap3A] {strides = array<i32>} : memref<8192xf32, #tpu.memory_space<vmem>>, vector<16xf32>,
      tpu.vector_store %arg6[%swap3A], %select_n3A_270 {strides = array<i32>} : memref<8192xf32, #tpu.memory_space<vmem>>, vector<16xf32>,
      %mul3A_272 = arith.constant 128 : i32
      %mul3A_273 = arith.muli %scan3A_255, %mul3A_272 : i32
      %add3A_274 = arith.constant 16 : i32
      %add3A_275 = arith.addi %mul3A_273, %add3A_274 : i32
      %get3A_276 = arith.index_cast %add3A_275 : i32 to index
      %get3A_277 = tpu.vector_load %arg4[%get3A_276] {strides = array<i32>} : memref<8192xf32, #tpu.memory_space<vmem>>, vector<16xf32>,
      %bitcast_convert_type3A_278 = tpu.bitcast %get3A_277 : vector<16xf32> -> vector<16xi32>
      %and3A_279 = arith.constant 2147483647 : i32
      %and3A_280 = vector.broadcast %and3A_279 : i32 to vector<16xi32>
      %and3A_281 = arith.andi %bitcast_convert_type3A_278, %and3A_280 : vector<16xi32>
      %ge3A_282 = vector.broadcast %while3A#0 : i32 to vector<16xi32>
      %ge3A_283 = arith.cmpi sge, %and3A_281, %ge3A_282 : vector<16xi32>
      %jit3A_284 = arith.constant 1.000000e+00 : f32
      %jit3A_285 = arith.constant 0.000000e+00 : f32
      %broadcast_in_dim3A_286 = vector.broadcast %jit3A_284 : f32 to vector<16xf32>
      %broadcast_in_dim3A_287 = vector.broadcast %jit3A_285 : f32 to vector<16xf32>
      %select_n3A_288 = arith.select %ge3A_283, %broadcast_in_dim3A_286, %broadcast_in_dim3A_287 : vector<16xi1>, vector<16xf32>
      %swap3A_289 = arith.index_cast %add3A_275 : i32 to index
      %swap3A_290 = tpu.vector_load %arg6[%swap3A_289] {strides = array<i32>} : memref<8192xf32, #tpu.memory_space<vmem>>, vector<16xf32>,
      tpu.vector_store %arg6[%swap3A_289], %select_n3A_288 {strides = array<i32>} : memref<8192xf32, #tpu.memory_space<vmem>>, vector<16xf32>,
      %mul3A_291 = arith.constant 128 : i32
      %mul3A_292 = arith.muli %scan3A_255, %mul3A_291 : i32
      %add3A_293 = arith.constant 32 : i32
      %add3A_294 = arith.addi %mul3A_292, %add3A_293 : i32
      %get3A_295 = arith.index_cast %add3A_294 : i32 to index
      %get3A_296 = tpu.vector_load %arg4[%get3A_295] {strides = array<i32>} : memref<8192xf32, #tpu.memory_space<vmem>>, vector<16xf32>,
      %bitcast_convert_type3A_297 = tpu.bitcast %get3A_296 : vector<16xf32> -> vector<16xi32>
      %and3A_298 = arith.constant 2147483647 : i32
      %and3A_299 = vector.broadcast %and3A_298 : i32 to vector<16xi32>
      %and3A_300 = arith.andi %bitcast_convert_type3A_297, %and3A_299 : vector<16xi32>
      %ge3A_301 = vector.broadcast %while3A#0 : i32 to vector<16xi32>
      %ge3A_302 = arith.cmpi sge, %and3A_300, %ge3A_301 : vector<16xi32>
      %jit3A_303 = arith.constant 1.000000e+00 : f32
      %jit3A_304 = arith.constant 0.000000e+00 : f32
      %broadcast_in_dim3A_305 = vector.broadcast %jit3A_303 : f32 to vector<16xf32>
      %broadcast_in_dim3A_306 = vector.broadcast %jit3A_304 : f32 to vector<16xf32>
      %select_n3A_307 = arith.select %ge3A_302, %broadcast_in_dim3A_305, %broadcast_in_dim3A_306 : vector<16xi1>, vector<16xf32>
      %swap3A_308 = arith.index_cast %add3A_294 : i32 to index
      %swap3A_309 = tpu.vector_load %arg6[%swap3A_308] {strides = array<i32>} : memref<8192xf32, #tpu.memory_space<vmem>>, vector<16xf32>,
      tpu.vector_store %arg6[%swap3A_308], %select_n3A_307 {strides = array<i32>} : memref<8192xf32, #tpu.memory_space<vmem>>, vector<16xf32>,
      %mul3A_310 = arith.constant 128 : i32
      %mul3A_311 = arith.muli %scan3A_255, %mul3A_310 : i32
      %add3A_312 = arith.constant 48 : i32
      %add3A_313 = arith.addi %mul3A_311, %add3A_312 : i32
      %get3A_314 = arith.index_cast %add3A_313 : i32 to index
      %get3A_315 = tpu.vector_load %arg4[%get3A_314] {strides = array<i32>} : memref<8192xf32, #tpu.memory_space<vmem>>, vector<16xf32>,
      %bitcast_convert_type3A_316 = tpu.bitcast %get3A_315 : vector<16xf32> -> vector<16xi32>
      %and3A_317 = arith.constant 2147483647 : i32
      %and3A_318 = vector.broadcast %and3A_317 : i32 to vector<16xi32>
      %and3A_319 = arith.andi %bitcast_convert_type3A_316, %and3A_318 : vector<16xi32>
      %ge3A_320 = vector.broadcast %while3A#0 : i32 to vector<16xi32>
      %ge3A_321 = arith.cmpi sge, %and3A_319, %ge3A_320 : vector<16xi32>
      %jit3A_322 = arith.constant 1.000000e+00 : f32
      %jit3A_323 = arith.constant 0.000000e+00 : f32
      %broadcast_in_dim3A_324 = vector.broadcast %jit3A_322 : f32 to vector<16xf32>
      %broadcast_in_dim3A_325 = vector.broadcast %jit3A_323 : f32 to vector<16xf32>
      %select_n3A_326 = arith.select %ge3A_321, %broadcast_in_dim3A_324, %broadcast_in_dim3A_325 : vector<16xi1>, vector<16xf32>
      %swap3A_327 = arith.index_cast %add3A_313 : i32 to index
      %swap3A_328 = tpu.vector_load %arg6[%swap3A_327] {strides = array<i32>} : memref<8192xf32, #tpu.memory_space<vmem>>, vector<16xf32>,
      tpu.vector_store %arg6[%swap3A_327], %select_n3A_326 {strides = array<i32>} : memref<8192xf32, #tpu.memory_space<vmem>>, vector<16xf32>,
      %mul3A_329 = arith.constant 128 : i32
      %mul3A_330 = arith.muli %scan3A_255, %mul3A_329 : i32
      %add3A_331 = arith.constant 64 : i32
      %add3A_332 = arith.addi %mul3A_330, %add3A_331 : i32
      %get3A_333 = arith.index_cast %add3A_332 : i32 to index
      %get3A_334 = tpu.vector_load %arg4[%get3A_333] {strides = array<i32>} : memref<8192xf32, #tpu.memory_space<vmem>>, vector<16xf32>,
      %bitcast_convert_type3A_335 = tpu.bitcast %get3A_334 : vector<16xf32> -> vector<16xi32>
      %and3A_336 = arith.constant 2147483647 : i32
      %and3A_337 = vector.broadcast %and3A_336 : i32 to vector<16xi32>
      %and3A_338 = arith.andi %bitcast_convert_type3A_335, %and3A_337 : vector<16xi32>
      %ge3A_339 = vector.broadcast %while3A#0 : i32 to vector<16xi32>
      %ge3A_340 = arith.cmpi sge, %and3A_338, %ge3A_339 : vector<16xi32>
      %jit3A_341 = arith.constant 1.000000e+00 : f32
      %jit3A_342 = arith.constant 0.000000e+00 : f32
      %broadcast_in_dim3A_343 = vector.broadcast %jit3A_341 : f32 to vector<16xf32>
      %broadcast_in_dim3A_344 = vector.broadcast %jit3A_342 : f32 to vector<16xf32>
      %select_n3A_345 = arith.select %ge3A_340, %broadcast_in_dim3A_343, %broadcast_in_dim3A_344 : vector<16xi1>, vector<16xf32>
      %swap3A_346 = arith.index_cast %add3A_332 : i32 to index
      %swap3A_347 = tpu.vector_load %arg6[%swap3A_346] {strides = array<i32>} : memref<8192xf32, #tpu.memory_space<vmem>>, vector<16xf32>,
      tpu.vector_store %arg6[%swap3A_346], %select_n3A_345 {strides = array<i32>} : memref<8192xf32, #tpu.memory_space<vmem>>, vector<16xf32>,
      %mul3A_348 = arith.constant 128 : i32
      %mul3A_349 = arith.muli %scan3A_255, %mul3A_348 : i32
      %add3A_350 = arith.constant 80 : i32
      %add3A_351 = arith.addi %mul3A_349, %add3A_350 : i32
      %get3A_352 = arith.index_cast %add3A_351 : i32 to index
      %get3A_353 = tpu.vector_load %arg4[%get3A_352] {strides = array<i32>} : memref<8192xf32, #tpu.memory_space<vmem>>, vector<16xf32>,
      %bitcast_convert_type3A_354 = tpu.bitcast %get3A_353 : vector<16xf32> -> vector<16xi32>
      %and3A_355 = arith.constant 2147483647 : i32
      %and3A_356 = vector.broadcast %and3A_355 : i32 to vector<16xi32>
      %and3A_357 = arith.andi %bitcast_convert_type3A_354, %and3A_356 : vector<16xi32>
      %ge3A_358 = vector.broadcast %while3A#0 : i32 to vector<16xi32>
      %ge3A_359 = arith.cmpi sge, %and3A_357, %ge3A_358 : vector<16xi32>
      %jit3A_360 = arith.constant 1.000000e+00 : f32
      %jit3A_361 = arith.constant 0.000000e+00 : f32
      %broadcast_in_dim3A_362 = vector.broadcast %jit3A_360 : f32 to vector<16xf32>
      %broadcast_in_dim3A_363 = vector.broadcast %jit3A_361 : f32 to vector<16xf32>
      %select_n3A_364 = arith.select %ge3A_359, %broadcast_in_dim3A_362, %broadcast_in_dim3A_363 : vector<16xi1>, vector<16xf32>
      %swap3A_365 = arith.index_cast %add3A_351 : i32 to index
      %swap3A_366 = tpu.vector_load %arg6[%swap3A_365] {strides = array<i32>} : memref<8192xf32, #tpu.memory_space<vmem>>, vector<16xf32>,
      tpu.vector_store %arg6[%swap3A_365], %select_n3A_364 {strides = array<i32>} : memref<8192xf32, #tpu.memory_space<vmem>>, vector<16xf32>,
      %mul3A_367 = arith.constant 128 : i32
      %mul3A_368 = arith.muli %scan3A_255, %mul3A_367 : i32
      %add3A_369 = arith.constant 96 : i32
      %add3A_370 = arith.addi %mul3A_368, %add3A_369 : i32
      %get3A_371 = arith.index_cast %add3A_370 : i32 to index
      %get3A_372 = tpu.vector_load %arg4[%get3A_371] {strides = array<i32>} : memref<8192xf32, #tpu.memory_space<vmem>>, vector<16xf32>,
      %bitcast_convert_type3A_373 = tpu.bitcast %get3A_372 : vector<16xf32> -> vector<16xi32>
      %and3A_374 = arith.constant 2147483647 : i32
      %and3A_375 = vector.broadcast %and3A_374 : i32 to vector<16xi32>
      %and3A_376 = arith.andi %bitcast_convert_type3A_373, %and3A_375 : vector<16xi32>
      %ge3A_377 = vector.broadcast %while3A#0 : i32 to vector<16xi32>
      %ge3A_378 = arith.cmpi sge, %and3A_376, %ge3A_377 : vector<16xi32>
      %jit3A_379 = arith.constant 1.000000e+00 : f32
      %jit3A_380 = arith.constant 0.000000e+00 : f32
      %broadcast_in_dim3A_381 = vector.broadcast %jit3A_379 : f32 to vector<16xf32>
      %broadcast_in_dim3A_382 = vector.broadcast %jit3A_380 : f32 to vector<16xf32>
      %select_n3A_383 = arith.select %ge3A_378, %broadcast_in_dim3A_381, %broadcast_in_dim3A_382 : vector<16xi1>, vector<16xf32>
      %swap3A_384 = arith.index_cast %add3A_370 : i32 to index
      %swap3A_385 = tpu.vector_load %arg6[%swap3A_384] {strides = array<i32>} : memref<8192xf32, #tpu.memory_space<vmem>>, vector<16xf32>,
      tpu.vector_store %arg6[%swap3A_384], %select_n3A_383 {strides = array<i32>} : memref<8192xf32, #tpu.memory_space<vmem>>, vector<16xf32>,
      %mul3A_386 = arith.constant 128 : i32
      %mul3A_387 = arith.muli %scan3A_255, %mul3A_386 : i32
      %add3A_388 = arith.constant 112 : i32
      %add3A_389 = arith.addi %mul3A_387, %add3A_388 : i32
      %get3A_390 = arith.index_cast %add3A_389 : i32 to index
      %get3A_391 = tpu.vector_load %arg4[%get3A_390] {strides = array<i32>} : memref<8192xf32, #tpu.memory_space<vmem>>, vector<16xf32>,
      %bitcast_convert_type3A_392 = tpu.bitcast %get3A_391 : vector<16xf32> -> vector<16xi32>
      %and3A_393 = arith.constant 2147483647 : i32
      %and3A_394 = vector.broadcast %and3A_393 : i32 to vector<16xi32>
      %and3A_395 = arith.andi %bitcast_convert_type3A_392, %and3A_394 : vector<16xi32>
      %ge3A_396 = vector.broadcast %while3A#0 : i32 to vector<16xi32>
      %ge3A_397 = arith.cmpi sge, %and3A_395, %ge3A_396 : vector<16xi32>
      %jit3A_398 = arith.constant 1.000000e+00 : f32
      %jit3A_399 = arith.constant 0.000000e+00 : f32
      %broadcast_in_dim3A_400 = vector.broadcast %jit3A_398 : f32 to vector<16xf32>
      %broadcast_in_dim3A_401 = vector.broadcast %jit3A_399 : f32 to vector<16xf32>
      %select_n3A_402 = arith.select %ge3A_397, %broadcast_in_dim3A_400, %broadcast_in_dim3A_401 : vector<16xi1>, vector<16xf32>
      %swap3A_403 = arith.index_cast %add3A_389 : i32 to index
      %swap3A_404 = tpu.vector_load %arg6[%swap3A_403] {strides = array<i32>} : memref<8192xf32, #tpu.memory_space<vmem>>, vector<16xf32>,
      tpu.vector_store %arg6[%swap3A_403], %select_n3A_402 {strides = array<i32>} : memref<8192xf32, #tpu.memory_space<vmem>>, vector<16xf32>,
    }
    %scan3A_111 = arith.constant 64 : i32
    %gt3A = arith.constant 256 : i32
    %gt3A_112 = arith.cmpi sgt, %while3A#2, %gt3A : i32
    %convert_element_type3A = arith.extui %gt3A_112 : i1 to i32
    %cond3A = arith.constant 0 : i32
    %cond3A_113 = arith.cmpi ne, %convert_element_type3A, %cond3A : i32
    scf.if %cond3A_113 {
      %sub3A_255 = arith.constant 256 : i32
      %sub3A_256 = arith.subi %while3A#2, %sub3A_255 : i32
      %scan3A_257 = arith.constant 0 : i32
      %scan3A_258 = arith.constant 512 : i32
      %scan3A_259 = arith.addi %scan3A_257, %scan3A_258 : i32
      %scan3A_260 = arith.constant 1 : i32
      %scan3A_261 = scf.for %scan3A_263 = %scan3A_257 to %scan3A_259 step %scan3A_260 iter_args(%scan3A_264 = %sub3A_256) -> (i32)  : i32 {
        %sub3A_265 = arith.constant 511 : i32
        %sub3A_266 = arith.subi %sub3A_265, %scan3A_263 : i32
        %mul3A_267 = arith.constant 16 : i32
        %mul3A_268 = arith.muli %sub3A_266, %mul3A_267 : i32
        %get3A = arith.index_cast %mul3A_268 : i32 to index
        %get3A_269 = tpu.vector_load %arg4[%get3A] {strides = array<i32>} : memref<8192xf32, #tpu.memory_space<vmem>>, vector<16xf32>,
        %bitcast_convert_type3A = tpu.bitcast %get3A_269 : vector<16xf32> -> vector<16xi32>
        %and3A_270 = arith.constant 2147483647 : i32
        %and3A_271 = vector.broadcast %and3A_270 : i32 to vector<16xi32>
        %and3A_272 = arith.andi %bitcast_convert_type3A, %and3A_271 : vector<16xi32>
        %eq3A = vector.broadcast %while3A#0 : i32 to vector<16xi32>
        %eq3A_273 = arith.cmpi eq, %and3A_272, %eq3A : vector<16xi32>
        %convert_element_type3A_274 = arith.extui %eq3A_273 : vector<16xi1> to vector<16xi32>
        %broadcast_in_dim3A_275 = arith.constant true
        %broadcast_in_dim3A_276 = vector.broadcast %broadcast_in_dim3A_275 : i1 to vector<16xi1>
        %masked_cumsum3A = tpu.scan <sum>, %convert_element_type3A_274 masked %broadcast_in_dim3A_276 : vector<16xi32>, vector<16xi1> -> vector<16xi32>
        %reduce_sum3A = arith.constant true
        %reduce_sum3A_277 = vector.broadcast %reduce_sum3A : i1 to vector<16xi1>
        %reduce_sum3A_278 = tpu.scan <sum>, %convert_element_type3A_274 masked %reduce_sum3A_277 : vector<16xi32>, vector<16xi1> -> vector<16xi32>
        %reduce_sum3A_279 = vector.extract %reduce_sum3A_278[15] : i32 from vector<16xi32>
        %sub3A_280 = vector.broadcast %reduce_sum3A_279 : i32 to vector<16xi32>
        %sub3A_281 = arith.subi %sub3A_280, %masked_cumsum3A : vector<16xi32>
        %add3A_282 = arith.addi %sub3A_281, %convert_element_type3A_274 : vector<16xi32>
        %le3A = vector.broadcast %scan3A_264 : i32 to vector<16xi32>
        %le3A_283 = arith.cmpi sle, %add3A_282, %le3A : vector<16xi32>
        %and3A_284 = arith.andi %eq3A_273, %le3A_283 : vector<16xi1>
        %get3A_285 = arith.index_cast %mul3A_268 : i32 to index
        %get3A_286 = tpu.vector_load %arg6[%get3A_285] {strides = array<i32>} : memref<8192xf32, #tpu.memory_space<vmem>>, vector<16xf32>,
        %jit3A_287 = arith.constant 0.000000e+00 : f32
        %broadcast_in_dim3A_288 = vector.broadcast %jit3A_287 : f32 to vector<16xf32>
        %select_n3A_289 = arith.select %and3A_284, %broadcast_in_dim3A_288, %get3A_286 : vector<16xi1>, vector<16xf32>
        %swap3A = arith.index_cast %mul3A_268 : i32 to index
        %swap3A_290 = tpu.vector_load %arg6[%swap3A] {strides = array<i32>} : memref<8192xf32, #tpu.memory_space<vmem>>, vector<16xf32>,
        tpu.vector_store %arg6[%swap3A], %select_n3A_289 {strides = array<i32>} : memref<8192xf32, #tpu.memory_space<vmem>>, vector<16xf32>,
        %sub3A_291 = arith.subi %scan3A_264, %reduce_sum3A_279 : i32
        %max3A = arith.constant 0 : i32
        %max3A_292 = arith.maxsi %sub3A_291, %max3A : i32
        scf.yield %max3A_292 : i32
      }
      %scan3A_262 = arith.constant 512 : i32
    } else {
    }
    %dma_start3A_114 = arith.constant 0 : i32
    %dma_start3A_115 = tpu.memref_slice %arg3[%mul3A_2, %dma_start3A_114] : memref<64x8192xf32, #tpu.memory_space<hbm>> -> memref<1x8192xf32, #tpu.memory_space<hbm>>
    %dma_start3A_116 = tpu.memref_squeeze %dma_start3A_115 : memref<1x8192xf32, #tpu.memory_space<hbm>> -> memref<8192xf32, #tpu.memory_space<hbm>>
    %dma_start3A_117 = arith.constant 0 : i32
    %dma_start3A_118 = tpu.memref_slice %arg3[%mul3A_2, %dma_start3A_117] : memref<64x8192xf32, #tpu.memory_space<hbm>> -> memref<1x8192xf32, #tpu.memory_space<hbm>>
    %dma_start3A_119 = tpu.memref_squeeze %dma_start3A_118 : memref<1x8192xf32, #tpu.memory_space<hbm>> -> memref<8192xf32, #tpu.memory_space<hbm>>
    tpu.enqueue_dma source(%arg6 : memref<8192xf32, #tpu.memory_space<vmem>>) target(%dma_start3A_119 : memref<8192xf32, #tpu.memory_space<hbm>>) target_semaphore(%arg13 : memref<!tpu.dma_semaphore, #tpu.memory_space<semaphore_mem>>)
    %dma_wait3A_120 = arith.constant 0 : i32
    %dma_wait3A_121 = tpu.memref_slice %arg2[%add3A_4, %dma_wait3A_120] : memref<64x8192xf32, #tpu.memory_space<hbm>> -> memref<1x8192xf32, #tpu.memory_space<hbm>>
    %dma_wait3A_122 = tpu.memref_squeeze %dma_wait3A_121 : memref<1x8192xf32, #tpu.memory_space<hbm>> -> memref<8192xf32, #tpu.memory_space<hbm>>
    %dma_wait3A_123 = arith.constant 0 : i32
    %dma_wait3A_124 = tpu.memref_slice %arg2[%add3A_4, %dma_wait3A_123] : memref<64x8192xf32, #tpu.memory_space<hbm>> -> memref<1x8192xf32, #tpu.memory_space<hbm>>
    %dma_wait3A_125 = tpu.memref_squeeze %dma_wait3A_124 : memref<1x8192xf32, #tpu.memory_space<hbm>> -> memref<8192xf32, #tpu.memory_space<hbm>>
    tpu.wait_dma2 semaphore(%arg12 : memref<!tpu.dma_semaphore, #tpu.memory_space<semaphore_mem>>) src(%dma_wait3A_125 : memref<8192xf32, #tpu.memory_space<hbm>>) dst(%arg5 : memref<8192xf32, #tpu.memory_space<vmem>>)
    %broadcast_in_dim3A_126 = arith.constant 0 : i32
    %broadcast_in_dim3A_127 = vector.broadcast %broadcast_in_dim3A_126 : i32 to vector<16xi32>
    %iota3A_128 = tpu.iota {dimensions = array<i32: 0>} : vector<16xi32>
    %scan3A_129 = arith.constant 0 : i32
    %scan3A_130 = arith.constant 64 : i32
    %scan3A_131 = arith.addi %scan3A_129, %scan3A_130 : i32
    %scan3A_132 = arith.constant 1 : i32
    %scan3A_133 = scf.for %scan3A_255 = %scan3A_129 to %scan3A_131 step %scan3A_132 iter_args(%scan3A_256 = %broadcast_in_dim3A_127) -> (vector<16xi32>)  : i32 {
      %mul3A_257 = arith.constant 8 : i32
      %mul3A_258 = arith.muli %scan3A_255, %mul3A_257 : i32
      %add3A_259 = arith.constant 0 : i32
      %add3A_260 = arith.addi %mul3A_258, %add3A_259 : i32
      %mul3A_261 = arith.constant 16 : i32
      %mul3A_262 = arith.muli %add3A_260, %mul3A_261 : i32
      %get3A = arith.index_cast %mul3A_262 : i32 to index
      %get3A_263 = tpu.vector_load %arg5[%get3A] {strides = array<i32>} : memref<8192xf32, #tpu.memory_space<vmem>>, vector<16xf32>,
      %bitcast_convert_type3A = tpu.bitcast %get3A_263 : vector<16xf32> -> vector<16xi32>
      %and3A_264 = arith.constant 2147483647 : i32
      %and3A_265 = vector.broadcast %and3A_264 : i32 to vector<16xi32>
      %and3A_266 = arith.andi %bitcast_convert_type3A, %and3A_265 : vector<16xi32>
      %ge3A_267 = arith.constant 1073741824 : i32
      %ge3A_268 = vector.broadcast %ge3A_267 : i32 to vector<16xi32>
      %ge3A_269 = arith.cmpi sge, %and3A_266, %ge3A_268 : vector<16xi32>
      %all_reduce_population_count3A = tpu.all_reduce %ge3A_269 {dim = 0 : i64, kind = #tpu.reduction_kind<sum>} : vector<16xi1> -> vector<16xi32>
      %mul3A_270 = arith.constant 16 : i32
      %mul3A_271 = arith.muli %add3A_260, %mul3A_270 : i32
      %swap3A = arith.index_cast %mul3A_271 : i32 to index
      %swap3A_272 = tpu.vector_load %arg9[%swap3A] {strides = array<i32>} : memref<8192xi32, #tpu.memory_space<vmem>>, vector<16xi32>,
      tpu.vector_store %arg9[%swap3A], %all_reduce_population_count3A {strides = array<i32>} : memref<8192xi32, #tpu.memory_space<vmem>>, vector<16xi32>,
      %add3A_273 = arith.addi %scan3A_256, %all_reduce_population_count3A : vector<16xi32>
      %mul3A_274 = arith.constant 8 : i32
      %mul3A_275 = arith.muli %scan3A_255, %mul3A_274 : i32
      %add3A_276 = arith.constant 1 : i32
      %add3A_277 = arith.addi %mul3A_275, %add3A_276 : i32
      %mul3A_278 = arith.constant 16 : i32
      %mul3A_279 = arith.muli %add3A_277, %mul3A_278 : i32
      %get3A_280 = arith.index_cast %mul3A_279 : i32 to index
      %get3A_281 = tpu.vector_load %arg5[%get3A_280] {strides = array<i32>} : memref<8192xf32, #tpu.memory_space<vmem>>, vector<16xf32>,
      %bitcast_convert_type3A_282 = tpu.bitcast %get3A_281 : vector<16xf32> -> vector<16xi32>
      %and3A_283 = arith.constant 2147483647 : i32
      %and3A_284 = vector.broadcast %and3A_283 : i32 to vector<16xi32>
      %and3A_285 = arith.andi %bitcast_convert_type3A_282, %and3A_284 : vector<16xi32>
      %ge3A_286 = arith.constant 1073741824 : i32
      %ge3A_287 = vector.broadcast %ge3A_286 : i32 to vector<16xi32>
      %ge3A_288 = arith.cmpi sge, %and3A_285, %ge3A_287 : vector<16xi32>
      %all_reduce_population_count3A_289 = tpu.all_reduce %ge3A_288 {dim = 0 : i64, kind = #tpu.reduction_kind<sum>} : vector<16xi1> -> vector<16xi32>
      %mul3A_290 = arith.constant 16 : i32
      %mul3A_291 = arith.muli %add3A_277, %mul3A_290 : i32
      %swap3A_292 = arith.index_cast %mul3A_291 : i32 to index
      %swap3A_293 = tpu.vector_load %arg9[%swap3A_292] {strides = array<i32>} : memref<8192xi32, #tpu.memory_space<vmem>>, vector<16xi32>,
      tpu.vector_store %arg9[%swap3A_292], %all_reduce_population_count3A_289 {strides = array<i32>} : memref<8192xi32, #tpu.memory_space<vmem>>, vector<16xi32>,
      %add3A_294 = arith.addi %add3A_273, %all_reduce_population_count3A_289 : vector<16xi32>
      %mul3A_295 = arith.constant 8 : i32
      %mul3A_296 = arith.muli %scan3A_255, %mul3A_295 : i32
      %add3A_297 = arith.constant 2 : i32
      %add3A_298 = arith.addi %mul3A_296, %add3A_297 : i32
      %mul3A_299 = arith.constant 16 : i32
      %mul3A_300 = arith.muli %add3A_298, %mul3A_299 : i32
      %get3A_301 = arith.index_cast %mul3A_300 : i32 to index
      %get3A_302 = tpu.vector_load %arg5[%get3A_301] {strides = array<i32>} : memref<8192xf32, #tpu.memory_space<vmem>>, vector<16xf32>,
      %bitcast_convert_type3A_303 = tpu.bitcast %get3A_302 : vector<16xf32> -> vector<16xi32>
      %and3A_304 = arith.constant 2147483647 : i32
      %and3A_305 = vector.broadcast %and3A_304 : i32 to vector<16xi32>
      %and3A_306 = arith.andi %bitcast_convert_type3A_303, %and3A_305 : vector<16xi32>
      %ge3A_307 = arith.constant 1073741824 : i32
      %ge3A_308 = vector.broadcast %ge3A_307 : i32 to vector<16xi32>
      %ge3A_309 = arith.cmpi sge, %and3A_306, %ge3A_308 : vector<16xi32>
      %all_reduce_population_count3A_310 = tpu.all_reduce %ge3A_309 {dim = 0 : i64, kind = #tpu.reduction_kind<sum>} : vector<16xi1> -> vector<16xi32>
      %mul3A_311 = arith.constant 16 : i32
      %mul3A_312 = arith.muli %add3A_298, %mul3A_311 : i32
      %swap3A_313 = arith.index_cast %mul3A_312 : i32 to index
      %swap3A_314 = tpu.vector_load %arg9[%swap3A_313] {strides = array<i32>} : memref<8192xi32, #tpu.memory_space<vmem>>, vector<16xi32>,
      tpu.vector_store %arg9[%swap3A_313], %all_reduce_population_count3A_310 {strides = array<i32>} : memref<8192xi32, #tpu.memory_space<vmem>>, vector<16xi32>,
      %add3A_315 = arith.addi %add3A_294, %all_reduce_population_count3A_310 : vector<16xi32>
      %mul3A_316 = arith.constant 8 : i32
      %mul3A_317 = arith.muli %scan3A_255, %mul3A_316 : i32
      %add3A_318 = arith.constant 3 : i32
      %add3A_319 = arith.addi %mul3A_317, %add3A_318 : i32
      %mul3A_320 = arith.constant 16 : i32
      %mul3A_321 = arith.muli %add3A_319, %mul3A_320 : i32
      %get3A_322 = arith.index_cast %mul3A_321 : i32 to index
      %get3A_323 = tpu.vector_load %arg5[%get3A_322] {strides = array<i32>} : memref<8192xf32, #tpu.memory_space<vmem>>, vector<16xf32>,
      %bitcast_convert_type3A_324 = tpu.bitcast %get3A_323 : vector<16xf32> -> vector<16xi32>
      %and3A_325 = arith.constant 2147483647 : i32
      %and3A_326 = vector.broadcast %and3A_325 : i32 to vector<16xi32>
      %and3A_327 = arith.andi %bitcast_convert_type3A_324, %and3A_326 : vector<16xi32>
      %ge3A_328 = arith.constant 1073741824 : i32
      %ge3A_329 = vector.broadcast %ge3A_328 : i32 to vector<16xi32>
      %ge3A_330 = arith.cmpi sge, %and3A_327, %ge3A_329 : vector<16xi32>
      %all_reduce_population_count3A_331 = tpu.all_reduce %ge3A_330 {dim = 0 : i64, kind = #tpu.reduction_kind<sum>} : vector<16xi1> -> vector<16xi32>
      %mul3A_332 = arith.constant 16 : i32
      %mul3A_333 = arith.muli %add3A_319, %mul3A_332 : i32
      %swap3A_334 = arith.index_cast %mul3A_333 : i32 to index
      %swap3A_335 = tpu.vector_load %arg9[%swap3A_334] {strides = array<i32>} : memref<8192xi32, #tpu.memory_space<vmem>>, vector<16xi32>,
      tpu.vector_store %arg9[%swap3A_334], %all_reduce_population_count3A_331 {strides = array<i32>} : memref<8192xi32, #tpu.memory_space<vmem>>, vector<16xi32>,
      %add3A_336 = arith.addi %add3A_315, %all_reduce_population_count3A_331 : vector<16xi32>
      %mul3A_337 = arith.constant 8 : i32
      %mul3A_338 = arith.muli %scan3A_255, %mul3A_337 : i32
      %add3A_339 = arith.constant 4 : i32
      %add3A_340 = arith.addi %mul3A_338, %add3A_339 : i32
      %mul3A_341 = arith.constant 16 : i32
      %mul3A_342 = arith.muli %add3A_340, %mul3A_341 : i32
      %get3A_343 = arith.index_cast %mul3A_342 : i32 to index
      %get3A_344 = tpu.vector_load %arg5[%get3A_343] {strides = array<i32>} : memref<8192xf32, #tpu.memory_space<vmem>>, vector<16xf32>,
      %bitcast_convert_type3A_345 = tpu.bitcast %get3A_344 : vector<16xf32> -> vector<16xi32>
      %and3A_346 = arith.constant 2147483647 : i32
      %and3A_347 = vector.broadcast %and3A_346 : i32 to vector<16xi32>
      %and3A_348 = arith.andi %bitcast_convert_type3A_345, %and3A_347 : vector<16xi32>
      %ge3A_349 = arith.constant 1073741824 : i32
      %ge3A_350 = vector.broadcast %ge3A_349 : i32 to vector<16xi32>
      %ge3A_351 = arith.cmpi sge, %and3A_348, %ge3A_350 : vector<16xi32>
      %all_reduce_population_count3A_352 = tpu.all_reduce %ge3A_351 {dim = 0 : i64, kind = #tpu.reduction_kind<sum>} : vector<16xi1> -> vector<16xi32>
      %mul3A_353 = arith.constant 16 : i32
      %mul3A_354 = arith.muli %add3A_340, %mul3A_353 : i32
      %swap3A_355 = arith.index_cast %mul3A_354 : i32 to index
      %swap3A_356 = tpu.vector_load %arg9[%swap3A_355] {strides = array<i32>} : memref<8192xi32, #tpu.memory_space<vmem>>, vector<16xi32>,
      tpu.vector_store %arg9[%swap3A_355], %all_reduce_population_count3A_352 {strides = array<i32>} : memref<8192xi32, #tpu.memory_space<vmem>>, vector<16xi32>,
      %add3A_357 = arith.addi %add3A_336, %all_reduce_population_count3A_352 : vector<16xi32>
      %mul3A_358 = arith.constant 8 : i32
      %mul3A_359 = arith.muli %scan3A_255, %mul3A_358 : i32
      %add3A_360 = arith.constant 5 : i32
      %add3A_361 = arith.addi %mul3A_359, %add3A_360 : i32
      %mul3A_362 = arith.constant 16 : i32
      %mul3A_363 = arith.muli %add3A_361, %mul3A_362 : i32
      %get3A_364 = arith.index_cast %mul3A_363 : i32 to index
      %get3A_365 = tpu.vector_load %arg5[%get3A_364] {strides = array<i32>} : memref<8192xf32, #tpu.memory_space<vmem>>, vector<16xf32>,
      %bitcast_convert_type3A_366 = tpu.bitcast %get3A_365 : vector<16xf32> -> vector<16xi32>
      %and3A_367 = arith.constant 2147483647 : i32
      %and3A_368 = vector.broadcast %and3A_367 : i32 to vector<16xi32>
      %and3A_369 = arith.andi %bitcast_convert_type3A_366, %and3A_368 : vector<16xi32>
      %ge3A_370 = arith.constant 1073741824 : i32
      %ge3A_371 = vector.broadcast %ge3A_370 : i32 to vector<16xi32>
      %ge3A_372 = arith.cmpi sge, %and3A_369, %ge3A_371 : vector<16xi32>
      %all_reduce_population_count3A_373 = tpu.all_reduce %ge3A_372 {dim = 0 : i64, kind = #tpu.reduction_kind<sum>} : vector<16xi1> -> vector<16xi32>
      %mul3A_374 = arith.constant 16 : i32
      %mul3A_375 = arith.muli %add3A_361, %mul3A_374 : i32
      %swap3A_376 = arith.index_cast %mul3A_375 : i32 to index
      %swap3A_377 = tpu.vector_load %arg9[%swap3A_376] {strides = array<i32>} : memref<8192xi32, #tpu.memory_space<vmem>>, vector<16xi32>,
      tpu.vector_store %arg9[%swap3A_376], %all_reduce_population_count3A_373 {strides = array<i32>} : memref<8192xi32, #tpu.memory_space<vmem>>, vector<16xi32>,
      %add3A_378 = arith.addi %add3A_357, %all_reduce_population_count3A_373 : vector<16xi32>
      %mul3A_379 = arith.constant 8 : i32
      %mul3A_380 = arith.muli %scan3A_255, %mul3A_379 : i32
      %add3A_381 = arith.constant 6 : i32
      %add3A_382 = arith.addi %mul3A_380, %add3A_381 : i32
      %mul3A_383 = arith.constant 16 : i32
      %mul3A_384 = arith.muli %add3A_382, %mul3A_383 : i32
      %get3A_385 = arith.index_cast %mul3A_384 : i32 to index
      %get3A_386 = tpu.vector_load %arg5[%get3A_385] {strides = array<i32>} : memref<8192xf32, #tpu.memory_space<vmem>>, vector<16xf32>,
      %bitcast_convert_type3A_387 = tpu.bitcast %get3A_386 : vector<16xf32> -> vector<16xi32>
      %and3A_388 = arith.constant 2147483647 : i32
      %and3A_389 = vector.broadcast %and3A_388 : i32 to vector<16xi32>
      %and3A_390 = arith.andi %bitcast_convert_type3A_387, %and3A_389 : vector<16xi32>
      %ge3A_391 = arith.constant 1073741824 : i32
      %ge3A_392 = vector.broadcast %ge3A_391 : i32 to vector<16xi32>
      %ge3A_393 = arith.cmpi sge, %and3A_390, %ge3A_392 : vector<16xi32>
      %all_reduce_population_count3A_394 = tpu.all_reduce %ge3A_393 {dim = 0 : i64, kind = #tpu.reduction_kind<sum>} : vector<16xi1> -> vector<16xi32>
      %mul3A_395 = arith.constant 16 : i32
      %mul3A_396 = arith.muli %add3A_382, %mul3A_395 : i32
      %swap3A_397 = arith.index_cast %mul3A_396 : i32 to index
      %swap3A_398 = tpu.vector_load %arg9[%swap3A_397] {strides = array<i32>} : memref<8192xi32, #tpu.memory_space<vmem>>, vector<16xi32>,
      tpu.vector_store %arg9[%swap3A_397], %all_reduce_population_count3A_394 {strides = array<i32>} : memref<8192xi32, #tpu.memory_space<vmem>>, vector<16xi32>,
      %add3A_399 = arith.addi %add3A_378, %all_reduce_population_count3A_394 : vector<16xi32>
      %mul3A_400 = arith.constant 8 : i32
      %mul3A_401 = arith.muli %scan3A_255, %mul3A_400 : i32
      %add3A_402 = arith.constant 7 : i32
      %add3A_403 = arith.addi %mul3A_401, %add3A_402 : i32
      %mul3A_404 = arith.constant 16 : i32
      %mul3A_405 = arith.muli %add3A_403, %mul3A_404 : i32
      %get3A_406 = arith.index_cast %mul3A_405 : i32 to index
      %get3A_407 = tpu.vector_load %arg5[%get3A_406] {strides = array<i32>} : memref<8192xf32, #tpu.memory_space<vmem>>, vector<16xf32>,
      %bitcast_convert_type3A_408 = tpu.bitcast %get3A_407 : vector<16xf32> -> vector<16xi32>
      %and3A_409 = arith.constant 2147483647 : i32
      %and3A_410 = vector.broadcast %and3A_409 : i32 to vector<16xi32>
      %and3A_411 = arith.andi %bitcast_convert_type3A_408, %and3A_410 : vector<16xi32>
      %ge3A_412 = arith.constant 1073741824 : i32
      %ge3A_413 = vector.broadcast %ge3A_412 : i32 to vector<16xi32>
      %ge3A_414 = arith.cmpi sge, %and3A_411, %ge3A_413 : vector<16xi32>
      %all_reduce_population_count3A_415 = tpu.all_reduce %ge3A_414 {dim = 0 : i64, kind = #tpu.reduction_kind<sum>} : vector<16xi1> -> vector<16xi32>
      %mul3A_416 = arith.constant 16 : i32
      %mul3A_417 = arith.muli %add3A_403, %mul3A_416 : i32
      %swap3A_418 = arith.index_cast %mul3A_417 : i32 to index
      %swap3A_419 = tpu.vector_load %arg9[%swap3A_418] {strides = array<i32>} : memref<8192xi32, #tpu.memory_space<vmem>>, vector<16xi32>,
      tpu.vector_store %arg9[%swap3A_418], %all_reduce_population_count3A_415 {strides = array<i32>} : memref<8192xi32, #tpu.memory_space<vmem>>, vector<16xi32>,
      %add3A_420 = arith.addi %add3A_399, %all_reduce_population_count3A_415 : vector<16xi32>
      scf.yield %add3A_420 : vector<16xi32>
    }
    %scan3A_134 = arith.constant 64 : i32
    %slice3A_135 = vector.extract_strided_slice %scan3A_133 {offsets = [0], sizes = [1], strides = [1]} : vector<16xi32> to vector<1xi32>
    %squeeze3A_136 = vector.extract %slice3A_135[0] : i32 from vector<1xi32>
    %ge3A_137 = arith.constant 256 : i32
    %ge3A_138 = arith.cmpi sge, %squeeze3A_136, %ge3A_137 : i32
    %jit3A_139 = arith.constant 1073741824 : i32
    %jit3A_140 = arith.constant 0 : i32
    %select_n3A_141 = arith.select %ge3A_138, %jit3A_139, %jit3A_140 : i32
    %jit3A_142 = arith.constant 2139095040 : i32
    %jit3A_143 = arith.constant 1073741824 : i32
    %select_n3A_144 = arith.select %ge3A_138, %jit3A_142, %jit3A_143 : i32
    %jit3A_145 = arith.constant 0 : i32
    %select_n3A_146 = arith.select %ge3A_138, %jit3A_145, %squeeze3A_136 : i32
    %jit3A_147 = arith.constant 8192 : i32
    %select_n3A_148 = arith.select %ge3A_138, %squeeze3A_136, %jit3A_147 : i32
    %sub3A_149 = arith.constant 8192 : i32
    %sub3A_150 = arith.subi %sub3A_149, %squeeze3A_136 : i32
    %select_n3A_151 = arith.select %ge3A_138, %squeeze3A_136, %sub3A_150 : i32
    %scan3A_152 = arith.constant 0 : i32
    %scan3A_153 = arith.constant 0 : i32
    %scan3A_154 = arith.constant 32 : i32
    %scan3A_155 = arith.addi %scan3A_153, %scan3A_154 : i32
    %scan3A_156 = arith.constant 1 : i32
    %scan3A_157 = scf.for %scan3A_255 = %scan3A_153 to %scan3A_155 step %scan3A_156 iter_args(%scan3A_256 = %scan3A_152) -> (i32)  : i32 {
      %mul3A_257 = arith.constant 16 : i32
      %mul3A_258 = arith.muli %scan3A_255, %mul3A_257 : i32
      %add3A_259 = vector.broadcast %mul3A_258 : i32 to vector<16xi32>
      %add3A_260 = arith.addi %add3A_259, %iota3A_128 : vector<16xi32>
      %mul3A_261 = arith.constant 16 : i32
      %mul3A_262 = vector.broadcast %mul3A_261 : i32 to vector<16xi32>
      %mul3A_263 = arith.muli %add3A_260, %mul3A_262 : vector<16xi32>
      %gather3A = tpu.vector_load_idx %arg9[%mul3A_263] : memref<8192xi32, #tpu.memory_space<vmem>>[vector<16xi32>], vector<16xi32>,
      %broadcast_in_dim3A_264 = arith.constant true
      %broadcast_in_dim3A_265 = vector.broadcast %broadcast_in_dim3A_264 : i1 to vector<16xi1>
      %masked_cumsum3A = tpu.scan <sum>, %gather3A masked %broadcast_in_dim3A_265 : vector<16xi32>, vector<16xi1> -> vector<16xi32>
      %sub3A_266 = arith.subi %masked_cumsum3A, %gather3A : vector<16xi32>
      %add3A_267 = vector.broadcast %scan3A_256 : i32 to vector<16xi32>
      %add3A_268 = arith.addi %sub3A_266, %add3A_267 : vector<16xi32>
      %mul3A_269 = arith.constant 16 : i32
      %mul3A_270 = arith.muli %scan3A_255, %mul3A_269 : i32
      %swap3A = arith.index_cast %mul3A_270 : i32 to index
      %swap3A_271 = tpu.vector_load %arg10[%swap3A] {strides = array<i32>} : memref<512xi32, #tpu.memory_space<vmem>>, vector<16xi32>,
      tpu.vector_store %arg10[%swap3A], %add3A_268 {strides = array<i32>} : memref<512xi32, #tpu.memory_space<vmem>>, vector<16xi32>,
      %slice3A_272 = vector.extract_strided_slice %masked_cumsum3A {offsets = [15], sizes = [1], strides = [1]} : vector<16xi32> to vector<1xi32>
      %squeeze3A_273 = vector.extract %slice3A_272[0] : i32 from vector<1xi32>
      %add3A_274 = arith.addi %scan3A_256, %squeeze3A_273 : i32
      scf.yield %add3A_274 : i32
    }
    %scan3A_158 = arith.constant 32 : i32
    %scan3A_159 = arith.constant 0 : i32
    %scan3A_160 = arith.constant 0 : i32
    %scan3A_161 = arith.constant 32 : i32
    %scan3A_162 = arith.addi %scan3A_160, %scan3A_161 : i32
    %scan3A_163 = arith.constant 1 : i32
    scf.for %scan3A_255 = %scan3A_160 to %scan3A_162 step %scan3A_163  : i32 {
      %mul3A_256 = arith.constant 16 : i32
      %mul3A_257 = arith.muli %scan3A_255, %mul3A_256 : i32
      %get3A = arith.index_cast %mul3A_257 : i32 to index
      %get3A_258 = tpu.vector_load %arg10[%get3A] {strides = array<i32>} : memref<512xi32, #tpu.memory_space<vmem>>, vector<16xi32>,
      %mul3A_259 = arith.constant 16 : i32
      %mul3A_260 = arith.muli %scan3A_255, %mul3A_259 : i32
      %add3A_261 = arith.constant 0 : i32
      %add3A_262 = arith.addi %mul3A_260, %add3A_261 : i32
      %mul3A_263 = arith.constant 16 : i32
      %mul3A_264 = arith.muli %add3A_262, %mul3A_263 : i32
      %get3A_265 = arith.index_cast %mul3A_264 : i32 to index
      %get3A_266 = tpu.vector_load %arg5[%get3A_265] {strides = array<i32>} : memref<8192xf32, #tpu.memory_space<vmem>>, vector<16xf32>,
      %bitcast_convert_type3A = tpu.bitcast %get3A_266 : vector<16xf32> -> vector<16xi32>
      %and3A_267 = arith.constant 2147483647 : i32
      %and3A_268 = vector.broadcast %and3A_267 : i32 to vector<16xi32>
      %and3A_269 = arith.andi %bitcast_convert_type3A, %and3A_268 : vector<16xi32>
      %ge3A_270 = arith.constant 1073741824 : i32
      %ge3A_271 = vector.broadcast %ge3A_270 : i32 to vector<16xi32>
      %ge3A_272 = arith.cmpi sge, %and3A_269, %ge3A_271 : vector<16xi32>
      %eq3A = vector.broadcast %ge3A_138 : i1 to vector<16xi1>
      %eq3A_273 = vector.broadcast %eq3A : vector<16xi1> to vector<16xi1>
      %eq3A_274 = arith.xori %ge3A_272, %eq3A_273 : vector<16xi1>
      %eq3A_275 = arith.constant dense<true> : vector<16xi1>
      %eq3A_276 = arith.xori %eq3A_274, %eq3A_275 : vector<16xi1>
      %slice3A_277 = vector.extract_strided_slice %get3A_258 {offsets = [0], sizes = [1], strides = [1]} : vector<16xi32> to vector<1xi32>
      %squeeze3A_278 = vector.extract %slice3A_277[0] : i32 from vector<1xi32>
      %mul3A_279 = arith.constant 16 : i32
      %mul3A_280 = arith.muli %add3A_262, %mul3A_279 : i32
      %sub3A_281 = arith.subi %mul3A_280, %squeeze3A_278 : i32
      %select_n3A_282 = arith.select %ge3A_138, %squeeze3A_278, %sub3A_281 : i32
      %swap3A = arith.index_cast %select_n3A_282 : i32 to index
      %swap3A_283 = tpu.vector_load %arg8[%swap3A] masked %eq3A_276 {strides = array<i32>} : memref<8320xi32, #tpu.memory_space<vmem>>, vector<16xi32>, vector<16xi1>
      tpu.vector_store %arg8[%swap3A], %and3A_269 masked %eq3A_276 {strides = array<i32>} : memref<8320xi32, #tpu.memory_space<vmem>>, vector<16xi32>, vector<16xi1>
      %mul3A_284 = arith.constant 16 : i32
      %mul3A_285 = arith.muli %scan3A_255, %mul3A_284 : i32
      %add3A_286 = arith.constant 1 : i32
      %add3A_287 = arith.addi %mul3A_285, %add3A_286 : i32
      %mul3A_288 = arith.constant 16 : i32
      %mul3A_289 = arith.muli %add3A_287, %mul3A_288 : i32
      %get3A_290 = arith.index_cast %mul3A_289 : i32 to index
      %get3A_291 = tpu.vector_load %arg5[%get3A_290] {strides = array<i32>} : memref<8192xf32, #tpu.memory_space<vmem>>, vector<16xf32>,
      %bitcast_convert_type3A_292 = tpu.bitcast %get3A_291 : vector<16xf32> -> vector<16xi32>
      %and3A_293 = arith.constant 2147483647 : i32
      %and3A_294 = vector.broadcast %and3A_293 : i32 to vector<16xi32>
      %and3A_295 = arith.andi %bitcast_convert_type3A_292, %and3A_294 : vector<16xi32>
      %ge3A_296 = arith.constant 1073741824 : i32
      %ge3A_297 = vector.broadcast %ge3A_296 : i32 to vector<16xi32>
      %ge3A_298 = arith.cmpi sge, %and3A_295, %ge3A_297 : vector<16xi32>
      %eq3A_299 = vector.broadcast %ge3A_138 : i1 to vector<16xi1>
      %eq3A_300 = vector.broadcast %eq3A_299 : vector<16xi1> to vector<16xi1>
      %eq3A_301 = arith.xori %ge3A_298, %eq3A_300 : vector<16xi1>
      %eq3A_302 = arith.constant dense<true> : vector<16xi1>
      %eq3A_303 = arith.xori %eq3A_301, %eq3A_302 : vector<16xi1>
      %slice3A_304 = vector.extract_strided_slice %get3A_258 {offsets = [1], sizes = [1], strides = [1]} : vector<16xi32> to vector<1xi32>
      %squeeze3A_305 = vector.extract %slice3A_304[0] : i32 from vector<1xi32>
      %mul3A_306 = arith.constant 16 : i32
      %mul3A_307 = arith.muli %add3A_287, %mul3A_306 : i32
      %sub3A_308 = arith.subi %mul3A_307, %squeeze3A_305 : i32
      %select_n3A_309 = arith.select %ge3A_138, %squeeze3A_305, %sub3A_308 : i32
      %swap3A_310 = arith.index_cast %select_n3A_309 : i32 to index
      %swap3A_311 = tpu.vector_load %arg8[%swap3A_310] masked %eq3A_303 {strides = array<i32>} : memref<8320xi32, #tpu.memory_space<vmem>>, vector<16xi32>, vector<16xi1>
      tpu.vector_store %arg8[%swap3A_310], %and3A_295 masked %eq3A_303 {strides = array<i32>} : memref<8320xi32, #tpu.memory_space<vmem>>, vector<16xi32>, vector<16xi1>
      %mul3A_312 = arith.constant 16 : i32
      %mul3A_313 = arith.muli %scan3A_255, %mul3A_312 : i32
      %add3A_314 = arith.constant 2 : i32
      %add3A_315 = arith.addi %mul3A_313, %add3A_314 : i32
      %mul3A_316 = arith.constant 16 : i32
      %mul3A_317 = arith.muli %add3A_315, %mul3A_316 : i32
      %get3A_318 = arith.index_cast %mul3A_317 : i32 to index
      %get3A_319 = tpu.vector_load %arg5[%get3A_318] {strides = array<i32>} : memref<8192xf32, #tpu.memory_space<vmem>>, vector<16xf32>,
      %bitcast_convert_type3A_320 = tpu.bitcast %get3A_319 : vector<16xf32> -> vector<16xi32>
      %and3A_321 = arith.constant 2147483647 : i32
      %and3A_322 = vector.broadcast %and3A_321 : i32 to vector<16xi32>
      %and3A_323 = arith.andi %bitcast_convert_type3A_320, %and3A_322 : vector<16xi32>
      %ge3A_324 = arith.constant 1073741824 : i32
      %ge3A_325 = vector.broadcast %ge3A_324 : i32 to vector<16xi32>
      %ge3A_326 = arith.cmpi sge, %and3A_323, %ge3A_325 : vector<16xi32>
      %eq3A_327 = vector.broadcast %ge3A_138 : i1 to vector<16xi1>
      %eq3A_328 = vector.broadcast %eq3A_327 : vector<16xi1> to vector<16xi1>
      %eq3A_329 = arith.xori %ge3A_326, %eq3A_328 : vector<16xi1>
      %eq3A_330 = arith.constant dense<true> : vector<16xi1>
      %eq3A_331 = arith.xori %eq3A_329, %eq3A_330 : vector<16xi1>
      %slice3A_332 = vector.extract_strided_slice %get3A_258 {offsets = [2], sizes = [1], strides = [1]} : vector<16xi32> to vector<1xi32>
      %squeeze3A_333 = vector.extract %slice3A_332[0] : i32 from vector<1xi32>
      %mul3A_334 = arith.constant 16 : i32
      %mul3A_335 = arith.muli %add3A_315, %mul3A_334 : i32
      %sub3A_336 = arith.subi %mul3A_335, %squeeze3A_333 : i32
      %select_n3A_337 = arith.select %ge3A_138, %squeeze3A_333, %sub3A_336 : i32
      %swap3A_338 = arith.index_cast %select_n3A_337 : i32 to index
      %swap3A_339 = tpu.vector_load %arg8[%swap3A_338] masked %eq3A_331 {strides = array<i32>} : memref<8320xi32, #tpu.memory_space<vmem>>, vector<16xi32>, vector<16xi1>
      tpu.vector_store %arg8[%swap3A_338], %and3A_323 masked %eq3A_331 {strides = array<i32>} : memref<8320xi32, #tpu.memory_space<vmem>>, vector<16xi32>, vector<16xi1>
      %mul3A_340 = arith.constant 16 : i32
      %mul3A_341 = arith.muli %scan3A_255, %mul3A_340 : i32
      %add3A_342 = arith.constant 3 : i32
      %add3A_343 = arith.addi %mul3A_341, %add3A_342 : i32
      %mul3A_344 = arith.constant 16 : i32
      %mul3A_345 = arith.muli %add3A_343, %mul3A_344 : i32
      %get3A_346 = arith.index_cast %mul3A_345 : i32 to index
      %get3A_347 = tpu.vector_load %arg5[%get3A_346] {strides = array<i32>} : memref<8192xf32, #tpu.memory_space<vmem>>, vector<16xf32>,
      %bitcast_convert_type3A_348 = tpu.bitcast %get3A_347 : vector<16xf32> -> vector<16xi32>
      %and3A_349 = arith.constant 2147483647 : i32
      %and3A_350 = vector.broadcast %and3A_349 : i32 to vector<16xi32>
      %and3A_351 = arith.andi %bitcast_convert_type3A_348, %and3A_350 : vector<16xi32>
      %ge3A_352 = arith.constant 1073741824 : i32
      %ge3A_353 = vector.broadcast %ge3A_352 : i32 to vector<16xi32>
      %ge3A_354 = arith.cmpi sge, %and3A_351, %ge3A_353 : vector<16xi32>
      %eq3A_355 = vector.broadcast %ge3A_138 : i1 to vector<16xi1>
      %eq3A_356 = vector.broadcast %eq3A_355 : vector<16xi1> to vector<16xi1>
      %eq3A_357 = arith.xori %ge3A_354, %eq3A_356 : vector<16xi1>
      %eq3A_358 = arith.constant dense<true> : vector<16xi1>
      %eq3A_359 = arith.xori %eq3A_357, %eq3A_358 : vector<16xi1>
      %slice3A_360 = vector.extract_strided_slice %get3A_258 {offsets = [3], sizes = [1], strides = [1]} : vector<16xi32> to vector<1xi32>
      %squeeze3A_361 = vector.extract %slice3A_360[0] : i32 from vector<1xi32>
      %mul3A_362 = arith.constant 16 : i32
      %mul3A_363 = arith.muli %add3A_343, %mul3A_362 : i32
      %sub3A_364 = arith.subi %mul3A_363, %squeeze3A_361 : i32
      %select_n3A_365 = arith.select %ge3A_138, %squeeze3A_361, %sub3A_364 : i32
      %swap3A_366 = arith.index_cast %select_n3A_365 : i32 to index
      %swap3A_367 = tpu.vector_load %arg8[%swap3A_366] masked %eq3A_359 {strides = array<i32>} : memref<8320xi32, #tpu.memory_space<vmem>>, vector<16xi32>, vector<16xi1>
      tpu.vector_store %arg8[%swap3A_366], %and3A_351 masked %eq3A_359 {strides = array<i32>} : memref<8320xi32, #tpu.memory_space<vmem>>, vector<16xi32>, vector<16xi1>
      %mul3A_368 = arith.constant 16 : i32
      %mul3A_369 = arith.muli %scan3A_255, %mul3A_368 : i32
      %add3A_370 = arith.constant 4 : i32
      %add3A_371 = arith.addi %mul3A_369, %add3A_370 : i32
      %mul3A_372 = arith.constant 16 : i32
      %mul3A_373 = arith.muli %add3A_371, %mul3A_372 : i32
      %get3A_374 = arith.index_cast %mul3A_373 : i32 to index
      %get3A_375 = tpu.vector_load %arg5[%get3A_374] {strides = array<i32>} : memref<8192xf32, #tpu.memory_space<vmem>>, vector<16xf32>,
      %bitcast_convert_type3A_376 = tpu.bitcast %get3A_375 : vector<16xf32> -> vector<16xi32>
      %and3A_377 = arith.constant 2147483647 : i32
      %and3A_378 = vector.broadcast %and3A_377 : i32 to vector<16xi32>
      %and3A_379 = arith.andi %bitcast_convert_type3A_376, %and3A_378 : vector<16xi32>
      %ge3A_380 = arith.constant 1073741824 : i32
      %ge3A_381 = vector.broadcast %ge3A_380 : i32 to vector<16xi32>
      %ge3A_382 = arith.cmpi sge, %and3A_379, %ge3A_381 : vector<16xi32>
      %eq3A_383 = vector.broadcast %ge3A_138 : i1 to vector<16xi1>
      %eq3A_384 = vector.broadcast %eq3A_383 : vector<16xi1> to vector<16xi1>
      %eq3A_385 = arith.xori %ge3A_382, %eq3A_384 : vector<16xi1>
      %eq3A_386 = arith.constant dense<true> : vector<16xi1>
      %eq3A_387 = arith.xori %eq3A_385, %eq3A_386 : vector<16xi1>
      %slice3A_388 = vector.extract_strided_slice %get3A_258 {offsets = [4], sizes = [1], strides = [1]} : vector<16xi32> to vector<1xi32>
      %squeeze3A_389 = vector.extract %slice3A_388[0] : i32 from vector<1xi32>
      %mul3A_390 = arith.constant 16 : i32
      %mul3A_391 = arith.muli %add3A_371, %mul3A_390 : i32
      %sub3A_392 = arith.subi %mul3A_391, %squeeze3A_389 : i32
      %select_n3A_393 = arith.select %ge3A_138, %squeeze3A_389, %sub3A_392 : i32
      %swap3A_394 = arith.index_cast %select_n3A_393 : i32 to index
      %swap3A_395 = tpu.vector_load %arg8[%swap3A_394] masked %eq3A_387 {strides = array<i32>} : memref<8320xi32, #tpu.memory_space<vmem>>, vector<16xi32>, vector<16xi1>
      tpu.vector_store %arg8[%swap3A_394], %and3A_379 masked %eq3A_387 {strides = array<i32>} : memref<8320xi32, #tpu.memory_space<vmem>>, vector<16xi32>, vector<16xi1>
      %mul3A_396 = arith.constant 16 : i32
      %mul3A_397 = arith.muli %scan3A_255, %mul3A_396 : i32
      %add3A_398 = arith.constant 5 : i32
      %add3A_399 = arith.addi %mul3A_397, %add3A_398 : i32
      %mul3A_400 = arith.constant 16 : i32
      %mul3A_401 = arith.muli %add3A_399, %mul3A_400 : i32
      %get3A_402 = arith.index_cast %mul3A_401 : i32 to index
      %get3A_403 = tpu.vector_load %arg5[%get3A_402] {strides = array<i32>} : memref<8192xf32, #tpu.memory_space<vmem>>, vector<16xf32>,
      %bitcast_convert_type3A_404 = tpu.bitcast %get3A_403 : vector<16xf32> -> vector<16xi32>
      %and3A_405 = arith.constant 2147483647 : i32
      %and3A_406 = vector.broadcast %and3A_405 : i32 to vector<16xi32>
      %and3A_407 = arith.andi %bitcast_convert_type3A_404, %and3A_406 : vector<16xi32>
      %ge3A_408 = arith.constant 1073741824 : i32
      %ge3A_409 = vector.broadcast %ge3A_408 : i32 to vector<16xi32>
      %ge3A_410 = arith.cmpi sge, %and3A_407, %ge3A_409 : vector<16xi32>
      %eq3A_411 = vector.broadcast %ge3A_138 : i1 to vector<16xi1>
      %eq3A_412 = vector.broadcast %eq3A_411 : vector<16xi1> to vector<16xi1>
      %eq3A_413 = arith.xori %ge3A_410, %eq3A_412 : vector<16xi1>
      %eq3A_414 = arith.constant dense<true> : vector<16xi1>
      %eq3A_415 = arith.xori %eq3A_413, %eq3A_414 : vector<16xi1>
      %slice3A_416 = vector.extract_strided_slice %get3A_258 {offsets = [5], sizes = [1], strides = [1]} : vector<16xi32> to vector<1xi32>
      %squeeze3A_417 = vector.extract %slice3A_416[0] : i32 from vector<1xi32>
      %mul3A_418 = arith.constant 16 : i32
      %mul3A_419 = arith.muli %add3A_399, %mul3A_418 : i32
      %sub3A_420 = arith.subi %mul3A_419, %squeeze3A_417 : i32
      %select_n3A_421 = arith.select %ge3A_138, %squeeze3A_417, %sub3A_420 : i32
      %swap3A_422 = arith.index_cast %select_n3A_421 : i32 to index
      %swap3A_423 = tpu.vector_load %arg8[%swap3A_422] masked %eq3A_415 {strides = array<i32>} : memref<8320xi32, #tpu.memory_space<vmem>>, vector<16xi32>, vector<16xi1>
      tpu.vector_store %arg8[%swap3A_422], %and3A_407 masked %eq3A_415 {strides = array<i32>} : memref<8320xi32, #tpu.memory_space<vmem>>, vector<16xi32>, vector<16xi1>
      %mul3A_424 = arith.constant 16 : i32
      %mul3A_425 = arith.muli %scan3A_255, %mul3A_424 : i32
      %add3A_426 = arith.constant 6 : i32
      %add3A_427 = arith.addi %mul3A_425, %add3A_426 : i32
      %mul3A_428 = arith.constant 16 : i32
      %mul3A_429 = arith.muli %add3A_427, %mul3A_428 : i32
      %get3A_430 = arith.index_cast %mul3A_429 : i32 to index
      %get3A_431 = tpu.vector_load %arg5[%get3A_430] {strides = array<i32>} : memref<8192xf32, #tpu.memory_space<vmem>>, vector<16xf32>,
      %bitcast_convert_type3A_432 = tpu.bitcast %get3A_431 : vector<16xf32> -> vector<16xi32>
      %and3A_433 = arith.constant 2147483647 : i32
      %and3A_434 = vector.broadcast %and3A_433 : i32 to vector<16xi32>
      %and3A_435 = arith.andi %bitcast_convert_type3A_432, %and3A_434 : vector<16xi32>
      %ge3A_436 = arith.constant 1073741824 : i32
      %ge3A_437 = vector.broadcast %ge3A_436 : i32 to vector<16xi32>
      %ge3A_438 = arith.cmpi sge, %and3A_435, %ge3A_437 : vector<16xi32>
      %eq3A_439 = vector.broadcast %ge3A_138 : i1 to vector<16xi1>
      %eq3A_440 = vector.broadcast %eq3A_439 : vector<16xi1> to vector<16xi1>
      %eq3A_441 = arith.xori %ge3A_438, %eq3A_440 : vector<16xi1>
      %eq3A_442 = arith.constant dense<true> : vector<16xi1>
      %eq3A_443 = arith.xori %eq3A_441, %eq3A_442 : vector<16xi1>
      %slice3A_444 = vector.extract_strided_slice %get3A_258 {offsets = [6], sizes = [1], strides = [1]} : vector<16xi32> to vector<1xi32>
      %squeeze3A_445 = vector.extract %slice3A_444[0] : i32 from vector<1xi32>
      %mul3A_446 = arith.constant 16 : i32
      %mul3A_447 = arith.muli %add3A_427, %mul3A_446 : i32
      %sub3A_448 = arith.subi %mul3A_447, %squeeze3A_445 : i32
      %select_n3A_449 = arith.select %ge3A_138, %squeeze3A_445, %sub3A_448 : i32
      %swap3A_450 = arith.index_cast %select_n3A_449 : i32 to index
      %swap3A_451 = tpu.vector_load %arg8[%swap3A_450] masked %eq3A_443 {strides = array<i32>} : memref<8320xi32, #tpu.memory_space<vmem>>, vector<16xi32>, vector<16xi1>
      tpu.vector_store %arg8[%swap3A_450], %and3A_435 masked %eq3A_443 {strides = array<i32>} : memref<8320xi32, #tpu.memory_space<vmem>>, vector<16xi32>, vector<16xi1>
      %mul3A_452 = arith.constant 16 : i32
      %mul3A_453 = arith.muli %scan3A_255, %mul3A_452 : i32
      %add3A_454 = arith.constant 7 : i32
      %add3A_455 = arith.addi %mul3A_453, %add3A_454 : i32
      %mul3A_456 = arith.constant 16 : i32
      %mul3A_457 = arith.muli %add3A_455, %mul3A_456 : i32
      %get3A_458 = arith.index_cast %mul3A_457 : i32 to index
      %get3A_459 = tpu.vector_load %arg5[%get3A_458] {strides = array<i32>} : memref<8192xf32, #tpu.memory_space<vmem>>, vector<16xf32>,
      %bitcast_convert_type3A_460 = tpu.bitcast %get3A_459 : vector<16xf32> -> vector<16xi32>
      %and3A_461 = arith.constant 2147483647 : i32
      %and3A_462 = vector.broadcast %and3A_461 : i32 to vector<16xi32>
      %and3A_463 = arith.andi %bitcast_convert_type3A_460, %and3A_462 : vector<16xi32>
      %ge3A_464 = arith.constant 1073741824 : i32
      %ge3A_465 = vector.broadcast %ge3A_464 : i32 to vector<16xi32>
      %ge3A_466 = arith.cmpi sge, %and3A_463, %ge3A_465 : vector<16xi32>
      %eq3A_467 = vector.broadcast %ge3A_138 : i1 to vector<16xi1>
      %eq3A_468 = vector.broadcast %eq3A_467 : vector<16xi1> to vector<16xi1>
      %eq3A_469 = arith.xori %ge3A_466, %eq3A_468 : vector<16xi1>
      %eq3A_470 = arith.constant dense<true> : vector<16xi1>
      %eq3A_471 = arith.xori %eq3A_469, %eq3A_470 : vector<16xi1>
      %slice3A_472 = vector.extract_strided_slice %get3A_258 {offsets = [7], sizes = [1], strides = [1]} : vector<16xi32> to vector<1xi32>
      %squeeze3A_473 = vector.extract %slice3A_472[0] : i32 from vector<1xi32>
      %mul3A_474 = arith.constant 16 : i32
      %mul3A_475 = arith.muli %add3A_455, %mul3A_474 : i32
      %sub3A_476 = arith.subi %mul3A_475, %squeeze3A_473 : i32
      %select_n3A_477 = arith.select %ge3A_138, %squeeze3A_473, %sub3A_476 : i32
      %swap3A_478 = arith.index_cast %select_n3A_477 : i32 to index
      %swap3A_479 = tpu.vector_load %arg8[%swap3A_478] masked %eq3A_471 {strides = array<i32>} : memref<8320xi32, #tpu.memory_space<vmem>>, vector<16xi32>, vector<16xi1>
      tpu.vector_store %arg8[%swap3A_478], %and3A_463 masked %eq3A_471 {strides = array<i32>} : memref<8320xi32, #tpu.memory_space<vmem>>, vector<16xi32>, vector<16xi1>
      %mul3A_480 = arith.constant 16 : i32
      %mul3A_481 = arith.muli %scan3A_255, %mul3A_480 : i32
      %add3A_482 = arith.constant 8 : i32
      %add3A_483 = arith.addi %mul3A_481, %add3A_482 : i32
      %mul3A_484 = arith.constant 16 : i32
      %mul3A_485 = arith.muli %add3A_483, %mul3A_484 : i32
      %get3A_486 = arith.index_cast %mul3A_485 : i32 to index
      %get3A_487 = tpu.vector_load %arg5[%get3A_486] {strides = array<i32>} : memref<8192xf32, #tpu.memory_space<vmem>>, vector<16xf32>,
      %bitcast_convert_type3A_488 = tpu.bitcast %get3A_487 : vector<16xf32> -> vector<16xi32>
      %and3A_489 = arith.constant 2147483647 : i32
      %and3A_490 = vector.broadcast %and3A_489 : i32 to vector<16xi32>
      %and3A_491 = arith.andi %bitcast_convert_type3A_488, %and3A_490 : vector<16xi32>
      %ge3A_492 = arith.constant 1073741824 : i32
      %ge3A_493 = vector.broadcast %ge3A_492 : i32 to vector<16xi32>
      %ge3A_494 = arith.cmpi sge, %and3A_491, %ge3A_493 : vector<16xi32>
      %eq3A_495 = vector.broadcast %ge3A_138 : i1 to vector<16xi1>
      %eq3A_496 = vector.broadcast %eq3A_495 : vector<16xi1> to vector<16xi1>
      %eq3A_497 = arith.xori %ge3A_494, %eq3A_496 : vector<16xi1>
      %eq3A_498 = arith.constant dense<true> : vector<16xi1>
      %eq3A_499 = arith.xori %eq3A_497, %eq3A_498 : vector<16xi1>
      %slice3A_500 = vector.extract_strided_slice %get3A_258 {offsets = [8], sizes = [1], strides = [1]} : vector<16xi32> to vector<1xi32>
      %squeeze3A_501 = vector.extract %slice3A_500[0] : i32 from vector<1xi32>
      %mul3A_502 = arith.constant 16 : i32
      %mul3A_503 = arith.muli %add3A_483, %mul3A_502 : i32
      %sub3A_504 = arith.subi %mul3A_503, %squeeze3A_501 : i32
      %select_n3A_505 = arith.select %ge3A_138, %squeeze3A_501, %sub3A_504 : i32
      %swap3A_506 = arith.index_cast %select_n3A_505 : i32 to index
      %swap3A_507 = tpu.vector_load %arg8[%swap3A_506] masked %eq3A_499 {strides = array<i32>} : memref<8320xi32, #tpu.memory_space<vmem>>, vector<16xi32>, vector<16xi1>
      tpu.vector_store %arg8[%swap3A_506], %and3A_491 masked %eq3A_499 {strides = array<i32>} : memref<8320xi32, #tpu.memory_space<vmem>>, vector<16xi32>, vector<16xi1>
      %mul3A_508 = arith.constant 16 : i32
      %mul3A_509 = arith.muli %scan3A_255, %mul3A_508 : i32
      %add3A_510 = arith.constant 9 : i32
      %add3A_511 = arith.addi %mul3A_509, %add3A_510 : i32
      %mul3A_512 = arith.constant 16 : i32
      %mul3A_513 = arith.muli %add3A_511, %mul3A_512 : i32
      %get3A_514 = arith.index_cast %mul3A_513 : i32 to index
      %get3A_515 = tpu.vector_load %arg5[%get3A_514] {strides = array<i32>} : memref<8192xf32, #tpu.memory_space<vmem>>, vector<16xf32>,
      %bitcast_convert_type3A_516 = tpu.bitcast %get3A_515 : vector<16xf32> -> vector<16xi32>
      %and3A_517 = arith.constant 2147483647 : i32
      %and3A_518 = vector.broadcast %and3A_517 : i32 to vector<16xi32>
      %and3A_519 = arith.andi %bitcast_convert_type3A_516, %and3A_518 : vector<16xi32>
      %ge3A_520 = arith.constant 1073741824 : i32
      %ge3A_521 = vector.broadcast %ge3A_520 : i32 to vector<16xi32>
      %ge3A_522 = arith.cmpi sge, %and3A_519, %ge3A_521 : vector<16xi32>
      %eq3A_523 = vector.broadcast %ge3A_138 : i1 to vector<16xi1>
      %eq3A_524 = vector.broadcast %eq3A_523 : vector<16xi1> to vector<16xi1>
      %eq3A_525 = arith.xori %ge3A_522, %eq3A_524 : vector<16xi1>
      %eq3A_526 = arith.constant dense<true> : vector<16xi1>
      %eq3A_527 = arith.xori %eq3A_525, %eq3A_526 : vector<16xi1>
      %slice3A_528 = vector.extract_strided_slice %get3A_258 {offsets = [9], sizes = [1], strides = [1]} : vector<16xi32> to vector<1xi32>
      %squeeze3A_529 = vector.extract %slice3A_528[0] : i32 from vector<1xi32>
      %mul3A_530 = arith.constant 16 : i32
      %mul3A_531 = arith.muli %add3A_511, %mul3A_530 : i32
      %sub3A_532 = arith.subi %mul3A_531, %squeeze3A_529 : i32
      %select_n3A_533 = arith.select %ge3A_138, %squeeze3A_529, %sub3A_532 : i32
      %swap3A_534 = arith.index_cast %select_n3A_533 : i32 to index
      %swap3A_535 = tpu.vector_load %arg8[%swap3A_534] masked %eq3A_527 {strides = array<i32>} : memref<8320xi32, #tpu.memory_space<vmem>>, vector<16xi32>, vector<16xi1>
      tpu.vector_store %arg8[%swap3A_534], %and3A_519 masked %eq3A_527 {strides = array<i32>} : memref<8320xi32, #tpu.memory_space<vmem>>, vector<16xi32>, vector<16xi1>
      %mul3A_536 = arith.constant 16 : i32
      %mul3A_537 = arith.muli %scan3A_255, %mul3A_536 : i32
      %add3A_538 = arith.constant 10 : i32
      %add3A_539 = arith.addi %mul3A_537, %add3A_538 : i32
      %mul3A_540 = arith.constant 16 : i32
      %mul3A_541 = arith.muli %add3A_539, %mul3A_540 : i32
      %get3A_542 = arith.index_cast %mul3A_541 : i32 to index
      %get3A_543 = tpu.vector_load %arg5[%get3A_542] {strides = array<i32>} : memref<8192xf32, #tpu.memory_space<vmem>>, vector<16xf32>,
      %bitcast_convert_type3A_544 = tpu.bitcast %get3A_543 : vector<16xf32> -> vector<16xi32>
      %and3A_545 = arith.constant 2147483647 : i32
      %and3A_546 = vector.broadcast %and3A_545 : i32 to vector<16xi32>
      %and3A_547 = arith.andi %bitcast_convert_type3A_544, %and3A_546 : vector<16xi32>
      %ge3A_548 = arith.constant 1073741824 : i32
      %ge3A_549 = vector.broadcast %ge3A_548 : i32 to vector<16xi32>
      %ge3A_550 = arith.cmpi sge, %and3A_547, %ge3A_549 : vector<16xi32>
      %eq3A_551 = vector.broadcast %ge3A_138 : i1 to vector<16xi1>
      %eq3A_552 = vector.broadcast %eq3A_551 : vector<16xi1> to vector<16xi1>
      %eq3A_553 = arith.xori %ge3A_550, %eq3A_552 : vector<16xi1>
      %eq3A_554 = arith.constant dense<true> : vector<16xi1>
      %eq3A_555 = arith.xori %eq3A_553, %eq3A_554 : vector<16xi1>
      %slice3A_556 = vector.extract_strided_slice %get3A_258 {offsets = [10], sizes = [1], strides = [1]} : vector<16xi32> to vector<1xi32>
      %squeeze3A_557 = vector.extract %slice3A_556[0] : i32 from vector<1xi32>
      %mul3A_558 = arith.constant 16 : i32
      %mul3A_559 = arith.muli %add3A_539, %mul3A_558 : i32
      %sub3A_560 = arith.subi %mul3A_559, %squeeze3A_557 : i32
      %select_n3A_561 = arith.select %ge3A_138, %squeeze3A_557, %sub3A_560 : i32
      %swap3A_562 = arith.index_cast %select_n3A_561 : i32 to index
      %swap3A_563 = tpu.vector_load %arg8[%swap3A_562] masked %eq3A_555 {strides = array<i32>} : memref<8320xi32, #tpu.memory_space<vmem>>, vector<16xi32>, vector<16xi1>
      tpu.vector_store %arg8[%swap3A_562], %and3A_547 masked %eq3A_555 {strides = array<i32>} : memref<8320xi32, #tpu.memory_space<vmem>>, vector<16xi32>, vector<16xi1>
      %mul3A_564 = arith.constant 16 : i32
      %mul3A_565 = arith.muli %scan3A_255, %mul3A_564 : i32
      %add3A_566 = arith.constant 11 : i32
      %add3A_567 = arith.addi %mul3A_565, %add3A_566 : i32
      %mul3A_568 = arith.constant 16 : i32
      %mul3A_569 = arith.muli %add3A_567, %mul3A_568 : i32
      %get3A_570 = arith.index_cast %mul3A_569 : i32 to index
      %get3A_571 = tpu.vector_load %arg5[%get3A_570] {strides = array<i32>} : memref<8192xf32, #tpu.memory_space<vmem>>, vector<16xf32>,
      %bitcast_convert_type3A_572 = tpu.bitcast %get3A_571 : vector<16xf32> -> vector<16xi32>
      %and3A_573 = arith.constant 2147483647 : i32
      %and3A_574 = vector.broadcast %and3A_573 : i32 to vector<16xi32>
      %and3A_575 = arith.andi %bitcast_convert_type3A_572, %and3A_574 : vector<16xi32>
      %ge3A_576 = arith.constant 1073741824 : i32
      %ge3A_577 = vector.broadcast %ge3A_576 : i32 to vector<16xi32>
      %ge3A_578 = arith.cmpi sge, %and3A_575, %ge3A_577 : vector<16xi32>
      %eq3A_579 = vector.broadcast %ge3A_138 : i1 to vector<16xi1>
      %eq3A_580 = vector.broadcast %eq3A_579 : vector<16xi1> to vector<16xi1>
      %eq3A_581 = arith.xori %ge3A_578, %eq3A_580 : vector<16xi1>
      %eq3A_582 = arith.constant dense<true> : vector<16xi1>
      %eq3A_583 = arith.xori %eq3A_581, %eq3A_582 : vector<16xi1>
      %slice3A_584 = vector.extract_strided_slice %get3A_258 {offsets = [11], sizes = [1], strides = [1]} : vector<16xi32> to vector<1xi32>
      %squeeze3A_585 = vector.extract %slice3A_584[0] : i32 from vector<1xi32>
      %mul3A_586 = arith.constant 16 : i32
      %mul3A_587 = arith.muli %add3A_567, %mul3A_586 : i32
      %sub3A_588 = arith.subi %mul3A_587, %squeeze3A_585 : i32
      %select_n3A_589 = arith.select %ge3A_138, %squeeze3A_585, %sub3A_588 : i32
      %swap3A_590 = arith.index_cast %select_n3A_589 : i32 to index
      %swap3A_591 = tpu.vector_load %arg8[%swap3A_590] masked %eq3A_583 {strides = array<i32>} : memref<8320xi32, #tpu.memory_space<vmem>>, vector<16xi32>, vector<16xi1>
      tpu.vector_store %arg8[%swap3A_590], %and3A_575 masked %eq3A_583 {strides = array<i32>} : memref<8320xi32, #tpu.memory_space<vmem>>, vector<16xi32>, vector<16xi1>
      %mul3A_592 = arith.constant 16 : i32
      %mul3A_593 = arith.muli %scan3A_255, %mul3A_592 : i32
      %add3A_594 = arith.constant 12 : i32
      %add3A_595 = arith.addi %mul3A_593, %add3A_594 : i32
      %mul3A_596 = arith.constant 16 : i32
      %mul3A_597 = arith.muli %add3A_595, %mul3A_596 : i32
      %get3A_598 = arith.index_cast %mul3A_597 : i32 to index
      %get3A_599 = tpu.vector_load %arg5[%get3A_598] {strides = array<i32>} : memref<8192xf32, #tpu.memory_space<vmem>>, vector<16xf32>,
      %bitcast_convert_type3A_600 = tpu.bitcast %get3A_599 : vector<16xf32> -> vector<16xi32>
      %and3A_601 = arith.constant 2147483647 : i32
      %and3A_602 = vector.broadcast %and3A_601 : i32 to vector<16xi32>
      %and3A_603 = arith.andi %bitcast_convert_type3A_600, %and3A_602 : vector<16xi32>
      %ge3A_604 = arith.constant 1073741824 : i32
      %ge3A_605 = vector.broadcast %ge3A_604 : i32 to vector<16xi32>
      %ge3A_606 = arith.cmpi sge, %and3A_603, %ge3A_605 : vector<16xi32>
      %eq3A_607 = vector.broadcast %ge3A_138 : i1 to vector<16xi1>
      %eq3A_608 = vector.broadcast %eq3A_607 : vector<16xi1> to vector<16xi1>
      %eq3A_609 = arith.xori %ge3A_606, %eq3A_608 : vector<16xi1>
      %eq3A_610 = arith.constant dense<true> : vector<16xi1>
      %eq3A_611 = arith.xori %eq3A_609, %eq3A_610 : vector<16xi1>
      %slice3A_612 = vector.extract_strided_slice %get3A_258 {offsets = [12], sizes = [1], strides = [1]} : vector<16xi32> to vector<1xi32>
      %squeeze3A_613 = vector.extract %slice3A_612[0] : i32 from vector<1xi32>
      %mul3A_614 = arith.constant 16 : i32
      %mul3A_615 = arith.muli %add3A_595, %mul3A_614 : i32
      %sub3A_616 = arith.subi %mul3A_615, %squeeze3A_613 : i32
      %select_n3A_617 = arith.select %ge3A_138, %squeeze3A_613, %sub3A_616 : i32
      %swap3A_618 = arith.index_cast %select_n3A_617 : i32 to index
      %swap3A_619 = tpu.vector_load %arg8[%swap3A_618] masked %eq3A_611 {strides = array<i32>} : memref<8320xi32, #tpu.memory_space<vmem>>, vector<16xi32>, vector<16xi1>
      tpu.vector_store %arg8[%swap3A_618], %and3A_603 masked %eq3A_611 {strides = array<i32>} : memref<8320xi32, #tpu.memory_space<vmem>>, vector<16xi32>, vector<16xi1>
      %mul3A_620 = arith.constant 16 : i32
      %mul3A_621 = arith.muli %scan3A_255, %mul3A_620 : i32
      %add3A_622 = arith.constant 13 : i32
      %add3A_623 = arith.addi %mul3A_621, %add3A_622 : i32
      %mul3A_624 = arith.constant 16 : i32
      %mul3A_625 = arith.muli %add3A_623, %mul3A_624 : i32
      %get3A_626 = arith.index_cast %mul3A_625 : i32 to index
      %get3A_627 = tpu.vector_load %arg5[%get3A_626] {strides = array<i32>} : memref<8192xf32, #tpu.memory_space<vmem>>, vector<16xf32>,
      %bitcast_convert_type3A_628 = tpu.bitcast %get3A_627 : vector<16xf32> -> vector<16xi32>
      %and3A_629 = arith.constant 2147483647 : i32
      %and3A_630 = vector.broadcast %and3A_629 : i32 to vector<16xi32>
      %and3A_631 = arith.andi %bitcast_convert_type3A_628, %and3A_630 : vector<16xi32>
      %ge3A_632 = arith.constant 1073741824 : i32
      %ge3A_633 = vector.broadcast %ge3A_632 : i32 to vector<16xi32>
      %ge3A_634 = arith.cmpi sge, %and3A_631, %ge3A_633 : vector<16xi32>
      %eq3A_635 = vector.broadcast %ge3A_138 : i1 to vector<16xi1>
      %eq3A_636 = vector.broadcast %eq3A_635 : vector<16xi1> to vector<16xi1>
      %eq3A_637 = arith.xori %ge3A_634, %eq3A_636 : vector<16xi1>
      %eq3A_638 = arith.constant dense<true> : vector<16xi1>
      %eq3A_639 = arith.xori %eq3A_637, %eq3A_638 : vector<16xi1>
      %slice3A_640 = vector.extract_strided_slice %get3A_258 {offsets = [13], sizes = [1], strides = [1]} : vector<16xi32> to vector<1xi32>
      %squeeze3A_641 = vector.extract %slice3A_640[0] : i32 from vector<1xi32>
      %mul3A_642 = arith.constant 16 : i32
      %mul3A_643 = arith.muli %add3A_623, %mul3A_642 : i32
      %sub3A_644 = arith.subi %mul3A_643, %squeeze3A_641 : i32
      %select_n3A_645 = arith.select %ge3A_138, %squeeze3A_641, %sub3A_644 : i32
      %swap3A_646 = arith.index_cast %select_n3A_645 : i32 to index
      %swap3A_647 = tpu.vector_load %arg8[%swap3A_646] masked %eq3A_639 {strides = array<i32>} : memref<8320xi32, #tpu.memory_space<vmem>>, vector<16xi32>, vector<16xi1>
      tpu.vector_store %arg8[%swap3A_646], %and3A_631 masked %eq3A_639 {strides = array<i32>} : memref<8320xi32, #tpu.memory_space<vmem>>, vector<16xi32>, vector<16xi1>
      %mul3A_648 = arith.constant 16 : i32
      %mul3A_649 = arith.muli %scan3A_255, %mul3A_648 : i32
      %add3A_650 = arith.constant 14 : i32
      %add3A_651 = arith.addi %mul3A_649, %add3A_650 : i32
      %mul3A_652 = arith.constant 16 : i32
      %mul3A_653 = arith.muli %add3A_651, %mul3A_652 : i32
      %get3A_654 = arith.index_cast %mul3A_653 : i32 to index
      %get3A_655 = tpu.vector_load %arg5[%get3A_654] {strides = array<i32>} : memref<8192xf32, #tpu.memory_space<vmem>>, vector<16xf32>,
      %bitcast_convert_type3A_656 = tpu.bitcast %get3A_655 : vector<16xf32> -> vector<16xi32>
      %and3A_657 = arith.constant 2147483647 : i32
      %and3A_658 = vector.broadcast %and3A_657 : i32 to vector<16xi32>
      %and3A_659 = arith.andi %bitcast_convert_type3A_656, %and3A_658 : vector<16xi32>
      %ge3A_660 = arith.constant 1073741824 : i32
      %ge3A_661 = vector.broadcast %ge3A_660 : i32 to vector<16xi32>
      %ge3A_662 = arith.cmpi sge, %and3A_659, %ge3A_661 : vector<16xi32>
      %eq3A_663 = vector.broadcast %ge3A_138 : i1 to vector<16xi1>
      %eq3A_664 = vector.broadcast %eq3A_663 : vector<16xi1> to vector<16xi1>
      %eq3A_665 = arith.xori %ge3A_662, %eq3A_664 : vector<16xi1>
      %eq3A_666 = arith.constant dense<true> : vector<16xi1>
      %eq3A_667 = arith.xori %eq3A_665, %eq3A_666 : vector<16xi1>
      %slice3A_668 = vector.extract_strided_slice %get3A_258 {offsets = [14], sizes = [1], strides = [1]} : vector<16xi32> to vector<1xi32>
      %squeeze3A_669 = vector.extract %slice3A_668[0] : i32 from vector<1xi32>
      %mul3A_670 = arith.constant 16 : i32
      %mul3A_671 = arith.muli %add3A_651, %mul3A_670 : i32
      %sub3A_672 = arith.subi %mul3A_671, %squeeze3A_669 : i32
      %select_n3A_673 = arith.select %ge3A_138, %squeeze3A_669, %sub3A_672 : i32
      %swap3A_674 = arith.index_cast %select_n3A_673 : i32 to index
      %swap3A_675 = tpu.vector_load %arg8[%swap3A_674] masked %eq3A_667 {strides = array<i32>} : memref<8320xi32, #tpu.memory_space<vmem>>, vector<16xi32>, vector<16xi1>
      tpu.vector_store %arg8[%swap3A_674], %and3A_659 masked %eq3A_667 {strides = array<i32>} : memref<8320xi32, #tpu.memory_space<vmem>>, vector<16xi32>, vector<16xi1>
      %mul3A_676 = arith.constant 16 : i32
      %mul3A_677 = arith.muli %scan3A_255, %mul3A_676 : i32
      %add3A_678 = arith.constant 15 : i32
      %add3A_679 = arith.addi %mul3A_677, %add3A_678 : i32
      %mul3A_680 = arith.constant 16 : i32
      %mul3A_681 = arith.muli %add3A_679, %mul3A_680 : i32
      %get3A_682 = arith.index_cast %mul3A_681 : i32 to index
      %get3A_683 = tpu.vector_load %arg5[%get3A_682] {strides = array<i32>} : memref<8192xf32, #tpu.memory_space<vmem>>, vector<16xf32>,
      %bitcast_convert_type3A_684 = tpu.bitcast %get3A_683 : vector<16xf32> -> vector<16xi32>
      %and3A_685 = arith.constant 2147483647 : i32
      %and3A_686 = vector.broadcast %and3A_685 : i32 to vector<16xi32>
      %and3A_687 = arith.andi %bitcast_convert_type3A_684, %and3A_686 : vector<16xi32>
      %ge3A_688 = arith.constant 1073741824 : i32
      %ge3A_689 = vector.broadcast %ge3A_688 : i32 to vector<16xi32>
      %ge3A_690 = arith.cmpi sge, %and3A_687, %ge3A_689 : vector<16xi32>
      %eq3A_691 = vector.broadcast %ge3A_138 : i1 to vector<16xi1>
      %eq3A_692 = vector.broadcast %eq3A_691 : vector<16xi1> to vector<16xi1>
      %eq3A_693 = arith.xori %ge3A_690, %eq3A_692 : vector<16xi1>
      %eq3A_694 = arith.constant dense<true> : vector<16xi1>
      %eq3A_695 = arith.xori %eq3A_693, %eq3A_694 : vector<16xi1>
      %slice3A_696 = vector.extract_strided_slice %get3A_258 {offsets = [15], sizes = [1], strides = [1]} : vector<16xi32> to vector<1xi32>
      %squeeze3A_697 = vector.extract %slice3A_696[0] : i32 from vector<1xi32>
      %mul3A_698 = arith.constant 16 : i32
      %mul3A_699 = arith.muli %add3A_679, %mul3A_698 : i32
      %sub3A_700 = arith.subi %mul3A_699, %squeeze3A_697 : i32
      %select_n3A_701 = arith.select %ge3A_138, %squeeze3A_697, %sub3A_700 : i32
      %swap3A_702 = arith.index_cast %select_n3A_701 : i32 to index
      %swap3A_703 = tpu.vector_load %arg8[%swap3A_702] masked %eq3A_695 {strides = array<i32>} : memref<8320xi32, #tpu.memory_space<vmem>>, vector<16xi32>, vector<16xi1>
      tpu.vector_store %arg8[%swap3A_702], %and3A_687 masked %eq3A_695 {strides = array<i32>} : memref<8320xi32, #tpu.memory_space<vmem>>, vector<16xi32>, vector<16xi1>
    }
    %scan3A_164 = arith.constant 32 : i32
    %add3A_165 = arith.constant 0 : i32
    %add3A_166 = arith.addi %select_n3A_151, %add3A_165 : i32
    %add3A_167 = vector.broadcast %add3A_166 : i32 to vector<16xi32>
    %add3A_168 = arith.addi %add3A_167, %iota3A_128 : vector<16xi32>
    tpu.vector_store_idx %arg8[%add3A_168], %broadcast_in_dim3A_127 : memref<8320xi32, #tpu.memory_space<vmem>>[vector<16xi32>], vector<16xi32>,
    %add3A_169 = arith.constant 16 : i32
    %add3A_170 = arith.addi %select_n3A_151, %add3A_169 : i32
    %add3A_171 = vector.broadcast %add3A_170 : i32 to vector<16xi32>
    %add3A_172 = arith.addi %add3A_171, %iota3A_128 : vector<16xi32>
    tpu.vector_store_idx %arg8[%add3A_172], %broadcast_in_dim3A_127 : memref<8320xi32, #tpu.memory_space<vmem>>[vector<16xi32>], vector<16xi32>,
    %add3A_173 = arith.constant 32 : i32
    %add3A_174 = arith.addi %select_n3A_151, %add3A_173 : i32
    %add3A_175 = vector.broadcast %add3A_174 : i32 to vector<16xi32>
    %add3A_176 = arith.addi %add3A_175, %iota3A_128 : vector<16xi32>
    tpu.vector_store_idx %arg8[%add3A_176], %broadcast_in_dim3A_127 : memref<8320xi32, #tpu.memory_space<vmem>>[vector<16xi32>], vector<16xi32>,
    %add3A_177 = arith.constant 48 : i32
    %add3A_178 = arith.addi %select_n3A_151, %add3A_177 : i32
    %add3A_179 = vector.broadcast %add3A_178 : i32 to vector<16xi32>
    %add3A_180 = arith.addi %add3A_179, %iota3A_128 : vector<16xi32>
    tpu.vector_store_idx %arg8[%add3A_180], %broadcast_in_dim3A_127 : memref<8320xi32, #tpu.memory_space<vmem>>[vector<16xi32>], vector<16xi32>,
    %add3A_181 = arith.constant 64 : i32
    %add3A_182 = arith.addi %select_n3A_151, %add3A_181 : i32
    %add3A_183 = vector.broadcast %add3A_182 : i32 to vector<16xi32>
    %add3A_184 = arith.addi %add3A_183, %iota3A_128 : vector<16xi32>
    tpu.vector_store_idx %arg8[%add3A_184], %broadcast_in_dim3A_127 : memref<8320xi32, #tpu.memory_space<vmem>>[vector<16xi32>], vector<16xi32>,
    %add3A_185 = arith.constant 80 : i32
    %add3A_186 = arith.addi %select_n3A_151, %add3A_185 : i32
    %add3A_187 = vector.broadcast %add3A_186 : i32 to vector<16xi32>
    %add3A_188 = arith.addi %add3A_187, %iota3A_128 : vector<16xi32>
    tpu.vector_store_idx %arg8[%add3A_188], %broadcast_in_dim3A_127 : memref<8320xi32, #tpu.memory_space<vmem>>[vector<16xi32>], vector<16xi32>,
    %add3A_189 = arith.constant 96 : i32
    %add3A_190 = arith.addi %select_n3A_151, %add3A_189 : i32
    %add3A_191 = vector.broadcast %add3A_190 : i32 to vector<16xi32>
    %add3A_192 = arith.addi %add3A_191, %iota3A_128 : vector<16xi32>
    tpu.vector_store_idx %arg8[%add3A_192], %broadcast_in_dim3A_127 : memref<8320xi32, #tpu.memory_space<vmem>>[vector<16xi32>], vector<16xi32>,
    %add3A_193 = arith.constant 112 : i32
    %add3A_194 = arith.addi %select_n3A_151, %add3A_193 : i32
    %add3A_195 = vector.broadcast %add3A_194 : i32 to vector<16xi32>
    %add3A_196 = arith.addi %add3A_195, %iota3A_128 : vector<16xi32>
    tpu.vector_store_idx %arg8[%add3A_196], %broadcast_in_dim3A_127 : memref<8320xi32, #tpu.memory_space<vmem>>[vector<16xi32>], vector<16xi32>,
    %add3A_197 = arith.constant 128 : i32
    %add3A_198 = arith.addi %select_n3A_151, %add3A_197 : i32
    %sub3A_199 = arith.constant 1 : i32
    %sub3A_200 = arith.subi %add3A_198, %sub3A_199 : i32
    %jit3A_201 = arith.constant 128 : i32
    %div3A_202 = arith.divsi %sub3A_200, %jit3A_201 : i32
    %sign3A_203 = arith.constant 0 : i32
    %sign3A_204 = arith.cmpi sgt, %sub3A_200, %sign3A_203 : i32
    %sign3A_205 = arith.extui %sign3A_204 : i1 to i32
    %sign3A_206 = arith.constant 0 : i32
    %sign3A_207 = arith.cmpi slt, %sub3A_200, %sign3A_206 : i32
    %sign3A_208 = arith.extui %sign3A_207 : i1 to i32
    %sign3A_209 = arith.subi %sign3A_205, %sign3A_208 : i32
    %sign3A_210 = arith.constant 0 : i32
    %sign3A_211 = arith.cmpi sgt, %jit3A_201, %sign3A_210 : i32
    %sign3A_212 = arith.extui %sign3A_211 : i1 to i32
    %sign3A_213 = arith.constant 0 : i32
    %sign3A_214 = arith.cmpi slt, %jit3A_201, %sign3A_213 : i32
    %sign3A_215 = arith.extui %sign3A_214 : i1 to i32
    %sign3A_216 = arith.subi %sign3A_212, %sign3A_215 : i32
    %ne3A_217 = arith.cmpi ne, %sign3A_209, %sign3A_216 : i32
    %rem3A_218 = arith.remsi %sub3A_200, %jit3A_201 : i32
    %ne3A_219 = arith.constant 0 : i32
    %ne3A_220 = arith.cmpi ne, %rem3A_218, %ne3A_219 : i32
    %and3A_221 = arith.andi %ne3A_217, %ne3A_220 : i1
    %sub3A_222 = arith.constant 1 : i32
    %sub3A_223 = arith.subi %div3A_202, %sub3A_222 : i32
    %select_n3A_224 = arith.select %and3A_221, %sub3A_223, %div3A_202 : i32
    %while3A_225:3 = scf.while (%while3A_255 = %select_n3A_141, %while3A_256 = %select_n3A_144, %while3A_257 = %select_n3A_148) : (i32, i32, i32) -> (i32, i32, i32) {
      %sub3A_258 = arith.subi %while3A_256, %while3A_255 : i32
      %gt3A_259 = arith.constant 1 : i32
      %gt3A_260 = arith.cmpi sgt, %sub3A_258, %gt3A_259 : i32
      scf.condition(%gt3A_260) %while3A_255, %while3A_256, %while3A_257 : i32, i32, i32
    } do {
    ^bb0(%while3A_255: i32, %while3A_256: i32, %while3A_257: i32):
      %sub3A_258 = arith.subi %while3A_256, %while3A_255 : i32
      %shift_right_arithmetic3A = arith.constant 1 : i32
      %shift_right_arithmetic3A_259 = arith.shrsi %sub3A_258, %shift_right_arithmetic3A : i32
      %add3A_260 = arith.addi %while3A_255, %shift_right_arithmetic3A_259 : i32
      %while3A_261 = arith.constant 0 : i32
      %while3A_262 = arith.subi %select_n3A_224, %while3A_261 : i32
      %while3A_263 = arith.addi %while3A_261, %while3A_262 : i32
      %while3A_264 = arith.constant 1 : i32
      %while3A_265 = arith.divsi %while3A_262, %while3A_264 : i32
      %while3A_266 = arith.muli %while3A_265, %while3A_264 : i32
      %while3A_267 = arith.addi %while3A_261, %while3A_266 : i32
      %while3A_268 = arith.constant 1 : i32
      %while3A_269 = scf.for %while3A_281 = %while3A_261 to %while3A_267 step %while3A_268 iter_args(%while3A_282 = %broadcast_in_dim3A_127) -> (vector<16xi32>)  : i32 {
        %mul3A_283 = arith.constant 128 : i32
        %mul3A_284 = arith.muli %while3A_281, %mul3A_283 : i32
        %add3A_285 = arith.constant 0 : i32
        %add3A_286 = arith.addi %mul3A_284, %add3A_285 : i32
        %get3A = arith.index_cast %add3A_286 : i32 to index
        %get3A_287 = tpu.vector_load %arg8[%get3A] {strides = array<i32>} : memref<8320xi32, #tpu.memory_space<vmem>>, vector<16xi32>,
        %ge3A_288 = vector.broadcast %add3A_260 : i32 to vector<16xi32>
        %ge3A_289 = arith.cmpi sge, %get3A_287, %ge3A_288 : vector<16xi32>
        %jit3A_290 = arith.constant 1 : i32
        %jit3A_291 = arith.constant 0 : i32
        %broadcast_in_dim3A_292 = vector.broadcast %jit3A_290 : i32 to vector<16xi32>
        %broadcast_in_dim3A_293 = vector.broadcast %jit3A_291 : i32 to vector<16xi32>
        %select_n3A_294 = arith.select %ge3A_289, %broadcast_in_dim3A_292, %broadcast_in_dim3A_293 : vector<16xi1>, vector<16xi32>
        %add3A_295 = arith.addi %while3A_282, %select_n3A_294 : vector<16xi32>
        %mul3A_296 = arith.constant 128 : i32
        %mul3A_297 = arith.muli %while3A_281, %mul3A_296 : i32
        %add3A_298 = arith.constant 16 : i32
        %add3A_299 = arith.addi %mul3A_297, %add3A_298 : i32
        %get3A_300 = arith.index_cast %add3A_299 : i32 to index
        %get3A_301 = tpu.vector_load %arg8[%get3A_300] {strides = array<i32>} : memref<8320xi32, #tpu.memory_space<vmem>>, vector<16xi32>,
        %ge3A_302 = vector.broadcast %add3A_260 : i32 to vector<16xi32>
        %ge3A_303 = arith.cmpi sge, %get3A_301, %ge3A_302 : vector<16xi32>
        %jit3A_304 = arith.constant 1 : i32
        %jit3A_305 = arith.constant 0 : i32
        %broadcast_in_dim3A_306 = vector.broadcast %jit3A_304 : i32 to vector<16xi32>
        %broadcast_in_dim3A_307 = vector.broadcast %jit3A_305 : i32 to vector<16xi32>
        %select_n3A_308 = arith.select %ge3A_303, %broadcast_in_dim3A_306, %broadcast_in_dim3A_307 : vector<16xi1>, vector<16xi32>
        %add3A_309 = arith.addi %add3A_295, %select_n3A_308 : vector<16xi32>
        %mul3A_310 = arith.constant 128 : i32
        %mul3A_311 = arith.muli %while3A_281, %mul3A_310 : i32
        %add3A_312 = arith.constant 32 : i32
        %add3A_313 = arith.addi %mul3A_311, %add3A_312 : i32
        %get3A_314 = arith.index_cast %add3A_313 : i32 to index
        %get3A_315 = tpu.vector_load %arg8[%get3A_314] {strides = array<i32>} : memref<8320xi32, #tpu.memory_space<vmem>>, vector<16xi32>,
        %ge3A_316 = vector.broadcast %add3A_260 : i32 to vector<16xi32>
        %ge3A_317 = arith.cmpi sge, %get3A_315, %ge3A_316 : vector<16xi32>
        %jit3A_318 = arith.constant 1 : i32
        %jit3A_319 = arith.constant 0 : i32
        %broadcast_in_dim3A_320 = vector.broadcast %jit3A_318 : i32 to vector<16xi32>
        %broadcast_in_dim3A_321 = vector.broadcast %jit3A_319 : i32 to vector<16xi32>
        %select_n3A_322 = arith.select %ge3A_317, %broadcast_in_dim3A_320, %broadcast_in_dim3A_321 : vector<16xi1>, vector<16xi32>
        %add3A_323 = arith.addi %add3A_309, %select_n3A_322 : vector<16xi32>
        %mul3A_324 = arith.constant 128 : i32
        %mul3A_325 = arith.muli %while3A_281, %mul3A_324 : i32
        %add3A_326 = arith.constant 48 : i32
        %add3A_327 = arith.addi %mul3A_325, %add3A_326 : i32
        %get3A_328 = arith.index_cast %add3A_327 : i32 to index
        %get3A_329 = tpu.vector_load %arg8[%get3A_328] {strides = array<i32>} : memref<8320xi32, #tpu.memory_space<vmem>>, vector<16xi32>,
        %ge3A_330 = vector.broadcast %add3A_260 : i32 to vector<16xi32>
        %ge3A_331 = arith.cmpi sge, %get3A_329, %ge3A_330 : vector<16xi32>
        %jit3A_332 = arith.constant 1 : i32
        %jit3A_333 = arith.constant 0 : i32
        %broadcast_in_dim3A_334 = vector.broadcast %jit3A_332 : i32 to vector<16xi32>
        %broadcast_in_dim3A_335 = vector.broadcast %jit3A_333 : i32 to vector<16xi32>
        %select_n3A_336 = arith.select %ge3A_331, %broadcast_in_dim3A_334, %broadcast_in_dim3A_335 : vector<16xi1>, vector<16xi32>
        %add3A_337 = arith.addi %add3A_323, %select_n3A_336 : vector<16xi32>
        %mul3A_338 = arith.constant 128 : i32
        %mul3A_339 = arith.muli %while3A_281, %mul3A_338 : i32
        %add3A_340 = arith.constant 64 : i32
        %add3A_341 = arith.addi %mul3A_339, %add3A_340 : i32
        %get3A_342 = arith.index_cast %add3A_341 : i32 to index
        %get3A_343 = tpu.vector_load %arg8[%get3A_342] {strides = array<i32>} : memref<8320xi32, #tpu.memory_space<vmem>>, vector<16xi32>,
        %ge3A_344 = vector.broadcast %add3A_260 : i32 to vector<16xi32>
        %ge3A_345 = arith.cmpi sge, %get3A_343, %ge3A_344 : vector<16xi32>
        %jit3A_346 = arith.constant 1 : i32
        %jit3A_347 = arith.constant 0 : i32
        %broadcast_in_dim3A_348 = vector.broadcast %jit3A_346 : i32 to vector<16xi32>
        %broadcast_in_dim3A_349 = vector.broadcast %jit3A_347 : i32 to vector<16xi32>
        %select_n3A_350 = arith.select %ge3A_345, %broadcast_in_dim3A_348, %broadcast_in_dim3A_349 : vector<16xi1>, vector<16xi32>
        %add3A_351 = arith.addi %add3A_337, %select_n3A_350 : vector<16xi32>
        %mul3A_352 = arith.constant 128 : i32
        %mul3A_353 = arith.muli %while3A_281, %mul3A_352 : i32
        %add3A_354 = arith.constant 80 : i32
        %add3A_355 = arith.addi %mul3A_353, %add3A_354 : i32
        %get3A_356 = arith.index_cast %add3A_355 : i32 to index
        %get3A_357 = tpu.vector_load %arg8[%get3A_356] {strides = array<i32>} : memref<8320xi32, #tpu.memory_space<vmem>>, vector<16xi32>,
        %ge3A_358 = vector.broadcast %add3A_260 : i32 to vector<16xi32>
        %ge3A_359 = arith.cmpi sge, %get3A_357, %ge3A_358 : vector<16xi32>
        %jit3A_360 = arith.constant 1 : i32
        %jit3A_361 = arith.constant 0 : i32
        %broadcast_in_dim3A_362 = vector.broadcast %jit3A_360 : i32 to vector<16xi32>
        %broadcast_in_dim3A_363 = vector.broadcast %jit3A_361 : i32 to vector<16xi32>
        %select_n3A_364 = arith.select %ge3A_359, %broadcast_in_dim3A_362, %broadcast_in_dim3A_363 : vector<16xi1>, vector<16xi32>
        %add3A_365 = arith.addi %add3A_351, %select_n3A_364 : vector<16xi32>
        %mul3A_366 = arith.constant 128 : i32
        %mul3A_367 = arith.muli %while3A_281, %mul3A_366 : i32
        %add3A_368 = arith.constant 96 : i32
        %add3A_369 = arith.addi %mul3A_367, %add3A_368 : i32
        %get3A_370 = arith.index_cast %add3A_369 : i32 to index
        %get3A_371 = tpu.vector_load %arg8[%get3A_370] {strides = array<i32>} : memref<8320xi32, #tpu.memory_space<vmem>>, vector<16xi32>,
        %ge3A_372 = vector.broadcast %add3A_260 : i32 to vector<16xi32>
        %ge3A_373 = arith.cmpi sge, %get3A_371, %ge3A_372 : vector<16xi32>
        %jit3A_374 = arith.constant 1 : i32
        %jit3A_375 = arith.constant 0 : i32
        %broadcast_in_dim3A_376 = vector.broadcast %jit3A_374 : i32 to vector<16xi32>
        %broadcast_in_dim3A_377 = vector.broadcast %jit3A_375 : i32 to vector<16xi32>
        %select_n3A_378 = arith.select %ge3A_373, %broadcast_in_dim3A_376, %broadcast_in_dim3A_377 : vector<16xi1>, vector<16xi32>
        %add3A_379 = arith.addi %add3A_365, %select_n3A_378 : vector<16xi32>
        %mul3A_380 = arith.constant 128 : i32
        %mul3A_381 = arith.muli %while3A_281, %mul3A_380 : i32
        %add3A_382 = arith.constant 112 : i32
        %add3A_383 = arith.addi %mul3A_381, %add3A_382 : i32
        %get3A_384 = arith.index_cast %add3A_383 : i32 to index
        %get3A_385 = tpu.vector_load %arg8[%get3A_384] {strides = array<i32>} : memref<8320xi32, #tpu.memory_space<vmem>>, vector<16xi32>,
        %ge3A_386 = vector.broadcast %add3A_260 : i32 to vector<16xi32>
        %ge3A_387 = arith.cmpi sge, %get3A_385, %ge3A_386 : vector<16xi32>
        %jit3A_388 = arith.constant 1 : i32
        %jit3A_389 = arith.constant 0 : i32
        %broadcast_in_dim3A_390 = vector.broadcast %jit3A_388 : i32 to vector<16xi32>
        %broadcast_in_dim3A_391 = vector.broadcast %jit3A_389 : i32 to vector<16xi32>
        %select_n3A_392 = arith.select %ge3A_387, %broadcast_in_dim3A_390, %broadcast_in_dim3A_391 : vector<16xi1>, vector<16xi32>
        %add3A_393 = arith.addi %add3A_379, %select_n3A_392 : vector<16xi32>
        scf.yield %add3A_393 : vector<16xi32>
      }
      %while3A_270 = arith.constant 1 : i32
      %while3A_271 = scf.for %while3A_281 = %while3A_267 to %while3A_263 step %while3A_270 iter_args(%while3A_282 = %while3A_269) -> (vector<16xi32>)  : i32 {
        %mul3A_283 = arith.constant 128 : i32
        %mul3A_284 = arith.muli %while3A_281, %mul3A_283 : i32
        %add3A_285 = arith.constant 0 : i32
        %add3A_286 = arith.addi %mul3A_284, %add3A_285 : i32
        %get3A = arith.index_cast %add3A_286 : i32 to index
        %get3A_287 = tpu.vector_load %arg8[%get3A] {strides = array<i32>} : memref<8320xi32, #tpu.memory_space<vmem>>, vector<16xi32>,
        %ge3A_288 = vector.broadcast %add3A_260 : i32 to vector<16xi32>
        %ge3A_289 = arith.cmpi sge, %get3A_287, %ge3A_288 : vector<16xi32>
        %jit3A_290 = arith.constant 1 : i32
        %jit3A_291 = arith.constant 0 : i32
        %broadcast_in_dim3A_292 = vector.broadcast %jit3A_290 : i32 to vector<16xi32>
        %broadcast_in_dim3A_293 = vector.broadcast %jit3A_291 : i32 to vector<16xi32>
        %select_n3A_294 = arith.select %ge3A_289, %broadcast_in_dim3A_292, %broadcast_in_dim3A_293 : vector<16xi1>, vector<16xi32>
        %add3A_295 = arith.addi %while3A_282, %select_n3A_294 : vector<16xi32>
        %mul3A_296 = arith.constant 128 : i32
        %mul3A_297 = arith.muli %while3A_281, %mul3A_296 : i32
        %add3A_298 = arith.constant 16 : i32
        %add3A_299 = arith.addi %mul3A_297, %add3A_298 : i32
        %get3A_300 = arith.index_cast %add3A_299 : i32 to index
        %get3A_301 = tpu.vector_load %arg8[%get3A_300] {strides = array<i32>} : memref<8320xi32, #tpu.memory_space<vmem>>, vector<16xi32>,
        %ge3A_302 = vector.broadcast %add3A_260 : i32 to vector<16xi32>
        %ge3A_303 = arith.cmpi sge, %get3A_301, %ge3A_302 : vector<16xi32>
        %jit3A_304 = arith.constant 1 : i32
        %jit3A_305 = arith.constant 0 : i32
        %broadcast_in_dim3A_306 = vector.broadcast %jit3A_304 : i32 to vector<16xi32>
        %broadcast_in_dim3A_307 = vector.broadcast %jit3A_305 : i32 to vector<16xi32>
        %select_n3A_308 = arith.select %ge3A_303, %broadcast_in_dim3A_306, %broadcast_in_dim3A_307 : vector<16xi1>, vector<16xi32>
        %add3A_309 = arith.addi %add3A_295, %select_n3A_308 : vector<16xi32>
        %mul3A_310 = arith.constant 128 : i32
        %mul3A_311 = arith.muli %while3A_281, %mul3A_310 : i32
        %add3A_312 = arith.constant 32 : i32
        %add3A_313 = arith.addi %mul3A_311, %add3A_312 : i32
        %get3A_314 = arith.index_cast %add3A_313 : i32 to index
        %get3A_315 = tpu.vector_load %arg8[%get3A_314] {strides = array<i32>} : memref<8320xi32, #tpu.memory_space<vmem>>, vector<16xi32>,
        %ge3A_316 = vector.broadcast %add3A_260 : i32 to vector<16xi32>
        %ge3A_317 = arith.cmpi sge, %get3A_315, %ge3A_316 : vector<16xi32>
        %jit3A_318 = arith.constant 1 : i32
        %jit3A_319 = arith.constant 0 : i32
        %broadcast_in_dim3A_320 = vector.broadcast %jit3A_318 : i32 to vector<16xi32>
        %broadcast_in_dim3A_321 = vector.broadcast %jit3A_319 : i32 to vector<16xi32>
        %select_n3A_322 = arith.select %ge3A_317, %broadcast_in_dim3A_320, %broadcast_in_dim3A_321 : vector<16xi1>, vector<16xi32>
        %add3A_323 = arith.addi %add3A_309, %select_n3A_322 : vector<16xi32>
        %mul3A_324 = arith.constant 128 : i32
        %mul3A_325 = arith.muli %while3A_281, %mul3A_324 : i32
        %add3A_326 = arith.constant 48 : i32
        %add3A_327 = arith.addi %mul3A_325, %add3A_326 : i32
        %get3A_328 = arith.index_cast %add3A_327 : i32 to index
        %get3A_329 = tpu.vector_load %arg8[%get3A_328] {strides = array<i32>} : memref<8320xi32, #tpu.memory_space<vmem>>, vector<16xi32>,
        %ge3A_330 = vector.broadcast %add3A_260 : i32 to vector<16xi32>
        %ge3A_331 = arith.cmpi sge, %get3A_329, %ge3A_330 : vector<16xi32>
        %jit3A_332 = arith.constant 1 : i32
        %jit3A_333 = arith.constant 0 : i32
        %broadcast_in_dim3A_334 = vector.broadcast %jit3A_332 : i32 to vector<16xi32>
        %broadcast_in_dim3A_335 = vector.broadcast %jit3A_333 : i32 to vector<16xi32>
        %select_n3A_336 = arith.select %ge3A_331, %broadcast_in_dim3A_334, %broadcast_in_dim3A_335 : vector<16xi1>, vector<16xi32>
        %add3A_337 = arith.addi %add3A_323, %select_n3A_336 : vector<16xi32>
        %mul3A_338 = arith.constant 128 : i32
        %mul3A_339 = arith.muli %while3A_281, %mul3A_338 : i32
        %add3A_340 = arith.constant 64 : i32
        %add3A_341 = arith.addi %mul3A_339, %add3A_340 : i32
        %get3A_342 = arith.index_cast %add3A_341 : i32 to index
        %get3A_343 = tpu.vector_load %arg8[%get3A_342] {strides = array<i32>} : memref<8320xi32, #tpu.memory_space<vmem>>, vector<16xi32>,
        %ge3A_344 = vector.broadcast %add3A_260 : i32 to vector<16xi32>
        %ge3A_345 = arith.cmpi sge, %get3A_343, %ge3A_344 : vector<16xi32>
        %jit3A_346 = arith.constant 1 : i32
        %jit3A_347 = arith.constant 0 : i32
        %broadcast_in_dim3A_348 = vector.broadcast %jit3A_346 : i32 to vector<16xi32>
        %broadcast_in_dim3A_349 = vector.broadcast %jit3A_347 : i32 to vector<16xi32>
        %select_n3A_350 = arith.select %ge3A_345, %broadcast_in_dim3A_348, %broadcast_in_dim3A_349 : vector<16xi1>, vector<16xi32>
        %add3A_351 = arith.addi %add3A_337, %select_n3A_350 : vector<16xi32>
        %mul3A_352 = arith.constant 128 : i32
        %mul3A_353 = arith.muli %while3A_281, %mul3A_352 : i32
        %add3A_354 = arith.constant 80 : i32
        %add3A_355 = arith.addi %mul3A_353, %add3A_354 : i32
        %get3A_356 = arith.index_cast %add3A_355 : i32 to index
        %get3A_357 = tpu.vector_load %arg8[%get3A_356] {strides = array<i32>} : memref<8320xi32, #tpu.memory_space<vmem>>, vector<16xi32>,
        %ge3A_358 = vector.broadcast %add3A_260 : i32 to vector<16xi32>
        %ge3A_359 = arith.cmpi sge, %get3A_357, %ge3A_358 : vector<16xi32>
        %jit3A_360 = arith.constant 1 : i32
        %jit3A_361 = arith.constant 0 : i32
        %broadcast_in_dim3A_362 = vector.broadcast %jit3A_360 : i32 to vector<16xi32>
        %broadcast_in_dim3A_363 = vector.broadcast %jit3A_361 : i32 to vector<16xi32>
        %select_n3A_364 = arith.select %ge3A_359, %broadcast_in_dim3A_362, %broadcast_in_dim3A_363 : vector<16xi1>, vector<16xi32>
        %add3A_365 = arith.addi %add3A_351, %select_n3A_364 : vector<16xi32>
        %mul3A_366 = arith.constant 128 : i32
        %mul3A_367 = arith.muli %while3A_281, %mul3A_366 : i32
        %add3A_368 = arith.constant 96 : i32
        %add3A_369 = arith.addi %mul3A_367, %add3A_368 : i32
        %get3A_370 = arith.index_cast %add3A_369 : i32 to index
        %get3A_371 = tpu.vector_load %arg8[%get3A_370] {strides = array<i32>} : memref<8320xi32, #tpu.memory_space<vmem>>, vector<16xi32>,
        %ge3A_372 = vector.broadcast %add3A_260 : i32 to vector<16xi32>
        %ge3A_373 = arith.cmpi sge, %get3A_371, %ge3A_372 : vector<16xi32>
        %jit3A_374 = arith.constant 1 : i32
        %jit3A_375 = arith.constant 0 : i32
        %broadcast_in_dim3A_376 = vector.broadcast %jit3A_374 : i32 to vector<16xi32>
        %broadcast_in_dim3A_377 = vector.broadcast %jit3A_375 : i32 to vector<16xi32>
        %select_n3A_378 = arith.select %ge3A_373, %broadcast_in_dim3A_376, %broadcast_in_dim3A_377 : vector<16xi1>, vector<16xi32>
        %add3A_379 = arith.addi %add3A_365, %select_n3A_378 : vector<16xi32>
        %mul3A_380 = arith.constant 128 : i32
        %mul3A_381 = arith.muli %while3A_281, %mul3A_380 : i32
        %add3A_382 = arith.constant 112 : i32
        %add3A_383 = arith.addi %mul3A_381, %add3A_382 : i32
        %get3A_384 = arith.index_cast %add3A_383 : i32 to index
        %get3A_385 = tpu.vector_load %arg8[%get3A_384] {strides = array<i32>} : memref<8320xi32, #tpu.memory_space<vmem>>, vector<16xi32>,
        %ge3A_386 = vector.broadcast %add3A_260 : i32 to vector<16xi32>
        %ge3A_387 = arith.cmpi sge, %get3A_385, %ge3A_386 : vector<16xi32>
        %jit3A_388 = arith.constant 1 : i32
        %jit3A_389 = arith.constant 0 : i32
        %broadcast_in_dim3A_390 = vector.broadcast %jit3A_388 : i32 to vector<16xi32>
        %broadcast_in_dim3A_391 = vector.broadcast %jit3A_389 : i32 to vector<16xi32>
        %select_n3A_392 = arith.select %ge3A_387, %broadcast_in_dim3A_390, %broadcast_in_dim3A_391 : vector<16xi1>, vector<16xi32>
        %add3A_393 = arith.addi %add3A_379, %select_n3A_392 : vector<16xi32>
        scf.yield %add3A_393 : vector<16xi32>
      }
      %reduce_sum3A = arith.constant true
      %reduce_sum3A_272 = vector.broadcast %reduce_sum3A : i1 to vector<16xi1>
      %reduce_sum3A_273 = tpu.scan <sum>, %while3A_271 masked %reduce_sum3A_272 : vector<16xi32>, vector<16xi1> -> vector<16xi32>
      %reduce_sum3A_274 = vector.extract %reduce_sum3A_273[15] : i32 from vector<16xi32>
      %add3A_275 = arith.addi %select_n3A_146, %reduce_sum3A_274 : i32
      %ge3A_276 = arith.constant 256 : i32
      %ge3A_277 = arith.cmpi sge, %add3A_275, %ge3A_276 : i32
      %select_n3A_278 = arith.select %ge3A_277, %add3A_260, %while3A_255 : i32
      %select_n3A_279 = arith.select %ge3A_277, %while3A_256, %add3A_260 : i32
      %select_n3A_280 = arith.select %ge3A_277, %add3A_275, %while3A_257 : i32
      scf.yield %select_n3A_278, %select_n3A_279, %select_n3A_280 : i32, i32, i32
    }
    %scan3A_226 = arith.constant 0 : i32
    %scan3A_227 = arith.constant 0 : i32
    %scan3A_228 = arith.constant 64 : i32
    %scan3A_229 = arith.addi %scan3A_227, %scan3A_228 : i32
    %scan3A_230 = arith.constant 1 : i32
    scf.for %scan3A_255 = %scan3A_227 to %scan3A_229 step %scan3A_230  : i32 {
      %mul3A_256 = arith.constant 128 : i32
      %mul3A_257 = arith.muli %scan3A_255, %mul3A_256 : i32
      %add3A_258 = arith.constant 0 : i32
      %add3A_259 = arith.addi %mul3A_257, %add3A_258 : i32
      %get3A = arith.index_cast %add3A_259 : i32 to index
      %get3A_260 = tpu.vector_load %arg5[%get3A] {strides = array<i32>} : memref<8192xf32, #tpu.memory_space<vmem>>, vector<16xf32>,
      %bitcast_convert_type3A = tpu.bitcast %get3A_260 : vector<16xf32> -> vector<16xi32>
      %and3A_261 = arith.constant 2147483647 : i32
      %and3A_262 = vector.broadcast %and3A_261 : i32 to vector<16xi32>
      %and3A_263 = arith.andi %bitcast_convert_type3A, %and3A_262 : vector<16xi32>
      %ge3A_264 = vector.broadcast %while3A_225#0 : i32 to vector<16xi32>
      %ge3A_265 = arith.cmpi sge, %and3A_263, %ge3A_264 : vector<16xi32>
      %jit3A_266 = arith.constant 1.000000e+00 : f32
      %jit3A_267 = arith.constant 0.000000e+00 : f32
      %broadcast_in_dim3A_268 = vector.broadcast %jit3A_266 : f32 to vector<16xf32>
      %broadcast_in_dim3A_269 = vector.broadcast %jit3A_267 : f32 to vector<16xf32>
      %select_n3A_270 = arith.select %ge3A_265, %broadcast_in_dim3A_268, %broadcast_in_dim3A_269 : vector<16xi1>, vector<16xf32>
      %swap3A = arith.index_cast %add3A_259 : i32 to index
      %swap3A_271 = tpu.vector_load %arg7[%swap3A] {strides = array<i32>} : memref<8192xf32, #tpu.memory_space<vmem>>, vector<16xf32>,
      tpu.vector_store %arg7[%swap3A], %select_n3A_270 {strides = array<i32>} : memref<8192xf32, #tpu.memory_space<vmem>>, vector<16xf32>,
      %mul3A_272 = arith.constant 128 : i32
      %mul3A_273 = arith.muli %scan3A_255, %mul3A_272 : i32
      %add3A_274 = arith.constant 16 : i32
      %add3A_275 = arith.addi %mul3A_273, %add3A_274 : i32
      %get3A_276 = arith.index_cast %add3A_275 : i32 to index
      %get3A_277 = tpu.vector_load %arg5[%get3A_276] {strides = array<i32>} : memref<8192xf32, #tpu.memory_space<vmem>>, vector<16xf32>,
      %bitcast_convert_type3A_278 = tpu.bitcast %get3A_277 : vector<16xf32> -> vector<16xi32>
      %and3A_279 = arith.constant 2147483647 : i32
      %and3A_280 = vector.broadcast %and3A_279 : i32 to vector<16xi32>
      %and3A_281 = arith.andi %bitcast_convert_type3A_278, %and3A_280 : vector<16xi32>
      %ge3A_282 = vector.broadcast %while3A_225#0 : i32 to vector<16xi32>
      %ge3A_283 = arith.cmpi sge, %and3A_281, %ge3A_282 : vector<16xi32>
      %jit3A_284 = arith.constant 1.000000e+00 : f32
      %jit3A_285 = arith.constant 0.000000e+00 : f32
      %broadcast_in_dim3A_286 = vector.broadcast %jit3A_284 : f32 to vector<16xf32>
      %broadcast_in_dim3A_287 = vector.broadcast %jit3A_285 : f32 to vector<16xf32>
      %select_n3A_288 = arith.select %ge3A_283, %broadcast_in_dim3A_286, %broadcast_in_dim3A_287 : vector<16xi1>, vector<16xf32>
      %swap3A_289 = arith.index_cast %add3A_275 : i32 to index
      %swap3A_290 = tpu.vector_load %arg7[%swap3A_289] {strides = array<i32>} : memref<8192xf32, #tpu.memory_space<vmem>>, vector<16xf32>,
      tpu.vector_store %arg7[%swap3A_289], %select_n3A_288 {strides = array<i32>} : memref<8192xf32, #tpu.memory_space<vmem>>, vector<16xf32>,
      %mul3A_291 = arith.constant 128 : i32
      %mul3A_292 = arith.muli %scan3A_255, %mul3A_291 : i32
      %add3A_293 = arith.constant 32 : i32
      %add3A_294 = arith.addi %mul3A_292, %add3A_293 : i32
      %get3A_295 = arith.index_cast %add3A_294 : i32 to index
      %get3A_296 = tpu.vector_load %arg5[%get3A_295] {strides = array<i32>} : memref<8192xf32, #tpu.memory_space<vmem>>, vector<16xf32>,
      %bitcast_convert_type3A_297 = tpu.bitcast %get3A_296 : vector<16xf32> -> vector<16xi32>
      %and3A_298 = arith.constant 2147483647 : i32
      %and3A_299 = vector.broadcast %and3A_298 : i32 to vector<16xi32>
      %and3A_300 = arith.andi %bitcast_convert_type3A_297, %and3A_299 : vector<16xi32>
      %ge3A_301 = vector.broadcast %while3A_225#0 : i32 to vector<16xi32>
      %ge3A_302 = arith.cmpi sge, %and3A_300, %ge3A_301 : vector<16xi32>
      %jit3A_303 = arith.constant 1.000000e+00 : f32
      %jit3A_304 = arith.constant 0.000000e+00 : f32
      %broadcast_in_dim3A_305 = vector.broadcast %jit3A_303 : f32 to vector<16xf32>
      %broadcast_in_dim3A_306 = vector.broadcast %jit3A_304 : f32 to vector<16xf32>
      %select_n3A_307 = arith.select %ge3A_302, %broadcast_in_dim3A_305, %broadcast_in_dim3A_306 : vector<16xi1>, vector<16xf32>
      %swap3A_308 = arith.index_cast %add3A_294 : i32 to index
      %swap3A_309 = tpu.vector_load %arg7[%swap3A_308] {strides = array<i32>} : memref<8192xf32, #tpu.memory_space<vmem>>, vector<16xf32>,
      tpu.vector_store %arg7[%swap3A_308], %select_n3A_307 {strides = array<i32>} : memref<8192xf32, #tpu.memory_space<vmem>>, vector<16xf32>,
      %mul3A_310 = arith.constant 128 : i32
      %mul3A_311 = arith.muli %scan3A_255, %mul3A_310 : i32
      %add3A_312 = arith.constant 48 : i32
      %add3A_313 = arith.addi %mul3A_311, %add3A_312 : i32
      %get3A_314 = arith.index_cast %add3A_313 : i32 to index
      %get3A_315 = tpu.vector_load %arg5[%get3A_314] {strides = array<i32>} : memref<8192xf32, #tpu.memory_space<vmem>>, vector<16xf32>,
      %bitcast_convert_type3A_316 = tpu.bitcast %get3A_315 : vector<16xf32> -> vector<16xi32>
      %and3A_317 = arith.constant 2147483647 : i32
      %and3A_318 = vector.broadcast %and3A_317 : i32 to vector<16xi32>
      %and3A_319 = arith.andi %bitcast_convert_type3A_316, %and3A_318 : vector<16xi32>
      %ge3A_320 = vector.broadcast %while3A_225#0 : i32 to vector<16xi32>
      %ge3A_321 = arith.cmpi sge, %and3A_319, %ge3A_320 : vector<16xi32>
      %jit3A_322 = arith.constant 1.000000e+00 : f32
      %jit3A_323 = arith.constant 0.000000e+00 : f32
      %broadcast_in_dim3A_324 = vector.broadcast %jit3A_322 : f32 to vector<16xf32>
      %broadcast_in_dim3A_325 = vector.broadcast %jit3A_323 : f32 to vector<16xf32>
      %select_n3A_326 = arith.select %ge3A_321, %broadcast_in_dim3A_324, %broadcast_in_dim3A_325 : vector<16xi1>, vector<16xf32>
      %swap3A_327 = arith.index_cast %add3A_313 : i32 to index
      %swap3A_328 = tpu.vector_load %arg7[%swap3A_327] {strides = array<i32>} : memref<8192xf32, #tpu.memory_space<vmem>>, vector<16xf32>,
      tpu.vector_store %arg7[%swap3A_327], %select_n3A_326 {strides = array<i32>} : memref<8192xf32, #tpu.memory_space<vmem>>, vector<16xf32>,
      %mul3A_329 = arith.constant 128 : i32
      %mul3A_330 = arith.muli %scan3A_255, %mul3A_329 : i32
      %add3A_331 = arith.constant 64 : i32
      %add3A_332 = arith.addi %mul3A_330, %add3A_331 : i32
      %get3A_333 = arith.index_cast %add3A_332 : i32 to index
      %get3A_334 = tpu.vector_load %arg5[%get3A_333] {strides = array<i32>} : memref<8192xf32, #tpu.memory_space<vmem>>, vector<16xf32>,
      %bitcast_convert_type3A_335 = tpu.bitcast %get3A_334 : vector<16xf32> -> vector<16xi32>
      %and3A_336 = arith.constant 2147483647 : i32
      %and3A_337 = vector.broadcast %and3A_336 : i32 to vector<16xi32>
      %and3A_338 = arith.andi %bitcast_convert_type3A_335, %and3A_337 : vector<16xi32>
      %ge3A_339 = vector.broadcast %while3A_225#0 : i32 to vector<16xi32>
      %ge3A_340 = arith.cmpi sge, %and3A_338, %ge3A_339 : vector<16xi32>
      %jit3A_341 = arith.constant 1.000000e+00 : f32
      %jit3A_342 = arith.constant 0.000000e+00 : f32
      %broadcast_in_dim3A_343 = vector.broadcast %jit3A_341 : f32 to vector<16xf32>
      %broadcast_in_dim3A_344 = vector.broadcast %jit3A_342 : f32 to vector<16xf32>
      %select_n3A_345 = arith.select %ge3A_340, %broadcast_in_dim3A_343, %broadcast_in_dim3A_344 : vector<16xi1>, vector<16xf32>
      %swap3A_346 = arith.index_cast %add3A_332 : i32 to index
      %swap3A_347 = tpu.vector_load %arg7[%swap3A_346] {strides = array<i32>} : memref<8192xf32, #tpu.memory_space<vmem>>, vector<16xf32>,
      tpu.vector_store %arg7[%swap3A_346], %select_n3A_345 {strides = array<i32>} : memref<8192xf32, #tpu.memory_space<vmem>>, vector<16xf32>,
      %mul3A_348 = arith.constant 128 : i32
      %mul3A_349 = arith.muli %scan3A_255, %mul3A_348 : i32
      %add3A_350 = arith.constant 80 : i32
      %add3A_351 = arith.addi %mul3A_349, %add3A_350 : i32
      %get3A_352 = arith.index_cast %add3A_351 : i32 to index
      %get3A_353 = tpu.vector_load %arg5[%get3A_352] {strides = array<i32>} : memref<8192xf32, #tpu.memory_space<vmem>>, vector<16xf32>,
      %bitcast_convert_type3A_354 = tpu.bitcast %get3A_353 : vector<16xf32> -> vector<16xi32>
      %and3A_355 = arith.constant 2147483647 : i32
      %and3A_356 = vector.broadcast %and3A_355 : i32 to vector<16xi32>
      %and3A_357 = arith.andi %bitcast_convert_type3A_354, %and3A_356 : vector<16xi32>
      %ge3A_358 = vector.broadcast %while3A_225#0 : i32 to vector<16xi32>
      %ge3A_359 = arith.cmpi sge, %and3A_357, %ge3A_358 : vector<16xi32>
      %jit3A_360 = arith.constant 1.000000e+00 : f32
      %jit3A_361 = arith.constant 0.000000e+00 : f32
      %broadcast_in_dim3A_362 = vector.broadcast %jit3A_360 : f32 to vector<16xf32>
      %broadcast_in_dim3A_363 = vector.broadcast %jit3A_361 : f32 to vector<16xf32>
      %select_n3A_364 = arith.select %ge3A_359, %broadcast_in_dim3A_362, %broadcast_in_dim3A_363 : vector<16xi1>, vector<16xf32>
      %swap3A_365 = arith.index_cast %add3A_351 : i32 to index
      %swap3A_366 = tpu.vector_load %arg7[%swap3A_365] {strides = array<i32>} : memref<8192xf32, #tpu.memory_space<vmem>>, vector<16xf32>,
      tpu.vector_store %arg7[%swap3A_365], %select_n3A_364 {strides = array<i32>} : memref<8192xf32, #tpu.memory_space<vmem>>, vector<16xf32>,
      %mul3A_367 = arith.constant 128 : i32
      %mul3A_368 = arith.muli %scan3A_255, %mul3A_367 : i32
      %add3A_369 = arith.constant 96 : i32
      %add3A_370 = arith.addi %mul3A_368, %add3A_369 : i32
      %get3A_371 = arith.index_cast %add3A_370 : i32 to index
      %get3A_372 = tpu.vector_load %arg5[%get3A_371] {strides = array<i32>} : memref<8192xf32, #tpu.memory_space<vmem>>, vector<16xf32>,
      %bitcast_convert_type3A_373 = tpu.bitcast %get3A_372 : vector<16xf32> -> vector<16xi32>
      %and3A_374 = arith.constant 2147483647 : i32
      %and3A_375 = vector.broadcast %and3A_374 : i32 to vector<16xi32>
      %and3A_376 = arith.andi %bitcast_convert_type3A_373, %and3A_375 : vector<16xi32>
      %ge3A_377 = vector.broadcast %while3A_225#0 : i32 to vector<16xi32>
      %ge3A_378 = arith.cmpi sge, %and3A_376, %ge3A_377 : vector<16xi32>
      %jit3A_379 = arith.constant 1.000000e+00 : f32
      %jit3A_380 = arith.constant 0.000000e+00 : f32
      %broadcast_in_dim3A_381 = vector.broadcast %jit3A_379 : f32 to vector<16xf32>
      %broadcast_in_dim3A_382 = vector.broadcast %jit3A_380 : f32 to vector<16xf32>
      %select_n3A_383 = arith.select %ge3A_378, %broadcast_in_dim3A_381, %broadcast_in_dim3A_382 : vector<16xi1>, vector<16xf32>
      %swap3A_384 = arith.index_cast %add3A_370 : i32 to index
      %swap3A_385 = tpu.vector_load %arg7[%swap3A_384] {strides = array<i32>} : memref<8192xf32, #tpu.memory_space<vmem>>, vector<16xf32>,
      tpu.vector_store %arg7[%swap3A_384], %select_n3A_383 {strides = array<i32>} : memref<8192xf32, #tpu.memory_space<vmem>>, vector<16xf32>,
      %mul3A_386 = arith.constant 128 : i32
      %mul3A_387 = arith.muli %scan3A_255, %mul3A_386 : i32
      %add3A_388 = arith.constant 112 : i32
      %add3A_389 = arith.addi %mul3A_387, %add3A_388 : i32
      %get3A_390 = arith.index_cast %add3A_389 : i32 to index
      %get3A_391 = tpu.vector_load %arg5[%get3A_390] {strides = array<i32>} : memref<8192xf32, #tpu.memory_space<vmem>>, vector<16xf32>,
      %bitcast_convert_type3A_392 = tpu.bitcast %get3A_391 : vector<16xf32> -> vector<16xi32>
      %and3A_393 = arith.constant 2147483647 : i32
      %and3A_394 = vector.broadcast %and3A_393 : i32 to vector<16xi32>
      %and3A_395 = arith.andi %bitcast_convert_type3A_392, %and3A_394 : vector<16xi32>
      %ge3A_396 = vector.broadcast %while3A_225#0 : i32 to vector<16xi32>
      %ge3A_397 = arith.cmpi sge, %and3A_395, %ge3A_396 : vector<16xi32>
      %jit3A_398 = arith.constant 1.000000e+00 : f32
      %jit3A_399 = arith.constant 0.000000e+00 : f32
      %broadcast_in_dim3A_400 = vector.broadcast %jit3A_398 : f32 to vector<16xf32>
      %broadcast_in_dim3A_401 = vector.broadcast %jit3A_399 : f32 to vector<16xf32>
      %select_n3A_402 = arith.select %ge3A_397, %broadcast_in_dim3A_400, %broadcast_in_dim3A_401 : vector<16xi1>, vector<16xf32>
      %swap3A_403 = arith.index_cast %add3A_389 : i32 to index
      %swap3A_404 = tpu.vector_load %arg7[%swap3A_403] {strides = array<i32>} : memref<8192xf32, #tpu.memory_space<vmem>>, vector<16xf32>,
      tpu.vector_store %arg7[%swap3A_403], %select_n3A_402 {strides = array<i32>} : memref<8192xf32, #tpu.memory_space<vmem>>, vector<16xf32>,
    }
    %scan3A_231 = arith.constant 64 : i32
    %gt3A_232 = arith.constant 256 : i32
    %gt3A_233 = arith.cmpi sgt, %while3A_225#2, %gt3A_232 : i32
    %convert_element_type3A_234 = arith.extui %gt3A_233 : i1 to i32
    %cond3A_235 = arith.constant 0 : i32
    %cond3A_236 = arith.cmpi ne, %convert_element_type3A_234, %cond3A_235 : i32
    scf.if %cond3A_236 {
      %sub3A_255 = arith.constant 256 : i32
      %sub3A_256 = arith.subi %while3A_225#2, %sub3A_255 : i32
      %scan3A_257 = arith.constant 0 : i32
      %scan3A_258 = arith.constant 512 : i32
      %scan3A_259 = arith.addi %scan3A_257, %scan3A_258 : i32
      %scan3A_260 = arith.constant 1 : i32
      %scan3A_261 = scf.for %scan3A_263 = %scan3A_257 to %scan3A_259 step %scan3A_260 iter_args(%scan3A_264 = %sub3A_256) -> (i32)  : i32 {
        %sub3A_265 = arith.constant 511 : i32
        %sub3A_266 = arith.subi %sub3A_265, %scan3A_263 : i32
        %mul3A_267 = arith.constant 16 : i32
        %mul3A_268 = arith.muli %sub3A_266, %mul3A_267 : i32
        %get3A = arith.index_cast %mul3A_268 : i32 to index
        %get3A_269 = tpu.vector_load %arg5[%get3A] {strides = array<i32>} : memref<8192xf32, #tpu.memory_space<vmem>>, vector<16xf32>,
        %bitcast_convert_type3A = tpu.bitcast %get3A_269 : vector<16xf32> -> vector<16xi32>
        %and3A_270 = arith.constant 2147483647 : i32
        %and3A_271 = vector.broadcast %and3A_270 : i32 to vector<16xi32>
        %and3A_272 = arith.andi %bitcast_convert_type3A, %and3A_271 : vector<16xi32>
        %eq3A = vector.broadcast %while3A_225#0 : i32 to vector<16xi32>
        %eq3A_273 = arith.cmpi eq, %and3A_272, %eq3A : vector<16xi32>
        %convert_element_type3A_274 = arith.extui %eq3A_273 : vector<16xi1> to vector<16xi32>
        %broadcast_in_dim3A_275 = arith.constant true
        %broadcast_in_dim3A_276 = vector.broadcast %broadcast_in_dim3A_275 : i1 to vector<16xi1>
        %masked_cumsum3A = tpu.scan <sum>, %convert_element_type3A_274 masked %broadcast_in_dim3A_276 : vector<16xi32>, vector<16xi1> -> vector<16xi32>
        %reduce_sum3A = arith.constant true
        %reduce_sum3A_277 = vector.broadcast %reduce_sum3A : i1 to vector<16xi1>
        %reduce_sum3A_278 = tpu.scan <sum>, %convert_element_type3A_274 masked %reduce_sum3A_277 : vector<16xi32>, vector<16xi1> -> vector<16xi32>
        %reduce_sum3A_279 = vector.extract %reduce_sum3A_278[15] : i32 from vector<16xi32>
        %sub3A_280 = vector.broadcast %reduce_sum3A_279 : i32 to vector<16xi32>
        %sub3A_281 = arith.subi %sub3A_280, %masked_cumsum3A : vector<16xi32>
        %add3A_282 = arith.addi %sub3A_281, %convert_element_type3A_274 : vector<16xi32>
        %le3A = vector.broadcast %scan3A_264 : i32 to vector<16xi32>
        %le3A_283 = arith.cmpi sle, %add3A_282, %le3A : vector<16xi32>
        %and3A_284 = arith.andi %eq3A_273, %le3A_283 : vector<16xi1>
        %get3A_285 = arith.index_cast %mul3A_268 : i32 to index
        %get3A_286 = tpu.vector_load %arg7[%get3A_285] {strides = array<i32>} : memref<8192xf32, #tpu.memory_space<vmem>>, vector<16xf32>,
        %jit3A_287 = arith.constant 0.000000e+00 : f32
        %broadcast_in_dim3A_288 = vector.broadcast %jit3A_287 : f32 to vector<16xf32>
        %select_n3A_289 = arith.select %and3A_284, %broadcast_in_dim3A_288, %get3A_286 : vector<16xi1>, vector<16xf32>
        %swap3A = arith.index_cast %mul3A_268 : i32 to index
        %swap3A_290 = tpu.vector_load %arg7[%swap3A] {strides = array<i32>} : memref<8192xf32, #tpu.memory_space<vmem>>, vector<16xf32>,
        tpu.vector_store %arg7[%swap3A], %select_n3A_289 {strides = array<i32>} : memref<8192xf32, #tpu.memory_space<vmem>>, vector<16xf32>,
        %sub3A_291 = arith.subi %scan3A_264, %reduce_sum3A_279 : i32
        %max3A = arith.constant 0 : i32
        %max3A_292 = arith.maxsi %sub3A_291, %max3A : i32
        scf.yield %max3A_292 : i32
      }
      %scan3A_262 = arith.constant 512 : i32
    } else {
    }
    %dma_start3A_237 = arith.constant 0 : i32
    %dma_start3A_238 = tpu.memref_slice %arg3[%add3A_4, %dma_start3A_237] : memref<64x8192xf32, #tpu.memory_space<hbm>> -> memref<1x8192xf32, #tpu.memory_space<hbm>>
    %dma_start3A_239 = tpu.memref_squeeze %dma_start3A_238 : memref<1x8192xf32, #tpu.memory_space<hbm>> -> memref<8192xf32, #tpu.memory_space<hbm>>
    %dma_start3A_240 = arith.constant 0 : i32
    %dma_start3A_241 = tpu.memref_slice %arg3[%add3A_4, %dma_start3A_240] : memref<64x8192xf32, #tpu.memory_space<hbm>> -> memref<1x8192xf32, #tpu.memory_space<hbm>>
    %dma_start3A_242 = tpu.memref_squeeze %dma_start3A_241 : memref<1x8192xf32, #tpu.memory_space<hbm>> -> memref<8192xf32, #tpu.memory_space<hbm>>
    tpu.enqueue_dma source(%arg7 : memref<8192xf32, #tpu.memory_space<vmem>>) target(%dma_start3A_242 : memref<8192xf32, #tpu.memory_space<hbm>>) target_semaphore(%arg14 : memref<!tpu.dma_semaphore, #tpu.memory_space<semaphore_mem>>)
    %dma_wait3A_243 = arith.constant 0 : i32
    %dma_wait3A_244 = tpu.memref_slice %arg3[%mul3A_2, %dma_wait3A_243] : memref<64x8192xf32, #tpu.memory_space<hbm>> -> memref<1x8192xf32, #tpu.memory_space<hbm>>
    %dma_wait3A_245 = tpu.memref_squeeze %dma_wait3A_244 : memref<1x8192xf32, #tpu.memory_space<hbm>> -> memref<8192xf32, #tpu.memory_space<hbm>>
    %dma_wait3A_246 = arith.constant 0 : i32
    %dma_wait3A_247 = tpu.memref_slice %arg3[%mul3A_2, %dma_wait3A_246] : memref<64x8192xf32, #tpu.memory_space<hbm>> -> memref<1x8192xf32, #tpu.memory_space<hbm>>
    %dma_wait3A_248 = tpu.memref_squeeze %dma_wait3A_247 : memref<1x8192xf32, #tpu.memory_space<hbm>> -> memref<8192xf32, #tpu.memory_space<hbm>>
    tpu.wait_dma2 semaphore(%arg13 : memref<!tpu.dma_semaphore, #tpu.memory_space<semaphore_mem>>) src(%arg6 : memref<8192xf32, #tpu.memory_space<vmem>>) dst(%dma_wait3A_248 : memref<8192xf32, #tpu.memory_space<hbm>>)
    %dma_wait3A_249 = arith.constant 0 : i32
    %dma_wait3A_250 = tpu.memref_slice %arg3[%add3A_4, %dma_wait3A_249] : memref<64x8192xf32, #tpu.memory_space<hbm>> -> memref<1x8192xf32, #tpu.memory_space<hbm>>
    %dma_wait3A_251 = tpu.memref_squeeze %dma_wait3A_250 : memref<1x8192xf32, #tpu.memory_space<hbm>> -> memref<8192xf32, #tpu.memory_space<hbm>>
    %dma_wait3A_252 = arith.constant 0 : i32
    %dma_wait3A_253 = tpu.memref_slice %arg3[%add3A_4, %dma_wait3A_252] : memref<64x8192xf32, #tpu.memory_space<hbm>> -> memref<1x8192xf32, #tpu.memory_space<hbm>>
    %dma_wait3A_254 = tpu.memref_squeeze %dma_wait3A_253 : memref<1x8192xf32, #tpu.memory_space<hbm>> -> memref<8192xf32, #tpu.memory_space<hbm>>
    tpu.wait_dma2 semaphore(%arg14 : memref<!tpu.dma_semaphore, #tpu.memory_space<semaphore_mem>>) src(%arg7 : memref<8192xf32, #tpu.memory_space<vmem>>) dst(%dma_wait3A_254 : memref<8192xf32, #tpu.memory_space<hbm>>)
    return
  }
}

</mosaic_0001>

<sc_bundles>
// kernel: _topk_mask.3.cloned.1.call-start
scs
__scs_entry_jumppad:
0x0: {  	(pc) =	sbr.rel $0x88, $3  }
0x1: {  	(tag) =	ssettag $0x0;
	lr =	simm.s32 $0x1  }
0x2: {  	[smem:$0x3FA0] =	sst lr;
	_ =	strace $0xD0000000  }
0x3: {  	_ = 	snop  }
0x4: {  	_ = 	snop  }
0x5: {  	_ = 	snop  }
0x6: {  	_ = 	snop  }
0x7: {  	_ = 	snop  }
__scs_overlays_trampoline_lowered:
0x8: {  	[smem:$0x3FAF] =	sst s0  }
0x9: {  	[smem:$0x3FB0] =	sst s1  }
0xa: {  	[smem:$0x3FB1] =	sst s2  }
0xb: {  	[smem:$0x3FB2] =	sst s3  }
0xc: {  	[smem:$0x3FB3] =	sst s4  }
0xd: {  	[smem:$0x3FB4] =	sst s5  }
0xe: {  	[smem:$0x3FB5] =	sst s6  }
0xf: {  	[smem:$0x3FB6] =	sst s7  }
0x10: {  	[smem:$0x3FB7] =	sst s8  }
0x11: {  	[smem:$0x3FB8] =	sst s9;
	s0 =	simm.s32 @!p0 $0x0  }
0x12: {  	s1 =	sld [smem:$0x3F9E];
	s0 =	simm.s32 @p0 $0x1  }
0x13: {  	[smem:$0x3FB9] =	sst s0;
	s0 =	simm.s32 @!p1 $0x0  }
0x14: {  	s2 =	sld [smem:$0x3F9D];
	s0 =	simm.s32 @p1 $0x1  }
0x15: {  	[smem:$0x3FBA] =	sst s0;
	s0 =	simm.s32 @!p2 $0x0  }
0x16: {  	s3 =	sld [smem:$0x3FDB];
	s0 =	simm.s32 @p2 $0x1  }
0x17: {  	s4 =	simm.s32 $0x1BF5;
	[smem:$0x3FBC] =	sst s0  }
0x18: {  	s0 =	sld [smem:$0x3F9F];
	_ =	swait.ge [sflag:s4], $0x0  }
0x19: {  	s7 =	sld [smem:$0x3FA0]  }
0x1a: {  	s8 =	sadd.s32 $0xFFFFE003, lr  }
0x1b: {  	s9 =	sadd.s32 $0xFFFFFEF7, lr;
	s5 =	simm.s32 $0xFFFFFFFF;
	p2 =	slt.u32 s8, $0xFFFFF086  }
0x1c: {  	p1 =	slt.u32 s9, $0xF7A;
	s5 =	simm.s32 @!p2 $0x0  }
0x1d: {  	s5 =	simm.s32 @p1 $0x1;
	p0 =	seq.s32 s7, s2  }
0x1e: {  	s7 =	smul.u32 @!p0 $0xF7A, s2;
	p2 =	seq.s32 @!p0 s5, $0x0  }
0x1f: {  	s9 =	smul.u32 $0xF7A, s1;
	s8 =	simm.s32 @!p0 $0x1BF5;
	p2 =	por !p2, p0  }
0x20: {  	[sflag:s8] =	ssyncset.s32 @!p0 $0xFFFFF086;
	s6 =	sadd.s32 @!p0 s3, s7;
	s7 =	simm.s32 @!p0 $0x108  }
0x21: {  	s3 =	sadd.s32 s3, s9;
	s6 =	sadd.s32 @!p0 $0x88, s6;
	s7 =	simm.s32 @p2 $0x1082  }
0x22: {  	[simem:s7], [sflag:s8] =	dma.local @!p0 [hbm:s6], $0xF7A  }
0x23: {  	s9 =	sor.u32 $0xD0000000, s2;
	s6 =	simm.s32 $0x108;
	_ =	swait.ge @!p0 [sflag:s8], $0x0  }
0x24: {  	s3 =	sadd.s32 $0x88, s3;
	s6 =	simm.s32 @!p1 $0x1082;
	[sflag:s4] =	ssyncset.s32 $0xFFFFF086  }
0x25: {  	[simem:s6], [sflag:s4] =	dma.local [hbm:s3], $0xF7A  }
0x26: {  	[smem:$0x3FA0] =	sst s1;
	(tag) =	ssettag s2;
	_ =	strace s9  }
0x27: {  	s1 =	sld [smem:$0x3FB0]  }
0x28: {  	s2 =	sld [smem:$0x3FB1]  }
0x29: {  	s4 =	sld [smem:$0x3FB3]  }
0x2a: {  	p0 =	seq.s32 s5, $0x0;
	s5 =	sld [smem:$0x3FB4]  }
0x2b: {  	s6 =	sld [smem:$0x3FB5]  }
0x2c: {  	s7 =	sld [smem:$0x3FB6]  }
0x2d: {  	s3 =	simm.s32 $0x108;
	s8 =	sld [smem:$0x3FB7]  }
0x2e: {  	s3 =	simm.s32 @!p0 $0x1082;
	s9 =	sld [smem:$0x3FB8]  }
0x2f: {  	lr =	sadd.s32 s0, s3;
	s0 =	sld [smem:$0x3FAF]  }
0x30: {  	s3 =	sld [smem:$0x3FB2]  }
0x31: {  	[smem:$0x3FBB] =	sst s10  }
0x32: {  	s10 =	sld [smem:$0x3FB9];
	_ =	sdelay $0x3  }
0x33: {  	p0 =	seq.s32 s10, $0x1;
	s10 =	sld [smem:$0x3FBB];
	_ =	sdelay $0x3  }
0x34: {  	[smem:$0x3FBB] =	sst s10  }
0x35: {  	s10 =	sld [smem:$0x3FBA];
	_ =	sdelay $0x3  }
0x36: {  	p1 =	seq.s32 s10, $0x1;
	s10 =	sld [smem:$0x3FBB];
	_ =	sdelay $0x3  }
0x37: {  	[smem:$0x3FBB] =	sst s10  }
0x38: {  	s10 =	sld [smem:$0x3FBC]  }
0x39: {  	_ = 	snop;
	(pc) =	sbr.ind lr, $3  }
0x3a: {  	_ = 	snop  }
0x3b: {  	_ = 	snop  }
0x3c: {  	p2 =	seq.s32 s10, $0x1;
	s10 =	sld [smem:$0x3FBB]  }
0x3d: {  	_ =	shalt  }
0x3e: {  	_ =	shalt  }
0x3f: {  	_ =	shalt  }
0x40: {  	_ =	shalt  }
0x41: {  	_ =	shalt  }
0x42: {  	_ =	shalt  }
0x43: {  	_ =	shalt  }
0x44: {  	_ =	shalt  }
0x45: {  	_ =	shalt  }
0x46: {  	_ =	shalt  }
0x47: {  	_ =	shalt  }
0x48: {  	_ =	shalt  }
0x49: {  	_ =	shalt  }
0x4a: {  	_ =	shalt  }
0x4b: {  	_ =	shalt  }
0x4c: {  	_ =	shalt  }
0x4d: {  	_ =	shalt  }
0x4e: {  	_ =	shalt  }
0x4f: {  	_ =	shalt  }
0x50: {  	_ =	shalt  }
0x51: {  	_ =	shalt  }
0x52: {  	_ =	shalt  }
0x53: {  	_ =	shalt  }
0x54: {  	_ =	shalt  }
0x55: {  	_ =	shalt  }
0x56: {  	_ =	shalt  }
0x57: {  	_ =	shalt  }
0x58: {  	_ =	shalt  }
0x59: {  	_ =	shalt  }
0x5a: {  	_ =	shalt  }
0x5b: {  	_ =	shalt  }
0x5c: {  	_ =	shalt  }
0x5d: {  	_ =	shalt  }
0x5e: {  	_ =	shalt  }
0x5f: {  	_ =	shalt  }
0x60: {  	_ =	shalt  }
0x61: {  	_ =	shalt  }
0x62: {  	_ =	shalt  }
0x63: {  	_ =	shalt  }
0x64: {  	_ =	shalt  }
0x65: {  	_ =	shalt  }
0x66: {  	_ =	shalt  }
0x67: {  	_ =	shalt  }
0x68: {  	_ =	shalt  }
0x69: {  	_ =	shalt  }
0x6a: {  	_ =	shalt  }
0x6b: {  	_ =	shalt  }
0x6c: {  	_ =	shalt  }
0x6d: {  	_ =	shalt  }
0x6e: {  	_ =	shalt  }
0x6f: {  	_ =	shalt  }
0x70: {  	_ =	shalt  }
0x71: {  	_ =	shalt  }
0x72: {  	_ =	shalt  }
0x73: {  	_ =	shalt  }
0x74: {  	_ =	shalt  }
0x75: {  	_ =	shalt  }
0x76: {  	_ =	shalt  }
0x77: {  	_ =	shalt  }
0x78: {  	_ =	shalt  }
0x79: {  	_ =	shalt  }
0x7a: {  	_ =	shalt  }
0x7b: {  	_ =	shalt  }
0x7c: {  	_ =	shalt  }
0x7d: {  	_ =	shalt  }
0x7e: {  	_ =	shalt  }
0x7f: {  	_ =	shalt  }
0x80: {  	_ =	shalt  }
0x81: {  	_ =	shalt  }
0x82: {  	_ =	shalt  }
0x83: {  	_ =	shalt  }
0x84: {  	_ =	shalt  }
0x85: {  	_ =	shalt  }
0x86: {  	_ =	shalt  }
0x87: {  	_ =	shalt  }
.Lfunc_end0:
.L_simem_size_0:
called_computation_lowered:
.L_overlay_start_0:
0x88: {  	s2 =	sld [smem:$0x3FD9]  }
0x89: {  	s3 =	sld [smem:$0x3FFE];
	_ =	sdelay $0x1  }
0x8a: {  	s1 =	srdreg.scid  }
0x8b: {  	s0 =	sand.u32 $0x1, s1  }
0x8c: {  	s18 =	sshll.u32 s0, $0xA;
	s2 =	sadd.s32 s3, s2  }
0x8d: {  	s2 =	sadd.s32 s2, s18  }
0x8e: {  	[smem:$0x3FC7] =	sst s2  }
0x8f: {  	_ = 	snop  }
0x90: {  	s2 =	sld [smem:$0x3FC9]  }
0x91: {  	s19 =	sld [smem:$0x3FD0];
	(tm) =	ssettm $0x1  }
0x92: {  	s4 =	sld [smem:$0x3FFB];
	_ =	sdelay $0x3  }
0x93: {  	_ =	strace s4  }
0x94: {  	s4 =	sld [smem:$0x3FFC];
	_ =	sdelay $0x3  }
0x95: {  	_ =	strace s4  }
0x96: {  	s4 =	sld [smem:$0x3FFD];
	_ =	sdelay $0x3  }
0x97: {  	_ =	strace s4  }
0x98: {  	_ =	strace $0x8FFFFFFF  }
0x99: {  	s20 =	sld [smem:$0x3FDB];
	_ =	sdelay $0x1  }
0x9a: {  	s5 =	simm.s32 $_scs_section_size  }
0x9b: {  	s6 =	simm.s32 $_size__tile_overlayer_lowered;
	s7 =	simm.s32 $_tile_overlayer_lowered  }
0x9c: {  	s23 =	simm.s32 $0x1BFF;
	s22 =	sshll.u32 s7, $0x1;
	s4 =	sadd.s32 s5, s20  }
0x9d: {  	s8 =	simm.s32 $0x0;
	s21 =	sshll.u32 s6, $0x1;
	s6 =	sadd.s32 s22, s4  }
0x9e: {  	[timem:s8], [sflag:s23] =	dma.local [hbm:s6], s21  }
0x9f: {  	_ =	swait.ge [sflag:s23], s21  }
0xa0: {  	s5 =	ssub.s32 $0x0, s21;
	[sflag:s23] =	ssyncset.done $0x0  }
0xa1: {  	[sflag:s23] =	ssyncadd.s32 s5;
	_ =	sdelay $0x1  }
0xa2: {  	s24 =	simm.s32 $0x1B8B  }
0xa3: {  	_ =	swait.ge [sflag:s24], $0x1  }
0xa4: {  	[sflag:s24] =	ssyncset.done $0x0  }
0xa5: {  	s25 =	simm.s32 $0x1B8E;
	[sflag:s24] =	ssyncadd.s32 $0xFFFFFFFF  }
0xa6: {  	s26 =	simm.s32 $execute0_lowered;
	[smem:$0x3FD2] =	sst s25  }
0xa7: {  	s5 =	sshll.u32 s26, $0x1;
	_ =	strace $0x80000046;
	[dreg:$0x1] =	wrdreg $0xFFFFFFFF  }
0xa8: {  	s28 =	simm.s32 $_size_execute0_lowered;
	s4 =	sadd.s32 s4, s5;
	[dreg:$0x0] =	wrdreg $0x0  }
0xa9: {  	s5 =	sshll.u32 s28, $0x1;
	[dreg:$0x2] =	wrdreg s4  }
0xaa: {  	[dreg:$0x3] =	wrdreg s5  }
0xab: {  	[dreg:$0x4] =	wrdreg $0xC0  }
0xac: {  	_ =	task [dreg:s8], $0x5FFFF  }
0xad: {  	[dreg:$0x1] =	wrdreg $0xFFFFFFFF  }
0xae: {  	[dreg:$0x0] =	wrdreg $0x60  }
0xaf: {  	[dreg:$0x2] =	wrdreg s2  }
0xb0: {  	[dreg:$0x3] =	wrdreg s19  }
0xb1: {  	[dreg:$0x4] =	wrdreg $0x9  }
0xb2: {  	_ =	task.clear_ibuf [dreg:s8], $0x5FFFF;
	_ =	strace $0x90000046  }
0xb3: {  	s29 =	simm.s32 $0x9;
	_ =	strace $0x80000048  }
0xb4: {  	_ =	swait.ge [sflag:s29], $0x1  }
0xb5: {  	[sflag:s29] =	ssyncadd.s32 $0xFFFFFFFF  }
0xb6: {  	_ =	strace $0x90000048  }
0xb7: {  	_ =	sfence  }
0xb8: {  	s30 =	sld [smem:$0x0];
	_ =	sdelay $0x2  }
0xb9: {  	s31 =	sshll.u32 s1, $0xD;
	s1 =	sshrl.u32 s1, $0x2  }
0xba: {  	s3 =	sand.u32 $0x4000, s31;
	s1 =	sadd.s32 s1, s30  }
0xbb: {  	s0 =	sor.u32 s3, s0;
	s1 =	sshll.u32 s1, $0x11  }
0xbc: {  	s0 =	sor.u32 s1, s0  }
0xbd: {  	s0 =	sadd.s32 $0x8F2B, s0  }
0xbe: {  	[sflag:s0] =	ssyncadd.remote.s32 $0x1  }
0xbf: {  	_ =	sfence.sel $0xFFFF  }
0xc0: {  	[dreg:$0x0] =	wrdreg $0xFFFFFFFF;
	(pc) =	sbr.abs _section_cstart, $3  }
0xc1: {  	[dreg:$0x1] =	wrdreg $0xFFFFFFFF  }
0xc2: {  	_ =	task.clear_ibuf [dreg:s8], $0x2FFFF;
	_ =	strace $0x9FFFFFFF  }
0xc3: {  	(tm) =	ssettm $0x7FFFFFFF  }
tec
execute0_lowered:
.L_overlay_start_1:
0x0: {  	(tag) =	ssettag $0x1  }
0x1: {  	s0 =	rddreg [dreg:$0x0]  }
0x2: {  	s1 =	rddreg [dreg:$0x1];
	s2 =	srdreg.scid  }
0x3: {  	s5 =	stileid.u32;
	s6 =	simm.s32 $0x0;
	s8 =	simm.s32 $0x80  }
0x4: {  	s9 =	simm.s32 $0x400;
	s11 =	simm.s32 $0x1;
	s12 =	simm.s32 $0xA080  }
0x5: {  	s13 =	simm.s32 $0x8000;
	s2 =	sand.u32 $0x1, s2;
	s3 =	sshll.u32 s5, $0x6  }
0x6: {  	s5 =	sshll.u32 s5, $0xC;
	s4 =	sshll.u32 s2, $0x5;
	s3 =	sand.u32 $0x40, s3  }
0x7: {  	s5 =	sand.u32 $0xE000, s5;
	s2 =	ssub.s32 $0x2, s2;
	s3 =	sor.u32 s4, s3  }
0x8: {  	[smem:$0x7FF] =	sst s6;
	s25 =	sshrl.u32 s2, $0x1;
	s3 =	sor.u32 s5, s3  }
0x9: {  	_ =	strace $0x80000047;
	s2 =	ssub.s32 s2, s25;
	s28 =	sadd.s32 s0, s3  }
.Ltmp0:
0xa: {  	s29 =	sadd.s32 s1, s3;
	[dreg:$0x3] =	wrdreg s28;
	(pc) =	sbr.rel .LBB2_1-.Ltmp0, $4  }
0xb: {  	s26 =	sor.u32 $0x10, s3;
	s31 =	smax.u32 s2, $0x1;
	[dreg:$0x5] =	wrdreg s29  }
0xc: {  	s15 =	simm.s32 $0x2;
	s0 =	sadd.s32 s0, s26;
	[dreg:$0x7] =	wrdreg s31  }
0xd: {  	v0 =	vlaneseq.u32;
	vm0 =	vmxor vm0, vm0;
	s17 =	simm.s32 $0x3;
	s30 =	sadd.s32 s1, s26;
	[dreg:$0x4] =	wrdreg s0  }
0xe: {  	v2 =	vimm.s32 $0x0;
	v3 =	vimm.f32 $1.000000000e+00;
	s18 =	simm.s32 $0x4;
	s19 =	simm.s32 $0x0;
	v1 =	vmul.u32 $0x10, v0;
	[dreg:$0x6] =	wrdreg s30  }
.LBB2_47:
0xf: {  	s0 =	rddreg [dreg:$0x6];
	s1 =	simm.s32 $0x6000  }
0x10: {  	[hbm4b:s0+s8] =	stream.strided.scatter [tilespmem:s1], [sflag:$0x4], $0x2000, s9, s8, $0x38;
	[tilespmem:$0xC280] =	vst v63  }
0x11: {  	_ =	swait.ge [sflag:s17], $0x2000  }
0x12: {  	[sflag:s17] =	ssyncset.done $0x0  }
0x13: {  	[sflag:s17] =	ssyncadd.s32 $0xFFFFE000  }
0x14: {  	_ =	swait.ge [sflag:s18], $0x2000  }
0x15: {  	s19 =	sadd.s32 $0x1, s19;
	s31 =	rddreg [dreg:$0x7]  }
0x16: {  	p0 =	sne.s32 s19, s31  }
.Ltmp1:
0x17: {  	_ = 	snop;
	(pc) =	sbr.rel @!p0 .LBB2_48-.Ltmp1, $3  }
0x18: {  	_ =	sdelay $0x1  }
0x19: {  	[sflag:s18] =	ssyncset.done $0x0  }
0x1a: {  	[sflag:s18] =	ssyncadd.s32 $0xFFFFE000  }
.LBB2_1:
0x1b: {  	s0 =	simm.s32 $0x0;
	s1 =	rddreg [dreg:$0x3]  }
0x1c: {  	[tilespmem:s0], [sflag:$0x1] =	stream.strided.gather [hbm4b:s1+s8], $0x2000, s9, s8, $0x38;
	[tilespmem:$0xC280] =	vst v63  }
0x1d: {  	s30 =	rddreg [dreg:$0x4];
	s31 =	simm.s32 $0x2000  }
0x1e: {  	[tilespmem:s31], [sflag:$0x2] =	stream.strided.gather [hbm4b:s30+s8], $0x2000, s9, s8, $0x38;
	[tilespmem:$0xC280] =	vst v63  }
0x1f: {  	_ =	swait.ge [sflag:s11], $0x2000  }
0x20: {  	p1 =	por $0x0, $0x0;
	[sflag:s11] =	ssyncset.done $0x0  }
.Ltmp2:
0x21: {  	s21 =	simm.s32 $0x0;
	[sflag:s11] =	ssyncadd.s32 $0xFFFFE000;
	(pc) =	sbr.rel @p1 .LBB2_2-.Ltmp2, $4  }
0x22: {  	v4 =	vld [tilespmem:s21+$0x70]  }
0x23: {  	v7 =	vld [tilespmem:s21+$0x60]  }
0x24: {  	v6 =	vld [tilespmem:s21+$0x50]  }
0x25: {  	p0 =	por $0x0, $0x0;
	v5 =	vld [tilespmem:s21+$0x40]  }
0x26: {  	v9 =	vld [tilespmem:s21+$0x0]  }
0x27: {  	v11 =	vld [tilespmem:s21+$0x10]  }
0x28: {  	v12 =	vld [tilespmem:s21+$0x20]  }
0x29: {  	v13 =	vld [tilespmem:s21+$0x30]  }
0x2a: {  	v8 =	vand.u32 $0x40000000, v4  }
0x2b: {  	p1 =	por $0x0, $0x0;
	v10 =	vand.u32 $0x40000000, v6;
	v14 =	vand.u32 $0x40000000, v5;
	v4 =	vand.u32 $0x40000000, v9  }
.Ltmp3:
0x2c: {  	s20 =	simm.s32 $0x80;
	v9 =	vand.u32 $0x40000000, v7;
	v6 =	vand.u32 $0x40000000, v11;
	vm1 =	vne.s32 v4, $0x0;
	(pc) =	sbr.rel @p1 .LBB2_5-.Ltmp3, $4  }
0x2d: {  	v7 =	vld [tilespmem:s20+$0x60];
	v5 =	vand.u32 $0x40000000, v12;
	v11 =	vmpcnt.ones.xlane vm1;
	vm1 =	vne.s32 v6, $0x0  }
0x2e: {  	v4 =	vld [tilespmem:s20+$0x70];
	v12 =	vmpcnt.ones.xlane vm1;
	vm1 =	vne.s32 v5, $0x0;
	v5 =	vand.u32 $0x40000000, v13  }
0x2f: {  	v6 =	vld [tilespmem:s20+$0x50];
	[tilespmem:s21+$0xA080] =	vst v11;
	v13 =	vadd.s32 v2, v11;
	v11 =	vmpcnt.ones.xlane vm1;
	vm1 =	vne.s32 v5, $0x0  }
0x30: {  	s0 =	simm.s32 $0x400;
	p0 =	por $0x1, $0x1;
	v5 =	vld [tilespmem:s20+$0x40];
	[tilespmem:s21+$0xA090] =	vst v12;
	v13 =	vadd.s32 v12, v13;
	v12 =	vmpcnt.ones.xlane vm1;
	vm1 =	vne.s32 v14, $0x0  }
.LBB2_4:
0x31: {  	p1 =	seq.s32 s0, $0x7E00;
	v14 =	vld [tilespmem:s20+$0x0];
	[tilespmem:s21+$0xA0A0] =	vst v11;
	v11 =	vadd.s32 v11, v13;
	v13 =	vmpcnt.ones.xlane vm1;
	vm1 =	vne.s32 v10, $0x0  }
0x32: {  	v15 =	vld [tilespmem:s20+$0x10];
	[tilespmem:s21+$0xA0B0] =	vst v12;
	v10 =	vadd.s32 v12, v11;
	v11 =	vmpcnt.ones.xlane vm1;
	vm1 =	vne.s32 v9, $0x0  }
0x33: {  	v12 =	vld [tilespmem:s20+$0x20];
	[tilespmem:s21+$0xA0C0] =	vst v13;
	v9 =	vadd.s32 v13, v10;
	v10 =	vmpcnt.ones.xlane vm1;
	vm1 =	vne.s32 v8, $0x0  }
0x34: {  	v13 =	vld [tilespmem:s20+$0x30];
	[tilespmem:s21+$0xA0D0] =	vst v11;
	v11 =	vadd.s32 v11, v9;
	v16 =	vmpcnt.ones.xlane vm1  }
0x35: {  	v8 =	vand.u32 $0x40000000, v4;
	v9 =	vand.u32 $0x40000000, v7;
	[tilespmem:s21+$0xA0E0] =	vst v10;
	v4 =	vadd.s32 v10, v11  }
0x36: {  	v10 =	vand.u32 $0x40000000, v6;
	v7 =	vand.u32 $0x40000000, v14;
	[tilespmem:s21+$0xA0F0] =	vst v16;
	v11 =	vadd.s32 v16, v4;
	s21 =	smov.u32 s20  }
.Ltmp4:
0x37: {  	s20 =	sshra.s32 s0, $0x2;
	v14 =	vand.u32 $0x40000000, v5;
	vm1 =	vne.s32 v7, $0x0;
	v6 =	vand.u32 $0x40000000, v15;
	(pc) =	sbr.rel @!p1 .LBB2_4-.Ltmp4, $4  }
0x38: {  	v4 =	vld [tilespmem:s20+$0x70];
	v5 =	vmpcnt.ones.xlane vm1;
	vm1 =	vne.s32 v6, $0x0;
	v6 =	vand.u32 $0x40000000, v12  }
0x39: {  	v7 =	vld [tilespmem:s20+$0x60];
	v12 =	vmpcnt.ones.xlane vm1;
	vm1 =	vne.s32 v6, $0x0;
	v13 =	vand.u32 $0x40000000, v13  }
0x3a: {  	v6 =	vld [tilespmem:s20+$0x50];
	[tilespmem:s21+$0xA080] =	vst v5;
	v15 =	vadd.s32 v11, v5;
	v11 =	vmpcnt.ones.xlane vm1;
	vm1 =	vne.s32 v13, $0x0  }
0x3b: {  	s0 =	sadd.s32 $0x200, s0;
	v5 =	vld [tilespmem:s20+$0x40];
	[tilespmem:s21+$0xA090] =	vst v12;
	v13 =	vadd.s32 v12, v15;
	v12 =	vmpcnt.ones.xlane vm1;
	vm1 =	vne.s32 v14, $0x0  }
.LBB2_5:
0x3c: {  	v14 =	vld [tilespmem:s20+$0x0];
	_ =	sdelay $0x1  }
0x3d: {  	[tilespmem:s21+$0xA0A0] =	vst @p0 v11;
	v11 =	vadd.s32 @p0 v11, v13;
	v13 =	vmpcnt.ones.xlane @p0 vm1;
	vm1 =	vne.s32 @p0 v10, $0x0  }
0x3e: {  	v10 =	vadd.s32 @p0 v12, v11;
	v11 =	vmpcnt.ones.xlane @p0 vm1;
	vm1 =	vne.s32 @p0 v9, $0x0  }
0x3f: {  	v15 =	vld [tilespmem:s20+$0x10];
	[tilespmem:s21+$0xA0B0] =	vst @p0 v12;
	v12 =	vmpcnt.ones.xlane @p0 vm1  }
0x40: {  	v57 =	vld [tilespmem:s20+$0x20];
	vm1 =	vne.s32 @p0 v8, $0x0;
	[tilespmem:s21+$0xA0C0] =	vst @p0 v13;
	v10 =	vadd.s32 @p0 v13, v10;
	v8 =	vand.u32 $0x40000000, v14  }
0x41: {  	v13 =	vmpcnt.ones.xlane @p0 vm1;
	v10 =	vadd.s32 @p0 v11, v10;
	vm1 =	vne.s32 v8, $0x0;
	v8 =	vld [tilespmem:s20+$0x30]  }
0x42: {  	v7 =	vand.u32 $0x40000000, v7;
	v10 =	vadd.s32 @p0 v12, v10  }
0x43: {  	v4 =	vand.u32 $0x40000000, v4;
	v6 =	vand.u32 $0x40000000, v6;
	v10 =	vadd.s32 @p0 v13, v10  }
0x44: {  	v5 =	vand.u32 $0x40000000, v5;
	v58 =	vand.u32 $0x40000000, v15;
	v61 =	vpsel p0, v10, v2  }
0x45: {  	v59 =	vmpcnt.ones.xlane vm1;
	vm1 =	vne.s32 v58, $0x0;
	v9 =	vand.u32 $0x40000000, v57  }
0x46: {  	v60 =	vmpcnt.ones.xlane vm1;
	vm1 =	vne.s32 v9, $0x0;
	v8 =	vand.u32 $0x40000000, v8  }
0x47: {  	v9 =	vadd.s32 v61, v59;
	v62 =	vmpcnt.ones.xlane vm1;
	vm1 =	vne.s32 v8, $0x0  }
0x48: {  	v8 =	vadd.s32 v60, v9;
	v63 =	vmpcnt.ones.xlane vm1;
	vm1 =	vne.s32 v5, $0x0  }
0x49: {  	v5 =	vadd.s32 v62, v8;
	v8 =	vmpcnt.ones.xlane vm1;
	vm1 =	vne.s32 v6, $0x0  }
0x4a: {  	[tilespmem:s21+$0xA0D0] =	vst @p0 v11;
	v5 =	vadd.s32 v63, v5;
	v6 =	vmpcnt.ones.xlane vm1;
	vm1 =	vne.s32 v7, $0x0  }
0x4b: {  	[tilespmem:s21+$0xA0E0] =	vst @p0 v12;
	v5 =	vadd.s32 v8, v5;
	v7 =	vmpcnt.ones.xlane vm1;
	vm1 =	vne.s32 v4, $0x0  }
0x4c: {  	[tilespmem:s21+$0xA0F0] =	vst @p0 v13;
	v4 =	vadd.s32 v6, v5;
	v5 =	vmpcnt.ones.xlane vm1  }
0x4d: {  	s1 =	simm.s32 $0x0;
	[tilespmem:s20+$0xA080] =	vst v59;
	v4 =	vadd.s32 v7, v4  }
0x4e: {  	[tilespmem:s20+$0xA0F0] =	vst v5;
	v4 =	vadd.s32 v5, v4;
	v5 =	vmov s1  }
0x4f: {  	[tilespmem:s20+$0xA090] =	vst v60;
	v5 =	vshll.u32 v5, $0x4  }
0x50: {  	[tilespmem:s20+$0xA0A0] =	vst v62;
	v5 =	vor.u32 v1, v5  }
0x51: {  	[tilespmem:s20+$0xA0B0] =	vst v63  }
0x52: {  	[tilespmem:s20+$0xA0C0] =	vst v8  }
0x53: {  	[tilespmem:s20+$0xA0D0] =	vst v6  }
0x54: {  	[tilespmem:s20+$0xA0E0] =	vst v7  }
0x55: {  	v5 =	vld.idx.msk [tilespmem:v5+s12+$0x0], $0xffff;
	_ =	sdelay $0x4  }
0x56: {  	(xrf0) =	vadd.scan.msk.s32 $0xffff, v5;
	_ =	sdelay $0x3  }
0x57: {  	s2 =	simm.s32 $0x10  }
0x58: {  	v6 =	vmov s2  }
0x59: {  	v6 =	vshll.u32 v6, $0x4;
	v7, _, _ =	vpop (xrf0)  }
0x5a: {  	v6 =	vor.u32 v1, v6;
	(v2sf) =	vpush v7, $0xF;
	_ =	sdelay $0x1  }
0x5b: {  	v5 =	vsub.s32 s1, v5  }
0x5c: {  	s0 =	simm.s32 $0xC080;
	v5 =	vadd.s32 v7, v5  }
0x5d: {  	[tilespmem:s0+$0x0] =	vst v5  }
0x5e: {  	v5 =	vld.idx.msk [tilespmem:v6+s12+$0x0], $0xffff;
	_ =	sdelay $0x4  }
0x5f: {  	(xrf0) =	vadd.scan.msk.s32 $0xffff, v5;
	_ =	sdelay $0x2  }
0x60: {  	s31 =	simm.s32 $0x20  }
0x61: {  	s2 =	simm.s32 $0x30;
	v6 =	vmov s31  }
.LBB2_6:
0x62: {  	p0 =	seq.s32 s2, $0x1F0;
	v6 =	vshll.u32 v6, $0x4;
	s3 =	spop (v2sf)  }
0x63: {  	v6 =	vor.u32 v1, v6;
	v7, _, _ =	vpop (xrf0);
	s1 =	sadd.s32 s1, s3  }
0x64: {  	v5 =	vsub.s32 s1, v5;
	(v2sf) =	vpush v7, $0xF  }
0x65: {  	s0 =	sadd.s32 $0x10, s0;
	v5 =	vadd.s32 v7, v5  }
0x66: {  	[tilespmem:s0+$0x0] =	vst v5;
	_ =	sdelay $0x1  }
0x67: {  	v5 =	vld.idx.msk [tilespmem:v6+s12+$0x0], $0xffff;
	_ =	sdelay $0x5  }
.Ltmp5:
0x68: {  	(xrf0) =	vadd.scan.msk.s32 $0xffff, v5;
	(pc) =	sbr.rel @!p0 .LBB2_6-.Ltmp5, $2  }
0x69: {  	_ =	sdelay $0x2  }
0x6a: {  	v6 =	vmov s2;
	s2 =	sadd.s32 $0x10, s2  }
0x6b: {  	v6 =	vshll.u32 v6, $0x4  }
0x6c: {  	s2 =	spop (v2sf);
	v6 =	vor.u32 v1, v6  }
0x6d: {  	s1 =	sadd.s32 s1, s2  }
0x6e: {  	v7, _, _ =	vpop (xrf0);
	v5 =	vsub.s32 s1, v5  }
0x6f: {  	s0 =	sadd.s32 $0x10, s0;
	v5 =	vadd.s32 v7, v5  }
0x70: {  	[tilespmem:s0+$0x0] =	vst v5  }
0x71: {  	v5 =	vld.idx.msk [tilespmem:v6+s12+$0x0], $0xffff;
	_ =	sdelay $0x4  }
0x72: {  	(xrf0) =	vadd.scan.msk.s32 $0xffff, v5;
	_ =	sdelay $0x2  }
0x73: {  	(v2sf) =	vpush v7, $0xF;
	_ =	sdelay $0x2  }
0x74: {  	v6, _, _ =	vpop (xrf0)  }
0x75: {  	(v2sf) =	vpush v6, $0xF;
	_ =	sdelay $0xa  }
0x76: {  	s31 =	spop (v2sf)  }
0x77: {  	s1 =	sadd.s32 s1, s31  }
0x78: {  	v5 =	vsub.s32 s1, v5  }
0x79: {  	s0 =	sadd.s32 $0x10, s0;
	v5 =	vadd.s32 v6, v5  }
0x7a: {  	s21 =	simm.s32 $0xC080;
	[tilespmem:s0+$0x0] =	vst v5;
	s3 =	spop (v2sf);
	(v2sf) =	vpush v4, $0x0  }
0x7b: {  	v4 =	vld [tilespmem:s21+$0x0];
	_ =	sdelay $0x4  }
0x7c: {  	(v2sf) =	vpush v4, $0x0;
	_ =	sdelay $0x8  }
0x7d: {  	s20 =	spop (v2sf);
	(v2sf) =	vpush v4, $0x1  }
0x7e: {  	s22 =	simm.s32 $0x80  }
0x7f: {  	v5 =	vld [tilespmem:s22+$0xFFFFFF80];
	_ =	sdelay $0x3  }
0x80: {  	s0 =	spop (v2sf)  }
0x81: {  	vm1 =	vmmov vm0;
	v5 =	vand.u32 $0x7FFFFFFF, v5;
	p0 =	sgt.s32 s20, $0xFF;
	s4 =	ssub.s32 $0xF0, s0  }
0x82: {  	vm2 =	vlt.u32 v5, $0x40000000;
	vm1 =	vmneg @p0 vm1;
	s1 =	sadd.s32 $0xFFFFFF10, s4  }
0x83: {  	vm2 =	vmxor vm1, vm2;
	(v2sf) =	vpush v4, $0x2;
	s1 =	smov.u32 @p0 s0  }
0x84: {  	[tilespmem:s1+$0x8000] =	vst.msk vm2, v5  }
0x85: {  	v5 =	vld [tilespmem:s22+$0xFFFFFF90];
	_ =	sdelay $0x3  }
0x86: {  	s0 =	spop (v2sf)  }
0x87: {  	v5 =	vand.u32 $0x7FFFFFFF, v5;
	s5 =	ssub.s32 $0xF0, s0  }
0x88: {  	vm2 =	vlt.u32 v5, $0x40000000;
	s1 =	sadd.s32 $0xFFFFFF20, s5  }
0x89: {  	(v2sf) =	vpush v4, $0x3;
	vm2 =	vmxor vm1, vm2;
	s1 =	smov.u32 @p0 s0  }
0x8a: {  	[tilespmem:s1+$0x8000] =	vst.msk vm2, v5  }
0x8b: {  	v5 =	vld [tilespmem:s22+$0xFFFFFFA0];
	_ =	sdelay $0x3  }
0x8c: {  	s0 =	spop (v2sf)  }
0x8d: {  	s6 =	ssub.s32 $0xF0, s0;
	v5 =	vand.u32 $0x7FFFFFFF, v5  }
0x8e: {  	s1 =	sadd.s32 $0xFFFFFF30, s6;
	vm2 =	vlt.u32 v5, $0x40000000  }
0x8f: {  	(v2sf) =	vpush v4, $0x4;
	s1 =	smov.u32 @p0 s0;
	vm2 =	vmxor vm1, vm2  }
0x90: {  	[tilespmem:s1+$0x8000] =	vst.msk vm2, v5  }
0x91: {  	v5 =	vld [tilespmem:s22+$0xFFFFFFB0];
	_ =	sdelay $0x3  }
0x92: {  	s0 =	spop (v2sf)  }
0x93: {  	s7 =	ssub.s32 $0xF0, s0;
	v5 =	vand.u32 $0x7FFFFFFF, v5  }
0x94: {  	s1 =	sadd.s32 $0xFFFFFF40, s7;
	vm2 =	vlt.u32 v5, $0x40000000  }
0x95: {  	(v2sf) =	vpush v4, $0x5;
	s1 =	smov.u32 @p0 s0;
	vm2 =	vmxor vm1, vm2  }
0x96: {  	[tilespmem:s1+$0x8000] =	vst.msk vm2, v5  }
0x97: {  	v5 =	vld [tilespmem:s22+$0xFFFFFFC0];
	_ =	sdelay $0x3  }
0x98: {  	s0 =	spop (v2sf)  }
0x99: {  	s10 =	ssub.s32 $0xF0, s0;
	v5 =	vand.u32 $0x7FFFFFFF, v5  }
0x9a: {  	s1 =	sadd.s32 $0xFFFFFF50, s10;
	vm2 =	vlt.u32 v5, $0x40000000  }
0x9b: {  	(v2sf) =	vpush v4, $0x6;
	s1 =	smov.u32 @p0 s0;
	vm2 =	vmxor vm1, vm2  }
0x9c: {  	[tilespmem:s1+$0x8000] =	vst.msk vm2, v5  }
0x9d: {  	v5 =	vld [tilespmem:s22+$0xFFFFFFD0];
	_ =	sdelay $0x3  }
0x9e: {  	s0 =	spop (v2sf)  }
0x9f: {  	s14 =	ssub.s32 $0xF0, s0;
	v5 =	vand.u32 $0x7FFFFFFF, v5  }
0xa0: {  	s1 =	sadd.s32 $0xFFFFFF60, s14;
	vm2 =	vlt.u32 v5, $0x40000000  }
0xa1: {  	(v2sf) =	vpush v4, $0x7;
	s1 =	smov.u32 @p0 s0;
	vm2 =	vmxor vm1, vm2  }
0xa2: {  	[tilespmem:s1+$0x8000] =	vst.msk vm2, v5  }
0xa3: {  	v5 =	vld [tilespmem:s22+$0xFFFFFFE0];
	_ =	sdelay $0x3  }
0xa4: {  	s0 =	spop (v2sf)  }
0xa5: {  	s16 =	ssub.s32 $0xF0, s0;
	v5 =	vand.u32 $0x7FFFFFFF, v5  }
0xa6: {  	s1 =	sadd.s32 $0xFFFFFF70, s16;
	vm2 =	vlt.u32 v5, $0x40000000  }
0xa7: {  	(v2sf) =	vpush v4, $0x8;
	s1 =	smov.u32 @p0 s0;
	vm2 =	vmxor vm1, vm2  }
0xa8: {  	[tilespmem:s1+$0x8000] =	vst.msk vm2, v5  }
0xa9: {  	v5 =	vld [tilespmem:s22+$0xFFFFFFF0];
	_ =	sdelay $0x3  }
0xaa: {  	s0 =	spop (v2sf)  }
0xab: {  	s23 =	ssub.s32 $0xF0, s0;
	v5 =	vand.u32 $0x7FFFFFFF, v5  }
0xac: {  	s1 =	sadd.s32 $0xFFFFFF80, s23;
	vm2 =	vlt.u32 v5, $0x40000000  }
0xad: {  	(v2sf) =	vpush v4, $0x9;
	s1 =	smov.u32 @p0 s0;
	vm2 =	vmxor vm1, vm2  }
0xae: {  	[tilespmem:s1+$0x8000] =	vst.msk vm2, v5  }
0xaf: {  	v5 =	vld [tilespmem:s22+$0x0];
	_ =	sdelay $0x3  }
0xb0: {  	s0 =	spop (v2sf)  }
0xb1: {  	s24 =	ssub.s32 $0xF0, s0;
	v5 =	vand.u32 $0x7FFFFFFF, v5  }
0xb2: {  	s1 =	sadd.s32 $0xFFFFFF90, s24;
	vm2 =	vlt.u32 v5, $0x40000000  }
0xb3: {  	(v2sf) =	vpush v4, $0xA;
	s1 =	smov.u32 @p0 s0;
	vm2 =	vmxor vm1, vm2  }
0xb4: {  	[tilespmem:s1+$0x8000] =	vst.msk vm2, v5  }
0xb5: {  	v5 =	vld [tilespmem:s22+$0x10];
	_ =	sdelay $0x3  }
0xb6: {  	s0 =	spop (v2sf)  }
0xb7: {  	s25 =	ssub.s32 $0xF0, s0;
	v5 =	vand.u32 $0x7FFFFFFF, v5  }
0xb8: {  	s1 =	sadd.s32 $0xFFFFFFA0, s25;
	vm2 =	vlt.u32 v5, $0x40000000  }
0xb9: {  	(v2sf) =	vpush v4, $0xB;
	s1 =	smov.u32 @p0 s0;
	vm2 =	vmxor vm1, vm2  }
0xba: {  	[tilespmem:s1+$0x8000] =	vst.msk vm2, v5  }
0xbb: {  	v5 =	vld [tilespmem:s22+$0x20];
	_ =	sdelay $0x3  }
0xbc: {  	s0 =	spop (v2sf)  }
0xbd: {  	s26 =	ssub.s32 $0xF0, s0;
	v5 =	vand.u32 $0x7FFFFFFF, v5  }
0xbe: {  	s1 =	sadd.s32 $0xFFFFFFB0, s26;
	vm2 =	vlt.u32 v5, $0x40000000  }
0xbf: {  	(v2sf) =	vpush v4, $0xC;
	s1 =	smov.u32 @p0 s0;
	vm2 =	vmxor vm1, vm2  }
0xc0: {  	[tilespmem:s1+$0x8000] =	vst.msk vm2, v5  }
0xc1: {  	v5 =	vld [tilespmem:s22+$0x30];
	_ =	sdelay $0x3  }
0xc2: {  	s0 =	spop (v2sf)  }
0xc3: {  	s28 =	ssub.s32 $0xF0, s0;
	v5 =	vand.u32 $0x7FFFFFFF, v5  }
0xc4: {  	s1 =	sadd.s32 $0xFFFFFFC0, s28;
	vm2 =	vlt.u32 v5, $0x40000000  }
0xc5: {  	(v2sf) =	vpush v4, $0xD;
	s1 =	smov.u32 @p0 s0;
	vm2 =	vmxor vm1, vm2  }
0xc6: {  	[tilespmem:s1+$0x8000] =	vst.msk vm2, v5  }
0xc7: {  	v5 =	vld [tilespmem:s22+$0x40];
	_ =	sdelay $0x3  }
0xc8: {  	s0 =	spop (v2sf)  }
0xc9: {  	s29 =	ssub.s32 $0xF0, s0;
	v5 =	vand.u32 $0x7FFFFFFF, v5  }
0xca: {  	s1 =	sadd.s32 $0xFFFFFFD0, s29;
	vm2 =	vlt.u32 v5, $0x40000000  }
0xcb: {  	(v2sf) =	vpush v4, $0xE;
	s1 =	smov.u32 @p0 s0;
	vm2 =	vmxor vm1, vm2  }
0xcc: {  	[tilespmem:s1+$0x8000] =	vst.msk vm2, v5  }
0xcd: {  	v5 =	vld [tilespmem:s22+$0x50];
	_ =	sdelay $0x3  }
0xce: {  	s0 =	spop (v2sf)  }
0xcf: {  	s30 =	ssub.s32 $0xF0, s0;
	v5 =	vand.u32 $0x7FFFFFFF, v5  }
0xd0: {  	s1 =	sadd.s32 $0xFFFFFFE0, s30;
	vm2 =	vlt.u32 v5, $0x40000000  }
0xd1: {  	s1 =	smov.u32 @p0 s0;
	vm2 =	vmxor vm1, vm2  }
0xd2: {  	(v2sf) =	vpush v4, $0xF;
	[tilespmem:s1+$0x8000] =	vst.msk vm2, v5  }
0xd3: {  	v4 =	vld [tilespmem:s22+$0x60];
	_ =	sdelay $0x3  }
0xd4: {  	s0 =	spop (v2sf)  }
0xd5: {  	s31 =	ssub.s32 $0xF0, s0;
	v4 =	vand.u32 $0x7FFFFFFF, v4  }
0xd6: {  	s1 =	sadd.s32 $0xFFFFFFF0, s31;
	vm2 =	vlt.u32 v4, $0x40000000  }
0xd7: {  	s1 =	smov.u32 @p0 s0;
	vm2 =	vmxor vm1, vm2  }
0xd8: {  	[tilespmem:s1+$0x8000] =	vst.msk vm2, v4  }
0xd9: {  	v4 =	vld [tilespmem:s22+$0x70];
	_ =	sdelay $0x4  }
0xda: {  	s0 =	spop (v2sf);
	v4 =	vand.u32 $0x7FFFFFFF, v4  }
0xdb: {  	s24 =	ssub.s32 $0xF0, s0;
	vm2 =	vlt.u32 v4, $0x40000000  }
0xdc: {  	s23 =	simm.s32 $0x1F0;
	s24 =	smov.u32 @p0 s0;
	vm2 =	vmxor vm1, vm2  }
.LBB2_8:
0xdd: {  	p1 =	sne.s32 s23, $0x1FF0;
	[tilespmem:s24+$0x8000] =	vst.msk vm2, v4;
	s21 =	sadd.s32 $0x10, s21;
	s22 =	sadd.s32 $0x100, s22  }
0xde: {  	s24 =	smov.u32 s23;
	s23 =	sadd.s32 $0x100, s23;
	v4 =	vld [tilespmem:s21+$0x0];
	_ =	sdelay $0x4  }
0xdf: {  	(v2sf) =	vpush v4, $0x0  }
0xe0: {  	(v2sf) =	vpush v4, $0x1  }
0xe1: {  	(v2sf) =	vpush v4, $0x2;
	_ =	sdelay $0x1  }
0xe2: {  	(v2sf) =	vpush v4, $0x3  }
0xe3: {  	(v2sf) =	vpush v4, $0x4  }
0xe4: {  	(v2sf) =	vpush v4, $0x5;
	_ =	sdelay $0x1  }
0xe5: {  	(v2sf) =	vpush v4, $0x6  }
0xe6: {  	(v2sf) =	vpush v4, $0x7  }
0xe7: {  	(v2sf) =	vpush v4, $0x8  }
0xe8: {  	v5 =	vld [tilespmem:s22+$0xFFFFFF80]  }
0xe9: {  	(v2sf) =	vpush v4, $0x9  }
0xea: {  	(v2sf) =	vpush v4, $0xA  }
0xeb: {  	(v2sf) =	vpush v4, $0xB  }
0xec: {  	s0 =	spop (v2sf)  }
0xed: {  	v5 =	vand.u32 $0x7FFFFFFF, v5;
	s1 =	ssub.s32 s24, s0;
	s2 =	spop (v2sf);
	(v2sf) =	vpush v4, $0xC  }
0xee: {  	vm2 =	vlt.u32 v5, $0x40000000;
	s1 =	sadd.s32 $0xFFFFFF10, s1;
	s3 =	ssub.s32 s24, s2;
	s10 =	spop (v2sf);
	(v2sf) =	vpush v4, $0xD  }
0xef: {  	vm2 =	vmxor vm1, vm2;
	s1 =	smov.u32 @p0 s0;
	s25 =	sadd.s32 $0xFFFFFF20, s3;
	s0 =	ssub.s32 s24, s10;
	(v2sf) =	vpush v4, $0xE  }
0xf0: {  	[tilespmem:s1+$0x8000] =	vst.msk vm2, v5;
	s25 =	smov.u32 @p0 s2;
	s3 =	sadd.s32 $0xFFFFFF30, s0;
	s0 =	spop (v2sf)  }
0xf1: {  	v5 =	vld [tilespmem:s22+$0xFFFFFF90];
	s3 =	smov.u32 @p0 s10;
	s1 =	ssub.s32 s24, s0;
	s10 =	spop (v2sf);
	(v2sf) =	vpush v4, $0xF  }
0xf2: {  	s2 =	sadd.s32 $0xFFFFFF40, s1;
	s1 =	ssub.s32 s24, s10;
	s26 =	spop (v2sf)  }
0xf3: {  	s2 =	smov.u32 @p0 s0;
	s16 =	sadd.s32 $0xFFFFFF50, s1;
	s0 =	ssub.s32 s24, s26  }
0xf4: {  	s16 =	smov.u32 @p0 s10;
	s14 =	sadd.s32 $0xFFFFFF60, s0;
	s0 =	spop (v2sf)  }
0xf5: {  	s14 =	smov.u32 @p0 s26;
	s1 =	ssub.s32 s24, s0;
	s26 =	spop (v2sf)  }
0xf6: {  	v4 =	vand.u32 $0x7FFFFFFF, v5;
	s10 =	sadd.s32 $0xFFFFFF70, s1;
	s1 =	ssub.s32 s24, s26;
	s28 =	spop (v2sf)  }
0xf7: {  	vm2 =	vlt.u32 v4, $0x40000000;
	s10 =	smov.u32 @p0 s0;
	s1 =	sadd.s32 $0xFFFFFF80, s1;
	s0 =	ssub.s32 s24, s28  }
0xf8: {  	vm2 =	vmxor vm1, vm2;
	s1 =	smov.u32 @p0 s26;
	s0 =	sadd.s32 $0xFFFFFF90, s0;
	s26 =	spop (v2sf)  }
0xf9: {  	[tilespmem:s25+$0x8000] =	vst.msk vm2, v4;
	s0 =	smov.u32 @p0 s28;
	s25 =	ssub.s32 s24, s26;
	s28 =	spop (v2sf)  }
0xfa: {  	v4 =	vld [tilespmem:s22+$0xFFFFFFA0];
	s31 =	sadd.s32 $0xFFFFFFA0, s25;
	s25 =	ssub.s32 s24, s28;
	s4 =	spop (v2sf)  }
0xfb: {  	s31 =	smov.u32 @p0 s26;
	s30 =	sadd.s32 $0xFFFFFFB0, s25;
	s25 =	ssub.s32 s24, s4  }
0xfc: {  	s30 =	smov.u32 @p0 s28;
	s29 =	sadd.s32 $0xFFFFFFC0, s25;
	s25 =	spop (v2sf)  }
0xfd: {  	s29 =	smov.u32 @p0 s4;
	s4 =	ssub.s32 s24, s25;
	s5 =	spop (v2sf)  }
0xfe: {  	s28 =	sadd.s32 $0xFFFFFFD0, s4;
	s4 =	ssub.s32 s24, s5;
	s6 =	spop (v2sf)  }
0xff: {  	v4 =	vand.u32 $0x7FFFFFFF, v4;
	s28 =	smov.u32 @p0 s25;
	s26 =	sadd.s32 $0xFFFFFFE0, s4;
	s4 =	ssub.s32 s24, s6  }
0x100: {  	vm2 =	vlt.u32 v4, $0x40000000;
	s26 =	smov.u32 @p0 s5;
	s25 =	sadd.s32 $0xFFFFFFF0, s4;
	s4 =	spop (v2sf)  }
0x101: {  	vm2 =	vmxor vm1, vm2;
	s25 =	smov.u32 @p0 s6;
	s24 =	ssub.s32 s24, s4  }
0x102: {  	[tilespmem:s3+$0x8000] =	vst.msk vm2, v4;
	s24 =	smov.u32 @p0 s4  }
0x103: {  	v4 =	vld [tilespmem:s22+$0xFFFFFFB0];
	_ =	sdelay $0x4  }
0x104: {  	v4 =	vand.u32 $0x7FFFFFFF, v4  }
0x105: {  	vm2 =	vlt.u32 v4, $0x40000000  }
0x106: {  	vm2 =	vmxor vm1, vm2  }
0x107: {  	[tilespmem:s2+$0x8000] =	vst.msk vm2, v4  }
0x108: {  	v4 =	vld [tilespmem:s22+$0xFFFFFFC0];
	_ =	sdelay $0x4  }
0x109: {  	v4 =	vand.u32 $0x7FFFFFFF, v4  }
0x10a: {  	vm2 =	vlt.u32 v4, $0x40000000  }
0x10b: {  	vm2 =	vmxor vm1, vm2  }
0x10c: {  	[tilespmem:s16+$0x8000] =	vst.msk vm2, v4  }
0x10d: {  	v4 =	vld [tilespmem:s22+$0xFFFFFFD0];
	_ =	sdelay $0x4  }
0x10e: {  	v4 =	vand.u32 $0x7FFFFFFF, v4  }
0x10f: {  	vm2 =	vlt.u32 v4, $0x40000000  }
0x110: {  	vm2 =	vmxor vm1, vm2  }
0x111: {  	[tilespmem:s14+$0x8000] =	vst.msk vm2, v4  }
0x112: {  	v4 =	vld [tilespmem:s22+$0xFFFFFFE0];
	_ =	sdelay $0x4  }
0x113: {  	v4 =	vand.u32 $0x7FFFFFFF, v4  }
0x114: {  	vm2 =	vlt.u32 v4, $0x40000000  }
0x115: {  	vm2 =	vmxor vm1, vm2  }
0x116: {  	[tilespmem:s10+$0x8000] =	vst.msk vm2, v4  }
0x117: {  	v4 =	vld [tilespmem:s22+$0xFFFFFFF0];
	_ =	sdelay $0x4  }
0x118: {  	v4 =	vand.u32 $0x7FFFFFFF, v4  }
0x119: {  	vm2 =	vlt.u32 v4, $0x40000000  }
0x11a: {  	vm2 =	vmxor vm1, vm2  }
0x11b: {  	[tilespmem:s1+$0x8000] =	vst.msk vm2, v4  }
0x11c: {  	v4 =	vld [tilespmem:s22+$0x0];
	_ =	sdelay $0x4  }
0x11d: {  	v4 =	vand.u32 $0x7FFFFFFF, v4  }
0x11e: {  	vm2 =	vlt.u32 v4, $0x40000000  }
0x11f: {  	vm2 =	vmxor vm1, vm2  }
0x120: {  	[tilespmem:s0+$0x8000] =	vst.msk vm2, v4  }
0x121: {  	v4 =	vld [tilespmem:s22+$0x10];
	_ =	sdelay $0x4  }
0x122: {  	v4 =	vand.u32 $0x7FFFFFFF, v4  }
0x123: {  	vm2 =	vlt.u32 v4, $0x40000000  }
0x124: {  	vm2 =	vmxor vm1, vm2  }
0x125: {  	[tilespmem:s31+$0x8000] =	vst.msk vm2, v4  }
0x126: {  	v4 =	vld [tilespmem:s22+$0x20];
	_ =	sdelay $0x4  }
0x127: {  	v4 =	vand.u32 $0x7FFFFFFF, v4  }
0x128: {  	vm2 =	vlt.u32 v4, $0x40000000  }
0x129: {  	vm2 =	vmxor vm1, vm2  }
0x12a: {  	[tilespmem:s30+$0x8000] =	vst.msk vm2, v4  }
0x12b: {  	v4 =	vld [tilespmem:s22+$0x30];
	_ =	sdelay $0x4  }
0x12c: {  	v4 =	vand.u32 $0x7FFFFFFF, v4  }
0x12d: {  	vm2 =	vlt.u32 v4, $0x40000000  }
0x12e: {  	vm2 =	vmxor vm1, vm2  }
0x12f: {  	[tilespmem:s29+$0x8000] =	vst.msk vm2, v4  }
0x130: {  	v4 =	vld [tilespmem:s22+$0x40];
	_ =	sdelay $0x4  }
0x131: {  	v4 =	vand.u32 $0x7FFFFFFF, v4  }
0x132: {  	vm2 =	vlt.u32 v4, $0x40000000  }
0x133: {  	vm2 =	vmxor vm1, vm2  }
0x134: {  	[tilespmem:s28+$0x8000] =	vst.msk vm2, v4  }
0x135: {  	v4 =	vld [tilespmem:s22+$0x50];
	_ =	sdelay $0x4  }
0x136: {  	v4 =	vand.u32 $0x7FFFFFFF, v4  }
0x137: {  	vm2 =	vlt.u32 v4, $0x40000000  }
0x138: {  	vm2 =	vmxor vm1, vm2  }
0x139: {  	[tilespmem:s26+$0x8000] =	vst.msk vm2, v4  }
0x13a: {  	v4 =	vld [tilespmem:s22+$0x60];
	_ =	sdelay $0x4  }
0x13b: {  	v4 =	vand.u32 $0x7FFFFFFF, v4  }
0x13c: {  	vm2 =	vlt.u32 v4, $0x40000000  }
0x13d: {  	vm2 =	vmxor vm1, vm2  }
0x13e: {  	[tilespmem:s25+$0x8000] =	vst.msk vm2, v4  }
0x13f: {  	v4 =	vld [tilespmem:s22+$0x70];
	_ =	sdelay $0x2  }
.Ltmp6:
0x140: {  	(pc) =	sbr.rel @p1 .LBB2_8-.Ltmp6, $4  }
0x141: {  	_ = 	snop  }
0x142: {  	v4 =	vand.u32 $0x7FFFFFFF, v4  }
0x143: {  	vm2 =	vlt.u32 v4, $0x40000000  }
0x144: {  	vm2 =	vmxor vm1, vm2  }
0x145: {  	s0 =	ssub.s32 $0x2000, s20  }
0x146: {  	s0 =	smov.u32 @p0 s20  }
0x147: {  	v5 =	vadd.s32 s0, v0;
	s1 =	sadd.s32 $0x10, s0  }
0x148: {  	s23 =	sadd.s32 $0x20, s0;
	v6 =	vadd.s32 s1, v0  }
0x149: {  	s25 =	sadd.s32 $0x30, s0;
	v7 =	vadd.s32 s23, v0  }
0x14a: {  	s26 =	sadd.s32 $0x40, s0;
	v8 =	vadd.s32 s25, v0  }
0x14b: {  	[tilespmem:s24+$0x8000] =	vst.msk vm2, v4;
	s21 =	smov.u32 s20;
	s24 =	simm.s32 $0x7F800000;
	s28 =	sadd.s32 $0x50, s0;
	v4 =	vadd.s32 s26, v0  }
0x14c: {  	s21 =	simm.s32 @p0 $0x0;
	s2 =	sadd.s32 $0x7F, s0;
	s29 =	sadd.s32 $0x60, s0;
	[tilespmem:v5+s13+$0x0] =	vst.idx.msk $0xffff, v2;
	v5 =	vadd.s32 s28, v0  }
0x14d: {  	s20 =	simm.s32 @!p0 $0x2000;
	s0 =	sadd.s32 $0x70, s0;
	s3 =	sand.u32 $0x7F, s2;
	v62 =	vadd.s32 s29, v0;
	[tilespmem:v6+s13+$0x0] =	vst.idx.msk $0xffff, v2  }
0x14e: {  	s30 =	sshra.s32 s2, $0x1F;
	p1 =	slt.s32 s2, $0x1;
	v63 =	vadd.s32 s0, v0;
	p2 =	sne.s32 s3, $0x0;
	[tilespmem:v7+s13+$0x0] =	vst.idx.msk $0xffff, v2  }
.Ltmp7:
0x14f: {  	s31 =	sshrl.u32 s30, $0x19;
	p1 =	por !p1, !p2;
	[tilespmem:v8+s13+$0x0] =	vst.idx.msk $0xffff, v2;
	(pc) =	sbr.rel .LBB2_10-.Ltmp7, $4  }
0x150: {  	s1 =	simm.s32 $0x1;
	s0 =	sadd.s32 s31, s2;
	p1 =	por !p1, !p1;
	[tilespmem:v4+s13+$0x0] =	vst.idx.msk $0xffff, v2  }
0x151: {  	s24 =	simm.s32 @!p0 $0x40000000;
	s0 =	sshra.s32 s0, $0x7;
	s1 =	simm.s32 @!p1 $0x0;
	[tilespmem:v5+s13+$0x0] =	vst.idx.msk $0xffff, v2  }
0x152: {  	s23 =	simm.s32 $0x40000000;
	s22 =	ssub.s32 s0, s1;
	s0 =	simm.s32 $0x3F800000;
	[tilespmem:v62+s13+$0x0] =	vst.idx.msk $0xffff, v2  }
0x153: {  	s23 =	simm.s32 @!p0 $0x0;
	s0 =	simm.s32 @!p0 $0x40000000;
	p0 =	slt.s32 s22, $0x1;
	[tilespmem:v63+s13+$0x0] =	vst.idx.msk $0xffff, v2  }
.LBB2_11:
0x154: {  	v4 =	vimm.s32 $0x0  }
.LBB2_17:
0x155: {  	(xrf0) =	vadd.scan.msk.s32 $0xffff, v4;
	_ =	sdelay $0x5  }
0x156: {  	v4, _, _ =	vpop (xrf0)  }
0x157: {  	(v2sf) =	vpush v4, $0xF;
	_ =	sdelay $0xe  }
0x158: {  	s0 =	spop (v2sf)  }
0x159: {  	s1 =	sadd.s32 s21, s0  }
0x15a: {  	p1 =	sgt.s32 s1, $0xFF  }
0x15b: {  	s23 =	smov.u32 @p1 s25;
	s25 =	smov.u32 @p1 s24  }
0x15c: {  	s0 =	ssub.s32 s25, s23  }
0x15d: {  	p2 =	sgt.s32 s0, $0x1  }
.Ltmp8:
0x15e: {  	_ = 	snop;
	(pc) =	sbr.rel @!p2 .LBB2_18-.Ltmp8, $2  }
0x15f: {  	_ =	sdelay $0x2  }
0x160: {  	s20 =	smov.u32 @p1 s1;
	s24 =	smov.u32 s25  }
.LBB2_10:
.Ltmp9:
0x161: {  	(pc) =	sbr.rel @p0 .LBB2_11-.Ltmp9, $3  }
0x162: {  	_ =	sdelay $0x1  }
0x163: {  	s0 =	sshrl.u32 s0, $0x1  }
0x164: {  	s25 =	sadd.s32 s23, s0  }
0x165: {  	p2 =	sne.s32 s22, $0x1  }
.Ltmp10:
0x166: {  	_ = 	snop;
	(pc) =	sbr.rel @!p2 .LBB2_13-.Ltmp10, $3  }
0x167: {  	_ =	sdelay $0x1  }
0x168: {  	s0 =	simm.s32 $0x8040  }
0x169: {  	v4 =	vmov s25;
	v5 =	vimm.s32 $0x0;
	s1 =	sadd.s32 $0xFFFFFFFF, s22;
	p1 =	por $0x0, $0x0;
	v6 =	vld [tilespmem:s0+$0xFFFFFFC0]  }
0x16a: {  	v10 =	vld [tilespmem:s0+$0xFFFFFFD0]  }
0x16b: {  	v11 =	vld [tilespmem:s0+$0xFFFFFFE0]  }
0x16c: {  	v13 =	vld [tilespmem:s0+$0xFFFFFFF0];
	p2 =	sne.s32 s1, $0x1  }
.Ltmp11:
0x16d: {  	v9 =	vld [tilespmem:s0+$0x0];
	(pc) =	sbr.rel @!p2 .LBB2_16-.Ltmp11, $4  }
0x16e: {  	v7 =	vld [tilespmem:s0+$0x10];
	vm1 =	vge.s32 v6, v4  }
0x16f: {  	v8 =	vld [tilespmem:s0+$0x20];
	v6 =	vsel vm1, $0x1, v2;
	vm1 =	vge.s32 v10, v4  }
0x170: {  	v10 =	vld [tilespmem:s0+$0x30];
	s0 =	simm.s32 $0x80C0;
	v12 =	vadd.s32 v6, v5;
	v14 =	vsel vm1, $0x1, v2;
	vm1 =	vge.s32 v11, v4  }
0x171: {  	s1 =	sadd.s32 $0xFFFFFFFF, s1;
	p1 =	por $0x1, $0x1;
	v6 =	vld [tilespmem:s0+$0xFFFFFFC0];
	v11 =	vadd.s32 v14, v12;
	v12 =	vsel vm1, $0x1, v2;
	vm1 =	vge.s32 v13, v4  }
.LBB2_15:
0x172: {  	p2 =	sne.s32 s1, $0x1;
	v13 =	vld [tilespmem:s0+$0xFFFFFFD0];
	v11 =	vadd.s32 v12, v11;
	v12 =	vsel vm1, $0x1, v2;
	vm1 =	vge.s32 v9, v4  }
0x173: {  	v14 =	vld [tilespmem:s0+$0xFFFFFFE0];
	v9 =	vadd.s32 v12, v11;
	v11 =	vsel vm1, $0x1, v2;
	vm1 =	vge.s32 v7, v4  }
0x174: {  	v15 =	vld [tilespmem:s0+$0xFFFFFFF0];
	v7 =	vadd.s32 v11, v9;
	v11 =	vsel vm1, $0x1, v2;
	vm1 =	vge.s32 v8, v4  }
.Ltmp12:
0x175: {  	v9 =	vld [tilespmem:s0+$0x0];
	v8 =	vadd.s32 v11, v7;
	v11 =	vsel vm1, $0x1, v2;
	vm1 =	vge.s32 v10, v4;
	(pc) =	sbr.rel @p2 .LBB2_15-.Ltmp12, $4  }
0x176: {  	vm2 =	vge.s32 v6, v4;
	v7 =	vld [tilespmem:s0+$0x10];
	v6 =	vadd.s32 v11, v8;
	v10 =	vsel vm1, $0x1, v2  }
0x177: {  	v11 =	vsel vm2, $0x1, v2;
	vm1 =	vge.s32 v13, v4;
	v8 =	vld [tilespmem:s0+$0x20];
	v6 =	vadd.s32 v10, v6  }
0x178: {  	v11 =	vadd.s32 v11, v6;
	v12 =	vsel vm1, $0x1, v2;
	vm1 =	vge.s32 v14, v4;
	v10 =	vld [tilespmem:s0+$0x30];
	s0 =	sadd.s32 $0x80, s0  }
0x179: {  	s1 =	sadd.s32 $0xFFFFFFFF, s1;
	v6 =	vld [tilespmem:s0+$0xFFFFFFC0];
	v11 =	vadd.s32 v12, v11;
	v12 =	vsel vm1, $0x1, v2;
	vm1 =	vge.s32 v15, v4  }
.LBB2_16:
0x17a: {  	v11 =	vadd.s32 @p1 v12, v11;
	v12 =	vsel @p1 vm1, $0x1, v2;
	vm1 =	vge.s32 @p1 v9, v4  }
0x17b: {  	v56 =	vld [tilespmem:s0+$0xFFFFFFD0];
	v11 =	vadd.s32 @p1 v12, v11;
	v12 =	vsel @p1 vm1, $0x1, v2;
	vm1 =	vge.s32 @p1 v7, v4  }
0x17c: {  	v7 =	vld [tilespmem:s0+$0xFFFFFFE0];
	v11 =	vadd.s32 @p1 v12, v11;
	v12 =	vsel @p1 vm1, $0x1, v2;
	vm1 =	vge.s32 @p1 v8, v4  }
0x17d: {  	v57 =	vld [tilespmem:s0+$0xFFFFFFF0];
	v11 =	vadd.s32 @p1 v12, v11;
	v12 =	vsel @p1 vm1, $0x1, v2;
	vm1 =	vge.s32 @p1 v10, v4  }
0x17e: {  	v58 =	vld [tilespmem:s0+$0x0];
	v11 =	vadd.s32 @p1 v12, v11;
	v12 =	vsel @p1 vm1, $0x1, v2  }
0x17f: {  	vm1 =	vge.s32 v6, v4;
	v6 =	vld [tilespmem:s0+$0x10];
	v11 =	vadd.s32 @p1 v12, v11  }
0x180: {  	v60 =	vld [tilespmem:s0+$0x20];
	v59 =	vsel vm1, $0x1, v2;
	vm1 =	vge.s32 v56, v4;
	v5 =	vpsel p1, v11, v5  }
0x181: {  	v61 =	vsel vm1, $0x1, v2;
	vm1 =	vge.s32 v7, v4;
	v7 =	vld [tilespmem:s0+$0x30];
	v5 =	vadd.s32 v59, v5  }
0x182: {  	v62 =	vsel vm1, $0x1, v2;
	vm1 =	vge.s32 v57, v4;
	v5 =	vadd.s32 v61, v5  }
0x183: {  	v8 =	vsel vm1, $0x1, v2;
	vm1 =	vge.s32 v58, v4;
	v5 =	vadd.s32 v62, v5  }
.Ltmp13:
0x184: {  	v63 =	vsel vm1, $0x1, v2;
	vm1 =	vge.s32 v6, v4;
	v5 =	vadd.s32 v8, v5;
	(pc) =	sbr.rel .LBB2_17-.Ltmp13, $4  }
0x185: {  	v6 =	vsel vm1, $0x1, v2;
	vm1 =	vge.s32 v60, v4;
	v5 =	vadd.s32 v63, v5  }
0x186: {  	v5 =	vadd.s32 v6, v5;
	v6 =	vsel vm1, $0x1, v2;
	vm1 =	vge.s32 v7, v4  }
0x187: {  	v4 =	vadd.s32 v6, v5;
	v5 =	vsel vm1, $0x1, v2  }
0x188: {  	v4 =	vadd.s32 v5, v4  }
.LBB2_13:
.Ltmp14:
0x189: {  	(pc) =	sbr.rel .LBB2_16-.Ltmp14, $2  }
0x18a: {  	_ =	sdelay $0x2  }
0x18b: {  	_ = 	snop  }
.LBB2_18:
0x18c: {  	s1 =	simm.s32 $0x0  }
0x18d: {  	v5 =	vld [tilespmem:s1+$0x70]  }
0x18e: {  	v7 =	vld [tilespmem:s1+$0x0]  }
0x18f: {  	v10 =	vld [tilespmem:s1+$0x10]  }
0x190: {  	v9 =	vld [tilespmem:s1+$0x20]  }
0x191: {  	v8 =	vld [tilespmem:s1+$0x30]  }
0x192: {  	v4 =	vmov s23;
	v6 =	vld [tilespmem:s1+$0x40];
	v11 =	vand.u32 $0x7FFFFFFF, v5  }
0x193: {  	v7 =	vand.u32 $0x7FFFFFFF, v7;
	v5 =	vld [tilespmem:s1+$0x50];
	vm2 =	vlt.s32 v11, v4  }
0x194: {  	s0 =	simm.s32 $0x80;
	s2 =	simm.s32 $0x400;
	v10 =	vand.u32 $0x7FFFFFFF, v10;
	vm1 =	vlt.s32 v7, v4;
	v7 =	vld [tilespmem:s1+$0x60];
	v11 =	vsel vm2, $0x0, v3  }
.LBB2_19:
0x195: {  	p0 =	sne.s32 s2, $0x7E00;
	v12 =	vld [tilespmem:s0+$0x70];
	v13 =	vsel vm1, $0x0, v3;
	vm1 =	vlt.s32 v10, v4;
	v9 =	vand.u32 $0x7FFFFFFF, v9;
	[tilespmem:s1+$0x4070] =	vst v11  }
0x196: {  	v10 =	vld [tilespmem:s0+$0x0];
	[tilespmem:s1+$0x4000] =	vst v13;
	v11 =	vsel vm1, $0x0, v3;
	vm1 =	vlt.s32 v9, v4;
	v8 =	vand.u32 $0x7FFFFFFF, v8  }
0x197: {  	v13 =	vld [tilespmem:s0+$0x10];
	[tilespmem:s1+$0x4010] =	vst v11;
	v11 =	vsel vm1, $0x0, v3;
	vm1 =	vlt.s32 v8, v4;
	v6 =	vand.u32 $0x7FFFFFFF, v6  }
.Ltmp15:
0x198: {  	v9 =	vld [tilespmem:s0+$0x20];
	[tilespmem:s1+$0x4020] =	vst v11;
	v11 =	vsel vm1, $0x0, v3;
	vm1 =	vlt.s32 v6, v4;
	v5 =	vand.u32 $0x7FFFFFFF, v5;
	(pc) =	sbr.rel @p0 .LBB2_19-.Ltmp15, $4  }
0x199: {  	v8 =	vld [tilespmem:s0+$0x30];
	[tilespmem:s1+$0x4030] =	vst v11;
	v11 =	vsel vm1, $0x0, v3;
	vm1 =	vlt.s32 v5, v4;
	v5 =	vand.u32 $0x7FFFFFFF, v7  }
0x19a: {  	v6 =	vld [tilespmem:s0+$0x40];
	v7 =	vand.u32 $0x7FFFFFFF, v12;
	[tilespmem:s1+$0x4040] =	vst v11;
	v11 =	vsel vm1, $0x0, v3;
	vm1 =	vlt.s32 v5, v4  }
0x19b: {  	v10 =	vand.u32 $0x7FFFFFFF, v10;
	v5 =	vld [tilespmem:s0+$0x50];
	vm2 =	vlt.s32 v7, v4;
	[tilespmem:s1+$0x4050] =	vst v11;
	v12 =	vsel vm1, $0x0, v3  }
0x19c: {  	vm1 =	vlt.s32 v10, v4;
	v10 =	vand.u32 $0x7FFFFFFF, v13;
	v7 =	vld [tilespmem:s0+$0x60];
	v11 =	vsel vm2, $0x0, v3;
	[tilespmem:s1+$0x4060] =	vst v12;
	s1 =	smov.u32 s0;
	s0 =	sshra.s32 s2, $0x2;
	s2 =	sadd.s32 $0x200, s2  }
0x19d: {  	v12 =	vld [tilespmem:s0+$0x70];
	[tilespmem:s1+$0x4070] =	vst v11;
	v61 =	vsel vm1, $0x0, v3;
	vm1 =	vlt.s32 v10, v4;
	v9 =	vand.u32 $0x7FFFFFFF, v9  }
0x19e: {  	v13 =	vld [tilespmem:s0+$0x0];
	[tilespmem:s1+$0x4000] =	vst v61;
	v10 =	vsel vm1, $0x0, v3;
	vm1 =	vlt.s32 v9, v4;
	v8 =	vand.u32 $0x7FFFFFFF, v8  }
0x19f: {  	v11 =	vld [tilespmem:s0+$0x10];
	[tilespmem:s1+$0x4010] =	vst v10;
	v9 =	vsel vm1, $0x0, v3;
	vm1 =	vlt.s32 v8, v4;
	v6 =	vand.u32 $0x7FFFFFFF, v6  }
0x1a0: {  	v10 =	vld [tilespmem:s0+$0x20];
	[tilespmem:s1+$0x4020] =	vst v9;
	v8 =	vsel vm1, $0x0, v3;
	vm1 =	vlt.s32 v6, v4;
	v5 =	vand.u32 $0x7FFFFFFF, v5  }
0x1a1: {  	v9 =	vld [tilespmem:s0+$0x30];
	[tilespmem:s1+$0x4030] =	vst v8;
	v6 =	vsel vm1, $0x0, v3;
	vm1 =	vlt.s32 v5, v4;
	v5 =	vand.u32 $0x7FFFFFFF, v7  }
0x1a2: {  	v8 =	vld [tilespmem:s0+$0x40];
	[tilespmem:s1+$0x4040] =	vst v6;
	v6 =	vsel vm1, $0x0, v3;
	v12 =	vand.u32 $0x7FFFFFFF, v12;
	vm1 =	vlt.s32 v5, v4  }
0x1a3: {  	v7 =	vld [tilespmem:s0+$0x50];
	[tilespmem:s1+$0x4050] =	vst v6;
	v5 =	vand.u32 $0x7FFFFFFF, v13;
	vm2 =	vlt.s32 v12, v4;
	v6 =	vsel vm1, $0x0, v3  }
0x1a4: {  	v62 =	vld [tilespmem:s0+$0x60];
	vm1 =	vlt.s32 v5, v4;
	v5 =	vand.u32 $0x7FFFFFFF, v11;
	v63 =	vsel vm2, $0x0, v3;
	[tilespmem:s1+$0x4060] =	vst v6  }
0x1a5: {  	v6 =	vsel vm1, $0x0, v3;
	vm1 =	vlt.s32 v5, v4;
	v5 =	vand.u32 $0x7FFFFFFF, v10;
	[tilespmem:s0+$0x4070] =	vst v63  }
0x1a6: {  	[tilespmem:s0+$0x4000] =	vst v6;
	v6 =	vsel vm1, $0x0, v3;
	vm1 =	vlt.s32 v5, v4;
	v5 =	vand.u32 $0x7FFFFFFF, v9  }
0x1a7: {  	p0 =	slt.s32 s20, $0x101;
	[tilespmem:s0+$0x4010] =	vst v6;
	v6 =	vsel vm1, $0x0, v3;
	vm1 =	vlt.s32 v5, v4;
	v5 =	vand.u32 $0x7FFFFFFF, v8  }
.Ltmp16:
0x1a8: {  	[tilespmem:s0+$0x4020] =	vst v6;
	v6 =	vsel vm1, $0x0, v3;
	vm1 =	vlt.s32 v5, v4;
	v5 =	vand.u32 $0x7FFFFFFF, v7;
	(pc) =	sbr.rel @p0 .LBB2_24-.Ltmp16, $4  }
0x1a9: {  	[tilespmem:s0+$0x4030] =	vst v6;
	v6 =	vsel vm1, $0x0, v3;
	vm1 =	vlt.s32 v5, v4;
	v5 =	vand.u32 $0x7FFFFFFF, v62  }
0x1aa: {  	[tilespmem:s0+$0x4040] =	vst v6;
	v6 =	vsel vm1, $0x0, v3;
	vm1 =	vlt.s32 v5, v4  }
0x1ab: {  	[tilespmem:s0+$0x4050] =	vst v6;
	v5 =	vsel vm1, $0x0, v3  }
0x1ac: {  	[tilespmem:s0+$0x4060] =	vst v5  }
0x1ad: {  	s14 =	simm.s32 $0x1FF0  }
0x1ae: {  	v5 =	vld [tilespmem:s14+$0x0];
	_ =	sdelay $0x2  }
0x1af: {  	s1 =	simm.s32 $0x1FE0  }
0x1b0: {  	v6 =	vld [tilespmem:s1+$0x0]  }
0x1b1: {  	v5 =	vand.u32 $0x7FFFFFFF, v5  }
0x1b2: {  	vm1 =	veq.s32 v5, v4  }
0x1b3: {  	v8 =	vsel vm1, $0x1, v2  }
0x1b4: {  	(xrf0) =	vadd.scan.msk.s32 $0xffff, v8  }
0x1b5: {  	v5 =	vand.u32 $0x7FFFFFFF, v6  }
0x1b6: {  	vm2 =	veq.s32 v5, v4  }
0x1b7: {  	v6 =	vsel vm2, $0x1, v2  }
0x1b8: {  	(xrf0) =	vadd.scan.msk.s32 $0xffff, v6  }
0x1b9: {  	s0 =	simm.s32 $0x1FD0  }
0x1ba: {  	v5 =	vld [tilespmem:s0+$0x0];
	v9, _, _ =	vpop (xrf0)  }
0x1bb: {  	(v2sf) =	vpush v9, $0xF;
	_ =	sdelay $0x2  }
0x1bc: {  	v7, _, _ =	vpop (xrf0)  }
0x1bd: {  	v5 =	vand.u32 $0x7FFFFFFF, v5;
	(v2sf) =	vpush v7, $0xF  }
0x1be: {  	s21 =	simm.s32 $0x1FC0;
	vm5 =	veq.s32 v5, v4  }
0x1bf: {  	v10 =	vld [tilespmem:s21+$0x0];
	v5 =	vsel vm5, $0x1, v2  }
0x1c0: {  	(xrf0) =	vadd.scan.msk.s32 $0xffff, v5;
	_ =	sdelay $0x1  }
0x1c1: {  	vm1 =	vmmov vm1  }
0x1c2: {  	vm1 =	vmmov vm1;
	vm2 =	vmmov vm2  }
0x1c3: {  	v10 =	vand.u32 $0x7FFFFFFF, v10;
	vm4 =	vmmov vm1;
	vm3 =	vmmov vm2  }
0x1c4: {  	s2 =	sadd.s32 $0xFFFFFF00, s20;
	s10 =	simm.s32 $0x1FB0;
	s3 =	simm.s32 $0x7E80;
	vm1 =	veq.s32 v10, v4;
	v10 =	vld [tilespmem:s14+$0x4000];
	vm2 =	vmmov vm5;
	v11 =	vbroadcast v9, $0xF  }
.LBB2_22:
0x1c5: {  	p0 =	sne.s32 s3, $0x0;
	v12 =	vld [tilespmem:s10+$0x0];
	v13 =	vsel vm1, $0x1, v2;
	v14, _, _ =	vpop (xrf0);
	v15 =	vsub.s32 v8, v9;
	v8 =	vmov v6;
	s4 =	smov.u32 s21;
	s21 =	smov.u32 s10  }
0x1c6: {  	v6 =	vmovc v5;
	(xrf0) =	vadd.scan.msk.s32 $0xffff, v13;
	(v2sf) =	vpush v14, $0xF;
	v11 =	vadd.s32 v11, v15;
	v5 =	vmov v13  }
.Ltmp17:
0x1c7: {  	v9 =	vmov v7;
	v7 =	vmov v14;
	vm5 =	vle.s32 v11, s2;
	s5 =	spop (v2sf);
	(pc) =	sbr.rel @p0 .LBB2_22-.Ltmp17, $4  }
0x1c8: {  	vm5 =	vmand vm4, vm5;
	s2 =	ssub.s32 s2, s5;
	vm4 =	vmmov vm3;
	vm3 =	vmmov vm2  }
0x1c9: {  	vm2 =	vmmov vm1;
	v10 =	vsel vm5, $0x0, v10;
	p1 =	sgt.s32 s2, $0x0  }
0x1ca: {  	v11 =	vand.u32 $0x7FFFFFFF, v12;
	[tilespmem:s14+$0x4000] =	vst v10;
	s2 =	simm.s32 @!p1 $0x0;
	s14 =	smov.u32 s1;
	s1 =	smov.u32 s0  }
0x1cb: {  	s10 =	sshra.s32 s3, $0x2;
	s3 =	sadd.s32 $0xFFFFFFC0, s3;
	s0 =	smov.u32 s4;
	vm1 =	veq.s32 v11, v4;
	v11 =	vbroadcast v9, $0xF;
	v10 =	vld [tilespmem:s14+$0x4000]  }
0x1cc: {  	v8 =	vsub.s32 v8, v9  }
0x1cd: {  	v8 =	vadd.s32 v11, v8  }
0x1ce: {  	vm5 =	vle.s32 v8, s2  }
0x1cf: {  	v49 =	vld [tilespmem:s10+$0x0];
	v50 =	vsel vm1, $0x1, v2;
	v51, _, _ =	vpop (xrf0);
	vm4 =	vmand vm4, vm5  }
0x1d0: {  	(xrf0) =	vadd.scan.msk.s32 $0xffff, v50;
	(v2sf) =	vpush v51, $0xF;
	v10 =	vsel vm4, $0x0, v10  }
0x1d1: {  	s3 =	spop (v2sf);
	[tilespmem:s14+$0x4000] =	vst v10  }
0x1d2: {  	v52 =	vbroadcast v7, $0xF;
	s2 =	ssub.s32 s2, s3;
	v12 =	vld [tilespmem:s1+$0x4000]  }
0x1d3: {  	v6 =	vsub.s32 v6, v7;
	p0 =	sgt.s32 s2, $0x0  }
0x1d4: {  	v6 =	vadd.s32 v52, v6;
	s2 =	simm.s32 @!p0 $0x0;
	v53 =	vand.u32 $0x7FFFFFFF, v49  }
0x1d5: {  	vm13 =	vmmov vm3;
	vm14 =	vle.s32 v6, s2;
	vm3 =	veq.s32 v53, v4  }
0x1d6: {  	vm4 =	vmand vm13, vm14;
	v4 =	vsel vm3, $0x1, v2;
	v54, _, _ =	vpop (xrf0)  }
0x1d7: {  	(xrf0) =	vadd.scan.msk.s32 $0xffff, v4;
	(v2sf) =	vpush v54, $0xF;
	v55 =	vsel vm4, $0x0, v12  }
0x1d8: {  	v56 =	vbroadcast v51, $0xF;
	s28 =	spop (v2sf);
	[tilespmem:s1+$0x4000] =	vst v55  }
0x1d9: {  	v5 =	vsub.s32 v5, v51;
	s1 =	ssub.s32 s2, s28;
	v57 =	vld [tilespmem:s0+$0x4000]  }
0x1da: {  	v5 =	vadd.s32 v56, v5;
	p0 =	sgt.s32 s1, $0x0  }
0x1db: {  	vm2 =	vmmov vm2;
	s1 =	simm.s32 @!p0 $0x0  }
0x1dc: {  	vm2 =	vmmov vm2;
	vm15 =	vle.s32 v5, s1  }
0x1dd: {  	v5, _, _ =	vpop (xrf0);
	vm2 =	vmand vm2, vm15  }
0x1de: {  	(v2sf) =	vpush v5, $0xF;
	v58 =	vsel vm2, $0x0, v57  }
0x1df: {  	s29 =	spop (v2sf);
	[tilespmem:s0+$0x4000] =	vst v58  }
0x1e0: {  	v59 =	vbroadcast v54, $0xF;
	s0 =	ssub.s32 s1, s29;
	v60 =	vld [tilespmem:s21+$0x4000]  }
0x1e1: {  	vm1 =	vmmov vm1;
	v6 =	vsub.s32 v50, v54;
	p0 =	sgt.s32 s0, $0x0  }
0x1e2: {  	vm1 =	vmmov vm1;
	v6 =	vadd.s32 v59, v6;
	s0 =	simm.s32 @!p0 $0x0  }
0x1e3: {  	vm1 =	vmmov vm1;
	vm2 =	vle.s32 v6, s0  }
0x1e4: {  	vm1 =	vmand vm1, vm2  }
0x1e5: {  	v61 =	vsel vm1, $0x0, v60  }
0x1e6: {  	s30 =	spop (v2sf);
	[tilespmem:s21+$0x4000] =	vst v61  }
0x1e7: {  	v62 =	vbroadcast v5, $0xF;
	s0 =	ssub.s32 s0, s30;
	v63 =	vld [tilespmem:s10+$0x4000]  }
0x1e8: {  	v4 =	vsub.s32 v4, v5;
	vm1 =	vmmov vm3;
	p0 =	sgt.s32 s0, $0x0  }
0x1e9: {  	v4 =	vadd.s32 v62, v4;
	vm1 =	vmmov vm1;
	s0 =	simm.s32 @!p0 $0x0  }
0x1ea: {  	vm1 =	vmmov vm1;
	vm2 =	vle.s32 v4, s0  }
0x1eb: {  	vm1 =	vmand vm1, vm2  }
0x1ec: {  	v4 =	vsel vm1, $0x0, v63  }
0x1ed: {  	s31 =	spop (v2sf);
	[tilespmem:s10+$0x4000] =	vst v4  }
.LBB2_24:
0x1ee: {  	s0 =	rddreg [dreg:$0x5];
	s1 =	simm.s32 $0x4000  }
0x1ef: {  	[hbm4b:s0+s8] =	stream.strided.scatter [tilespmem:s1], [sflag:$0x3], $0x2000, s9, s8, $0x38;
	[tilespmem:$0xC280] =	vst v63  }
0x1f0: {  	_ =	swait.ge [sflag:s15], $0x2000  }
0x1f1: {  	p1 =	por $0x0, $0x0;
	[sflag:s15] =	ssyncset.done $0x0  }
.Ltmp18:
0x1f2: {  	s22 =	simm.s32 $0x0;
	[sflag:s15] =	ssyncadd.s32 $0xFFFFE000;
	(pc) =	sbr.rel @p1 .LBB2_25-.Ltmp18, $4  }
0x1f3: {  	v5 =	vld [tilespmem:s22+$0x2070]  }
0x1f4: {  	v8 =	vld [tilespmem:s22+$0x2060]  }
0x1f5: {  	v7 =	vld [tilespmem:s22+$0x2050]  }
0x1f6: {  	v4 =	vimm.s32 $0x0;
	s20 =	simm.s32 $0x0;
	p0 =	por $0x0, $0x0;
	v6 =	vld [tilespmem:s22+$0x2040]  }
0x1f7: {  	v10 =	vld [tilespmem:s22+$0x2000]  }
0x1f8: {  	v12 =	vld [tilespmem:s22+$0x2010]  }
0x1f9: {  	v13 =	vld [tilespmem:s22+$0x2020]  }
0x1fa: {  	v14 =	vld [tilespmem:s22+$0x2030]  }
0x1fb: {  	v9 =	vand.u32 $0x40000000, v5  }
0x1fc: {  	p1 =	por $0x0, $0x0;
	v11 =	vand.u32 $0x40000000, v7;
	v15 =	vand.u32 $0x40000000, v6;
	v5 =	vand.u32 $0x40000000, v10  }
.Ltmp19:
0x1fd: {  	s21 =	simm.s32 $0x80;
	v10 =	vand.u32 $0x40000000, v8;
	v7 =	vand.u32 $0x40000000, v12;
	vm1 =	vne.s32 v5, $0x0;
	(pc) =	sbr.rel @p1 .LBB2_28-.Ltmp19, $4  }
0x1fe: {  	v8 =	vld [tilespmem:s21+$0x2060];
	v6 =	vand.u32 $0x40000000, v13;
	v12 =	vmpcnt.ones.xlane vm1;
	vm1 =	vne.s32 v7, $0x0  }
0x1ff: {  	v5 =	vld [tilespmem:s21+$0x2070];
	v13 =	vmpcnt.ones.xlane vm1;
	vm1 =	vne.s32 v6, $0x0;
	v6 =	vand.u32 $0x40000000, v14  }
0x200: {  	v7 =	vld [tilespmem:s21+$0x2050];
	[tilespmem:s22+$0xA080] =	vst v12;
	v14 =	vadd.s32 v4, v12;
	v12 =	vmpcnt.ones.xlane vm1;
	vm1 =	vne.s32 v6, $0x0  }
0x201: {  	s0 =	simm.s32 $0x400;
	p0 =	por $0x1, $0x1;
	v6 =	vld [tilespmem:s21+$0x2040];
	[tilespmem:s22+$0xA090] =	vst v13;
	v14 =	vadd.s32 v13, v14;
	v13 =	vmpcnt.ones.xlane vm1;
	vm1 =	vne.s32 v15, $0x0  }
.LBB2_27:
0x202: {  	p1 =	seq.s32 s0, $0x7E00;
	v15 =	vld [tilespmem:s21+$0x2000];
	[tilespmem:s22+$0xA0A0] =	vst v12;
	v12 =	vadd.s32 v12, v14;
	v14 =	vmpcnt.ones.xlane vm1;
	vm1 =	vne.s32 v11, $0x0  }
0x203: {  	v16 =	vld [tilespmem:s21+$0x2010];
	[tilespmem:s22+$0xA0B0] =	vst v13;
	v11 =	vadd.s32 v13, v12;
	v12 =	vmpcnt.ones.xlane vm1;
	vm1 =	vne.s32 v10, $0x0  }
0x204: {  	v13 =	vld [tilespmem:s21+$0x2020];
	[tilespmem:s22+$0xA0C0] =	vst v14;
	v10 =	vadd.s32 v14, v11;
	v11 =	vmpcnt.ones.xlane vm1;
	vm1 =	vne.s32 v9, $0x0  }
0x205: {  	v14 =	vld [tilespmem:s21+$0x2030];
	[tilespmem:s22+$0xA0D0] =	vst v12;
	v12 =	vadd.s32 v12, v10;
	v17 =	vmpcnt.ones.xlane vm1  }
0x206: {  	v9 =	vand.u32 $0x40000000, v5;
	v10 =	vand.u32 $0x40000000, v8;
	[tilespmem:s22+$0xA0E0] =	vst v11;
	v5 =	vadd.s32 v11, v12  }
0x207: {  	v11 =	vand.u32 $0x40000000, v7;
	v8 =	vand.u32 $0x40000000, v15;
	[tilespmem:s22+$0xA0F0] =	vst v17;
	v12 =	vadd.s32 v17, v5;
	s22 =	smov.u32 s21  }
.Ltmp20:
0x208: {  	s21 =	sshra.s32 s0, $0x2;
	v15 =	vand.u32 $0x40000000, v6;
	vm1 =	vne.s32 v8, $0x0;
	v7 =	vand.u32 $0x40000000, v16;
	(pc) =	sbr.rel @!p1 .LBB2_27-.Ltmp20, $4  }
0x209: {  	v5 =	vld [tilespmem:s21+$0x2070];
	v6 =	vmpcnt.ones.xlane vm1;
	vm1 =	vne.s32 v7, $0x0;
	v7 =	vand.u32 $0x40000000, v13  }
0x20a: {  	v8 =	vld [tilespmem:s21+$0x2060];
	v13 =	vmpcnt.ones.xlane vm1;
	vm1 =	vne.s32 v7, $0x0;
	v14 =	vand.u32 $0x40000000, v14  }
0x20b: {  	v7 =	vld [tilespmem:s21+$0x2050];
	[tilespmem:s22+$0xA080] =	vst v6;
	v16 =	vadd.s32 v12, v6;
	v12 =	vmpcnt.ones.xlane vm1;
	vm1 =	vne.s32 v14, $0x0  }
0x20c: {  	s0 =	sadd.s32 $0x200, s0;
	v6 =	vld [tilespmem:s21+$0x2040];
	[tilespmem:s22+$0xA090] =	vst v13;
	v14 =	vadd.s32 v13, v16;
	v13 =	vmpcnt.ones.xlane vm1;
	vm1 =	vne.s32 v15, $0x0  }
.LBB2_28:
0x20d: {  	v15 =	vld [tilespmem:s21+$0x2000];
	[tilespmem:s22+$0xA0A0] =	vst @p0 v12;
	v12 =	vadd.s32 @p0 v12, v14;
	v14 =	vmpcnt.ones.xlane @p0 vm1;
	vm1 =	vne.s32 @p0 v11, $0x0  }
0x20e: {  	v16 =	vld [tilespmem:s21+$0x2010];
	[tilespmem:s22+$0xA0B0] =	vst @p0 v13;
	v11 =	vadd.s32 @p0 v13, v12;
	v12 =	vmpcnt.ones.xlane @p0 vm1;
	vm1 =	vne.s32 @p0 v10, $0x0  }
0x20f: {  	v58 =	vld [tilespmem:s21+$0x2020];
	v13 =	vmpcnt.ones.xlane @p0 vm1;
	vm1 =	vne.s32 @p0 v9, $0x0;
	[tilespmem:s22+$0xA0C0] =	vst @p0 v14;
	v11 =	vadd.s32 @p0 v14, v11  }
0x210: {  	v8 =	vand.u32 $0x40000000, v8;
	v14 =	vmpcnt.ones.xlane @p0 vm1;
	v60 =	vld [tilespmem:s21+$0x2030];
	v11 =	vadd.s32 @p0 v12, v11  }
0x211: {  	v5 =	vand.u32 $0x40000000, v5;
	v7 =	vand.u32 $0x40000000, v7;
	v11 =	vadd.s32 @p0 v13, v11  }
0x212: {  	v6 =	vand.u32 $0x40000000, v6;
	v59 =	vand.u32 $0x40000000, v15;
	v11 =	vadd.s32 @p0 v14, v11  }
0x213: {  	vm1 =	vne.s32 v59, $0x0;
	v61 =	vand.u32 $0x40000000, v16;
	v4 =	vpsel p0, v11, v4  }
0x214: {  	v62 =	vmpcnt.ones.xlane vm1;
	vm1 =	vne.s32 v61, $0x0;
	v10 =	vand.u32 $0x40000000, v58  }
0x215: {  	v63 =	vmpcnt.ones.xlane vm1;
	vm1 =	vne.s32 v10, $0x0;
	v9 =	vand.u32 $0x40000000, v60  }
0x216: {  	v4 =	vadd.s32 v4, v62;
	v10 =	vmpcnt.ones.xlane vm1;
	vm1 =	vne.s32 v9, $0x0  }
0x217: {  	[tilespmem:s22+$0xA0D0] =	vst @p0 v12;
	v4 =	vadd.s32 v63, v4;
	v9 =	vmpcnt.ones.xlane vm1;
	vm1 =	vne.s32 v6, $0x0  }
0x218: {  	[tilespmem:s22+$0xA0E0] =	vst @p0 v13;
	v4 =	vadd.s32 v10, v4;
	v6 =	vmpcnt.ones.xlane vm1;
	vm1 =	vne.s32 v7, $0x0  }
0x219: {  	[tilespmem:s22+$0xA0F0] =	vst @p0 v14;
	v4 =	vadd.s32 v9, v4;
	v7 =	vmpcnt.ones.xlane vm1;
	vm1 =	vne.s32 v8, $0x0  }
0x21a: {  	[tilespmem:s21+$0xA0C0] =	vst v6;
	v4 =	vadd.s32 v6, v4;
	v6 =	vmpcnt.ones.xlane vm1;
	vm1 =	vne.s32 v5, $0x0  }
0x21b: {  	v4 =	vadd.s32 v7, v4;
	v5 =	vmpcnt.ones.xlane vm1  }
0x21c: {  	v4 =	vadd.s32 v6, v4  }
0x21d: {  	[tilespmem:s21+$0xA0F0] =	vst v5;
	v4 =	vadd.s32 v5, v4;
	v5 =	vmov s20  }
0x21e: {  	[tilespmem:s21+$0xA080] =	vst v62;
	v5 =	vshll.u32 v5, $0x4  }
0x21f: {  	[tilespmem:s21+$0xA090] =	vst v63;
	v5 =	vor.u32 v1, v5  }
0x220: {  	[tilespmem:s21+$0xA0A0] =	vst v10  }
0x221: {  	[tilespmem:s21+$0xA0B0] =	vst v9  }
0x222: {  	[tilespmem:s21+$0xA0D0] =	vst v7  }
0x223: {  	[tilespmem:s21+$0xA0E0] =	vst v6  }
0x224: {  	v5 =	vld.idx.msk [tilespmem:v5+s12+$0x0], $0xffff;
	_ =	sdelay $0x4  }
0x225: {  	(xrf0) =	vadd.scan.msk.s32 $0xffff, v5;
	_ =	sdelay $0x3  }
0x226: {  	s1 =	simm.s32 $0x10  }
0x227: {  	v6 =	vmov s1  }
0x228: {  	v6 =	vshll.u32 v6, $0x4;
	v7, _, _ =	vpop (xrf0)  }
0x229: {  	v6 =	vor.u32 v1, v6;
	(v2sf) =	vpush v7, $0xF;
	_ =	sdelay $0x1  }
0x22a: {  	v5 =	vsub.s32 s20, v5  }
0x22b: {  	s0 =	simm.s32 $0xC080;
	v5 =	vadd.s32 v7, v5  }
0x22c: {  	[tilespmem:s0+$0x0] =	vst v5  }
0x22d: {  	v5 =	vld.idx.msk [tilespmem:v6+s12+$0x0], $0xffff;
	_ =	sdelay $0x4  }
0x22e: {  	(xrf0) =	vadd.scan.msk.s32 $0xffff, v5;
	_ =	sdelay $0x2  }
0x22f: {  	s31 =	simm.s32 $0x20  }
0x230: {  	s1 =	simm.s32 $0x30;
	v6 =	vmov s31  }
.LBB2_29:
0x231: {  	p0 =	seq.s32 s1, $0x1F0;
	v6 =	vshll.u32 v6, $0x4;
	s2 =	spop (v2sf)  }
0x232: {  	v6 =	vor.u32 v1, v6;
	v7, _, _ =	vpop (xrf0);
	s20 =	sadd.s32 s20, s2  }
0x233: {  	v5 =	vsub.s32 s20, v5;
	(v2sf) =	vpush v7, $0xF  }
0x234: {  	s0 =	sadd.s32 $0x10, s0;
	v5 =	vadd.s32 v7, v5  }
0x235: {  	[tilespmem:s0+$0x0] =	vst v5;
	_ =	sdelay $0x1  }
0x236: {  	v5 =	vld.idx.msk [tilespmem:v6+s12+$0x0], $0xffff;
	_ =	sdelay $0x5  }
.Ltmp21:
0x237: {  	(xrf0) =	vadd.scan.msk.s32 $0xffff, v5;
	(pc) =	sbr.rel @!p0 .LBB2_29-.Ltmp21, $2  }
0x238: {  	_ =	sdelay $0x2  }
0x239: {  	v6 =	vmov s1;
	s1 =	sadd.s32 $0x10, s1  }
0x23a: {  	v6 =	vshll.u32 v6, $0x4  }
0x23b: {  	s1 =	spop (v2sf);
	v6 =	vor.u32 v1, v6  }
0x23c: {  	s1 =	sadd.s32 s20, s1  }
0x23d: {  	v7, _, _ =	vpop (xrf0);
	v5 =	vsub.s32 s1, v5  }
0x23e: {  	s0 =	sadd.s32 $0x10, s0;
	v5 =	vadd.s32 v7, v5  }
0x23f: {  	[tilespmem:s0+$0x0] =	vst v5  }
0x240: {  	v5 =	vld.idx.msk [tilespmem:v6+s12+$0x0], $0xffff;
	_ =	sdelay $0x4  }
0x241: {  	(xrf0) =	vadd.scan.msk.s32 $0xffff, v5;
	_ =	sdelay $0x2  }
0x242: {  	(v2sf) =	vpush v7, $0xF;
	_ =	sdelay $0x2  }
0x243: {  	v6, _, _ =	vpop (xrf0)  }
0x244: {  	(v2sf) =	vpush v6, $0xF;
	_ =	sdelay $0xa  }
0x245: {  	s2 =	spop (v2sf)  }
0x246: {  	s1 =	sadd.s32 s1, s2  }
0x247: {  	v5 =	vsub.s32 s1, v5  }
0x248: {  	s0 =	sadd.s32 $0x10, s0;
	v5 =	vadd.s32 v6, v5  }
0x249: {  	s21 =	simm.s32 $0xC080;
	[tilespmem:s0+$0x0] =	vst v5;
	s3 =	spop (v2sf);
	(v2sf) =	vpush v4, $0x0  }
0x24a: {  	v4 =	vld [tilespmem:s21+$0x0];
	_ =	sdelay $0x4  }
0x24b: {  	(v2sf) =	vpush v4, $0x0;
	_ =	sdelay $0x8  }
0x24c: {  	s20 =	spop (v2sf);
	(v2sf) =	vpush v4, $0x1  }
0x24d: {  	s22 =	simm.s32 $0x2080  }
0x24e: {  	v5 =	vld [tilespmem:s22+$0xFFFFFF80];
	_ =	sdelay $0x3  }
0x24f: {  	s0 =	spop (v2sf)  }
0x250: {  	vm1 =	vmmov vm0;
	v5 =	vand.u32 $0x7FFFFFFF, v5;
	p0 =	sgt.s32 s20, $0xFF;
	s4 =	ssub.s32 $0xF0, s0  }
0x251: {  	vm2 =	vlt.u32 v5, $0x40000000;
	vm1 =	vmneg @p0 vm1;
	s1 =	sadd.s32 $0xFFFFFF10, s4  }
0x252: {  	vm2 =	vmxor vm1, vm2;
	(v2sf) =	vpush v4, $0x2;
	s1 =	smov.u32 @p0 s0  }
0x253: {  	[tilespmem:s1+$0x8000] =	vst.msk vm2, v5  }
0x254: {  	v5 =	vld [tilespmem:s22+$0xFFFFFF90];
	_ =	sdelay $0x3  }
0x255: {  	s0 =	spop (v2sf)  }
0x256: {  	v5 =	vand.u32 $0x7FFFFFFF, v5;
	s5 =	ssub.s32 $0xF0, s0  }
0x257: {  	vm2 =	vlt.u32 v5, $0x40000000;
	s1 =	sadd.s32 $0xFFFFFF20, s5  }
0x258: {  	(v2sf) =	vpush v4, $0x3;
	vm2 =	vmxor vm1, vm2;
	s1 =	smov.u32 @p0 s0  }
0x259: {  	[tilespmem:s1+$0x8000] =	vst.msk vm2, v5  }
0x25a: {  	v5 =	vld [tilespmem:s22+$0xFFFFFFA0];
	_ =	sdelay $0x3  }
0x25b: {  	s0 =	spop (v2sf)  }
0x25c: {  	s6 =	ssub.s32 $0xF0, s0;
	v5 =	vand.u32 $0x7FFFFFFF, v5  }
0x25d: {  	s1 =	sadd.s32 $0xFFFFFF30, s6;
	vm2 =	vlt.u32 v5, $0x40000000  }
0x25e: {  	(v2sf) =	vpush v4, $0x4;
	s1 =	smov.u32 @p0 s0;
	vm2 =	vmxor vm1, vm2  }
0x25f: {  	[tilespmem:s1+$0x8000] =	vst.msk vm2, v5  }
0x260: {  	v5 =	vld [tilespmem:s22+$0xFFFFFFB0];
	_ =	sdelay $0x3  }
0x261: {  	s0 =	spop (v2sf)  }
0x262: {  	s7 =	ssub.s32 $0xF0, s0;
	v5 =	vand.u32 $0x7FFFFFFF, v5  }
0x263: {  	s1 =	sadd.s32 $0xFFFFFF40, s7;
	vm2 =	vlt.u32 v5, $0x40000000  }
0x264: {  	(v2sf) =	vpush v4, $0x5;
	s1 =	smov.u32 @p0 s0;
	vm2 =	vmxor vm1, vm2  }
0x265: {  	[tilespmem:s1+$0x8000] =	vst.msk vm2, v5  }
0x266: {  	v5 =	vld [tilespmem:s22+$0xFFFFFFC0];
	_ =	sdelay $0x3  }
0x267: {  	s0 =	spop (v2sf)  }
0x268: {  	s10 =	ssub.s32 $0xF0, s0;
	v5 =	vand.u32 $0x7FFFFFFF, v5  }
0x269: {  	s1 =	sadd.s32 $0xFFFFFF50, s10;
	vm2 =	vlt.u32 v5, $0x40000000  }
0x26a: {  	(v2sf) =	vpush v4, $0x6;
	s1 =	smov.u32 @p0 s0;
	vm2 =	vmxor vm1, vm2  }
0x26b: {  	[tilespmem:s1+$0x8000] =	vst.msk vm2, v5  }
0x26c: {  	v5 =	vld [tilespmem:s22+$0xFFFFFFD0];
	_ =	sdelay $0x3  }
0x26d: {  	s0 =	spop (v2sf)  }
0x26e: {  	s14 =	ssub.s32 $0xF0, s0;
	v5 =	vand.u32 $0x7FFFFFFF, v5  }
0x26f: {  	s1 =	sadd.s32 $0xFFFFFF60, s14;
	vm2 =	vlt.u32 v5, $0x40000000  }
0x270: {  	(v2sf) =	vpush v4, $0x7;
	s1 =	smov.u32 @p0 s0;
	vm2 =	vmxor vm1, vm2  }
0x271: {  	[tilespmem:s1+$0x8000] =	vst.msk vm2, v5  }
0x272: {  	v5 =	vld [tilespmem:s22+$0xFFFFFFE0];
	_ =	sdelay $0x3  }
0x273: {  	s0 =	spop (v2sf)  }
0x274: {  	s16 =	ssub.s32 $0xF0, s0;
	v5 =	vand.u32 $0x7FFFFFFF, v5  }
0x275: {  	s1 =	sadd.s32 $0xFFFFFF70, s16;
	vm2 =	vlt.u32 v5, $0x40000000  }
0x276: {  	(v2sf) =	vpush v4, $0x8;
	s1 =	smov.u32 @p0 s0;
	vm2 =	vmxor vm1, vm2  }
0x277: {  	[tilespmem:s1+$0x8000] =	vst.msk vm2, v5  }
0x278: {  	v5 =	vld [tilespmem:s22+$0xFFFFFFF0];
	_ =	sdelay $0x3  }
0x279: {  	s0 =	spop (v2sf)  }
0x27a: {  	s23 =	ssub.s32 $0xF0, s0;
	v5 =	vand.u32 $0x7FFFFFFF, v5  }
0x27b: {  	s1 =	sadd.s32 $0xFFFFFF80, s23;
	vm2 =	vlt.u32 v5, $0x40000000  }
0x27c: {  	(v2sf) =	vpush v4, $0x9;
	s1 =	smov.u32 @p0 s0;
	vm2 =	vmxor vm1, vm2  }
0x27d: {  	[tilespmem:s1+$0x8000] =	vst.msk vm2, v5  }
0x27e: {  	v5 =	vld [tilespmem:s22+$0x0];
	_ =	sdelay $0x3  }
0x27f: {  	s0 =	spop (v2sf)  }
0x280: {  	s24 =	ssub.s32 $0xF0, s0;
	v5 =	vand.u32 $0x7FFFFFFF, v5  }
0x281: {  	s1 =	sadd.s32 $0xFFFFFF90, s24;
	vm2 =	vlt.u32 v5, $0x40000000  }
0x282: {  	(v2sf) =	vpush v4, $0xA;
	s1 =	smov.u32 @p0 s0;
	vm2 =	vmxor vm1, vm2  }
0x283: {  	[tilespmem:s1+$0x8000] =	vst.msk vm2, v5  }
0x284: {  	v5 =	vld [tilespmem:s22+$0x10];
	_ =	sdelay $0x3  }
0x285: {  	s0 =	spop (v2sf)  }
0x286: {  	s25 =	ssub.s32 $0xF0, s0;
	v5 =	vand.u32 $0x7FFFFFFF, v5  }
0x287: {  	s1 =	sadd.s32 $0xFFFFFFA0, s25;
	vm2 =	vlt.u32 v5, $0x40000000  }
0x288: {  	(v2sf) =	vpush v4, $0xB;
	s1 =	smov.u32 @p0 s0;
	vm2 =	vmxor vm1, vm2  }
0x289: {  	[tilespmem:s1+$0x8000] =	vst.msk vm2, v5  }
0x28a: {  	v5 =	vld [tilespmem:s22+$0x20];
	_ =	sdelay $0x3  }
0x28b: {  	s0 =	spop (v2sf)  }
0x28c: {  	s26 =	ssub.s32 $0xF0, s0;
	v5 =	vand.u32 $0x7FFFFFFF, v5  }
0x28d: {  	s1 =	sadd.s32 $0xFFFFFFB0, s26;
	vm2 =	vlt.u32 v5, $0x40000000  }
0x28e: {  	(v2sf) =	vpush v4, $0xC;
	s1 =	smov.u32 @p0 s0;
	vm2 =	vmxor vm1, vm2  }
0x28f: {  	[tilespmem:s1+$0x8000] =	vst.msk vm2, v5  }
0x290: {  	v5 =	vld [tilespmem:s22+$0x30];
	_ =	sdelay $0x3  }
0x291: {  	s0 =	spop (v2sf)  }
0x292: {  	s28 =	ssub.s32 $0xF0, s0;
	v5 =	vand.u32 $0x7FFFFFFF, v5  }
0x293: {  	s1 =	sadd.s32 $0xFFFFFFC0, s28;
	vm2 =	vlt.u32 v5, $0x40000000  }
0x294: {  	(v2sf) =	vpush v4, $0xD;
	s1 =	smov.u32 @p0 s0;
	vm2 =	vmxor vm1, vm2  }
0x295: {  	[tilespmem:s1+$0x8000] =	vst.msk vm2, v5  }
0x296: {  	v5 =	vld [tilespmem:s22+$0x40];
	_ =	sdelay $0x3  }
0x297: {  	s0 =	spop (v2sf)  }
0x298: {  	s29 =	ssub.s32 $0xF0, s0;
	v5 =	vand.u32 $0x7FFFFFFF, v5  }
0x299: {  	s1 =	sadd.s32 $0xFFFFFFD0, s29;
	vm2 =	vlt.u32 v5, $0x40000000  }
0x29a: {  	(v2sf) =	vpush v4, $0xE;
	s1 =	smov.u32 @p0 s0;
	vm2 =	vmxor vm1, vm2  }
0x29b: {  	[tilespmem:s1+$0x8000] =	vst.msk vm2, v5  }
0x29c: {  	v5 =	vld [tilespmem:s22+$0x50];
	_ =	sdelay $0x3  }
0x29d: {  	s0 =	spop (v2sf)  }
0x29e: {  	s30 =	ssub.s32 $0xF0, s0;
	v5 =	vand.u32 $0x7FFFFFFF, v5  }
0x29f: {  	s1 =	sadd.s32 $0xFFFFFFE0, s30;
	vm2 =	vlt.u32 v5, $0x40000000  }
0x2a0: {  	s1 =	smov.u32 @p0 s0;
	vm2 =	vmxor vm1, vm2  }
0x2a1: {  	(v2sf) =	vpush v4, $0xF;
	[tilespmem:s1+$0x8000] =	vst.msk vm2, v5  }
0x2a2: {  	v4 =	vld [tilespmem:s22+$0x60];
	_ =	sdelay $0x3  }
0x2a3: {  	s0 =	spop (v2sf)  }
0x2a4: {  	s31 =	ssub.s32 $0xF0, s0;
	v4 =	vand.u32 $0x7FFFFFFF, v4  }
0x2a5: {  	s1 =	sadd.s32 $0xFFFFFFF0, s31;
	vm2 =	vlt.u32 v4, $0x40000000  }
0x2a6: {  	s1 =	smov.u32 @p0 s0;
	vm2 =	vmxor vm1, vm2  }
0x2a7: {  	[tilespmem:s1+$0x8000] =	vst.msk vm2, v4  }
0x2a8: {  	v4 =	vld [tilespmem:s22+$0x70];
	_ =	sdelay $0x4  }
0x2a9: {  	s0 =	spop (v2sf);
	v4 =	vand.u32 $0x7FFFFFFF, v4  }
0x2aa: {  	s24 =	ssub.s32 $0xF0, s0;
	vm2 =	vlt.u32 v4, $0x40000000  }
0x2ab: {  	s23 =	simm.s32 $0x1F0;
	s24 =	smov.u32 @p0 s0;
	vm2 =	vmxor vm1, vm2  }
.LBB2_31:
0x2ac: {  	p1 =	sne.s32 s23, $0x1FF0;
	[tilespmem:s24+$0x8000] =	vst.msk vm2, v4;
	s21 =	sadd.s32 $0x10, s21;
	s22 =	sadd.s32 $0x100, s22  }
0x2ad: {  	s24 =	smov.u32 s23;
	s23 =	sadd.s32 $0x100, s23;
	v4 =	vld [tilespmem:s21+$0x0];
	_ =	sdelay $0x4  }
0x2ae: {  	(v2sf) =	vpush v4, $0x0  }
0x2af: {  	(v2sf) =	vpush v4, $0x1  }
0x2b0: {  	(v2sf) =	vpush v4, $0x2;
	_ =	sdelay $0x1  }
0x2b1: {  	(v2sf) =	vpush v4, $0x3  }
0x2b2: {  	(v2sf) =	vpush v4, $0x4  }
0x2b3: {  	(v2sf) =	vpush v4, $0x5;
	_ =	sdelay $0x1  }
0x2b4: {  	(v2sf) =	vpush v4, $0x6  }
0x2b5: {  	(v2sf) =	vpush v4, $0x7  }
0x2b6: {  	(v2sf) =	vpush v4, $0x8  }
0x2b7: {  	v5 =	vld [tilespmem:s22+$0xFFFFFF80]  }
0x2b8: {  	(v2sf) =	vpush v4, $0x9  }
0x2b9: {  	(v2sf) =	vpush v4, $0xA  }
0x2ba: {  	(v2sf) =	vpush v4, $0xB  }
0x2bb: {  	s0 =	spop (v2sf)  }
0x2bc: {  	v5 =	vand.u32 $0x7FFFFFFF, v5;
	s1 =	ssub.s32 s24, s0;
	s2 =	spop (v2sf);
	(v2sf) =	vpush v4, $0xC  }
0x2bd: {  	vm2 =	vlt.u32 v5, $0x40000000;
	s1 =	sadd.s32 $0xFFFFFF10, s1;
	s3 =	ssub.s32 s24, s2;
	s4 =	spop (v2sf);
	(v2sf) =	vpush v4, $0xD  }
0x2be: {  	vm2 =	vmxor vm1, vm2;
	s1 =	smov.u32 @p0 s0;
	s5 =	sadd.s32 $0xFFFFFF20, s3;
	s0 =	ssub.s32 s24, s4;
	(v2sf) =	vpush v4, $0xE  }
0x2bf: {  	[tilespmem:s1+$0x8000] =	vst.msk vm2, v5;
	s5 =	smov.u32 @p0 s2;
	s3 =	sadd.s32 $0xFFFFFF30, s0;
	s0 =	spop (v2sf)  }
0x2c0: {  	v5 =	vld [tilespmem:s22+$0xFFFFFF90];
	s3 =	smov.u32 @p0 s4;
	s1 =	ssub.s32 s24, s0;
	s4 =	spop (v2sf);
	(v2sf) =	vpush v4, $0xF  }
0x2c1: {  	s2 =	sadd.s32 $0xFFFFFF40, s1;
	s1 =	ssub.s32 s24, s4;
	s6 =	spop (v2sf)  }
0x2c2: {  	s2 =	smov.u32 @p0 s0;
	s16 =	sadd.s32 $0xFFFFFF50, s1;
	s0 =	ssub.s32 s24, s6  }
0x2c3: {  	s16 =	smov.u32 @p0 s4;
	s14 =	sadd.s32 $0xFFFFFF60, s0;
	s0 =	spop (v2sf)  }
0x2c4: {  	s14 =	smov.u32 @p0 s6;
	s1 =	ssub.s32 s24, s0;
	s4 =	spop (v2sf)  }
0x2c5: {  	v4 =	vand.u32 $0x7FFFFFFF, v5;
	s10 =	sadd.s32 $0xFFFFFF70, s1;
	s1 =	ssub.s32 s24, s4;
	s6 =	spop (v2sf)  }
0x2c6: {  	vm2 =	vlt.u32 v4, $0x40000000;
	s10 =	smov.u32 @p0 s0;
	s1 =	sadd.s32 $0xFFFFFF80, s1;
	s0 =	ssub.s32 s24, s6  }
0x2c7: {  	vm2 =	vmxor vm1, vm2;
	s1 =	smov.u32 @p0 s4;
	s0 =	sadd.s32 $0xFFFFFF90, s0;
	s4 =	spop (v2sf)  }
0x2c8: {  	[tilespmem:s5+$0x8000] =	vst.msk vm2, v4;
	s0 =	smov.u32 @p0 s6;
	s5 =	ssub.s32 s24, s4;
	s6 =	spop (v2sf)  }
0x2c9: {  	v4 =	vld [tilespmem:s22+$0xFFFFFFA0];
	s31 =	sadd.s32 $0xFFFFFFA0, s5;
	s5 =	ssub.s32 s24, s6;
	s25 =	spop (v2sf)  }
0x2ca: {  	s31 =	smov.u32 @p0 s4;
	s30 =	sadd.s32 $0xFFFFFFB0, s5;
	s4 =	ssub.s32 s24, s25  }
0x2cb: {  	s30 =	smov.u32 @p0 s6;
	s29 =	sadd.s32 $0xFFFFFFC0, s4;
	s4 =	spop (v2sf)  }
0x2cc: {  	s29 =	smov.u32 @p0 s25;
	s5 =	ssub.s32 s24, s4;
	s6 =	spop (v2sf)  }
0x2cd: {  	s28 =	sadd.s32 $0xFFFFFFD0, s5;
	s5 =	ssub.s32 s24, s6;
	s7 =	spop (v2sf)  }
0x2ce: {  	v4 =	vand.u32 $0x7FFFFFFF, v4;
	s28 =	smov.u32 @p0 s4;
	s26 =	sadd.s32 $0xFFFFFFE0, s5;
	s4 =	ssub.s32 s24, s7  }
0x2cf: {  	vm2 =	vlt.u32 v4, $0x40000000;
	s26 =	smov.u32 @p0 s6;
	s25 =	sadd.s32 $0xFFFFFFF0, s4;
	s4 =	spop (v2sf)  }
0x2d0: {  	vm2 =	vmxor vm1, vm2;
	s25 =	smov.u32 @p0 s7;
	s24 =	ssub.s32 s24, s4  }
0x2d1: {  	[tilespmem:s3+$0x8000] =	vst.msk vm2, v4;
	s24 =	smov.u32 @p0 s4  }
0x2d2: {  	v4 =	vld [tilespmem:s22+$0xFFFFFFB0];
	_ =	sdelay $0x4  }
0x2d3: {  	v4 =	vand.u32 $0x7FFFFFFF, v4  }
0x2d4: {  	vm2 =	vlt.u32 v4, $0x40000000  }
0x2d5: {  	vm2 =	vmxor vm1, vm2  }
0x2d6: {  	[tilespmem:s2+$0x8000] =	vst.msk vm2, v4  }
0x2d7: {  	v4 =	vld [tilespmem:s22+$0xFFFFFFC0];
	_ =	sdelay $0x4  }
0x2d8: {  	v4 =	vand.u32 $0x7FFFFFFF, v4  }
0x2d9: {  	vm2 =	vlt.u32 v4, $0x40000000  }
0x2da: {  	vm2 =	vmxor vm1, vm2  }
0x2db: {  	[tilespmem:s16+$0x8000] =	vst.msk vm2, v4  }
0x2dc: {  	v4 =	vld [tilespmem:s22+$0xFFFFFFD0];
	_ =	sdelay $0x4  }
0x2dd: {  	v4 =	vand.u32 $0x7FFFFFFF, v4  }
0x2de: {  	vm2 =	vlt.u32 v4, $0x40000000  }
0x2df: {  	vm2 =	vmxor vm1, vm2  }
0x2e0: {  	[tilespmem:s14+$0x8000] =	vst.msk vm2, v4  }
0x2e1: {  	v4 =	vld [tilespmem:s22+$0xFFFFFFE0];
	_ =	sdelay $0x4  }
0x2e2: {  	v4 =	vand.u32 $0x7FFFFFFF, v4  }
0x2e3: {  	vm2 =	vlt.u32 v4, $0x40000000  }
0x2e4: {  	vm2 =	vmxor vm1, vm2  }
0x2e5: {  	[tilespmem:s10+$0x8000] =	vst.msk vm2, v4  }
0x2e6: {  	v4 =	vld [tilespmem:s22+$0xFFFFFFF0];
	_ =	sdelay $0x4  }
0x2e7: {  	v4 =	vand.u32 $0x7FFFFFFF, v4  }
0x2e8: {  	vm2 =	vlt.u32 v4, $0x40000000  }
0x2e9: {  	vm2 =	vmxor vm1, vm2  }
0x2ea: {  	[tilespmem:s1+$0x8000] =	vst.msk vm2, v4  }
0x2eb: {  	v4 =	vld [tilespmem:s22+$0x0];
	_ =	sdelay $0x4  }
0x2ec: {  	v4 =	vand.u32 $0x7FFFFFFF, v4  }
0x2ed: {  	vm2 =	vlt.u32 v4, $0x40000000  }
0x2ee: {  	vm2 =	vmxor vm1, vm2  }
0x2ef: {  	[tilespmem:s0+$0x8000] =	vst.msk vm2, v4  }
0x2f0: {  	v4 =	vld [tilespmem:s22+$0x10];
	_ =	sdelay $0x4  }
0x2f1: {  	v4 =	vand.u32 $0x7FFFFFFF, v4  }
0x2f2: {  	vm2 =	vlt.u32 v4, $0x40000000  }
0x2f3: {  	vm2 =	vmxor vm1, vm2  }
0x2f4: {  	[tilespmem:s31+$0x8000] =	vst.msk vm2, v4  }
0x2f5: {  	v4 =	vld [tilespmem:s22+$0x20];
	_ =	sdelay $0x4  }
0x2f6: {  	v4 =	vand.u32 $0x7FFFFFFF, v4  }
0x2f7: {  	vm2 =	vlt.u32 v4, $0x40000000  }
0x2f8: {  	vm2 =	vmxor vm1, vm2  }
0x2f9: {  	[tilespmem:s30+$0x8000] =	vst.msk vm2, v4  }
0x2fa: {  	v4 =	vld [tilespmem:s22+$0x30];
	_ =	sdelay $0x4  }
0x2fb: {  	v4 =	vand.u32 $0x7FFFFFFF, v4  }
0x2fc: {  	vm2 =	vlt.u32 v4, $0x40000000  }
0x2fd: {  	vm2 =	vmxor vm1, vm2  }
0x2fe: {  	[tilespmem:s29+$0x8000] =	vst.msk vm2, v4  }
0x2ff: {  	v4 =	vld [tilespmem:s22+$0x40];
	_ =	sdelay $0x4  }
0x300: {  	v4 =	vand.u32 $0x7FFFFFFF, v4  }
0x301: {  	vm2 =	vlt.u32 v4, $0x40000000  }
0x302: {  	vm2 =	vmxor vm1, vm2  }
0x303: {  	[tilespmem:s28+$0x8000] =	vst.msk vm2, v4  }
0x304: {  	v4 =	vld [tilespmem:s22+$0x50];
	_ =	sdelay $0x4  }
0x305: {  	v4 =	vand.u32 $0x7FFFFFFF, v4  }
0x306: {  	vm2 =	vlt.u32 v4, $0x40000000  }
0x307: {  	vm2 =	vmxor vm1, vm2  }
0x308: {  	[tilespmem:s26+$0x8000] =	vst.msk vm2, v4  }
0x309: {  	v4 =	vld [tilespmem:s22+$0x60];
	_ =	sdelay $0x4  }
0x30a: {  	v4 =	vand.u32 $0x7FFFFFFF, v4  }
0x30b: {  	vm2 =	vlt.u32 v4, $0x40000000  }
0x30c: {  	vm2 =	vmxor vm1, vm2  }
0x30d: {  	[tilespmem:s25+$0x8000] =	vst.msk vm2, v4  }
0x30e: {  	v4 =	vld [tilespmem:s22+$0x70];
	_ =	sdelay $0x2  }
.Ltmp22:
0x30f: {  	(pc) =	sbr.rel @p1 .LBB2_31-.Ltmp22, $4  }
0x310: {  	_ = 	snop  }
0x311: {  	v4 =	vand.u32 $0x7FFFFFFF, v4  }
0x312: {  	vm2 =	vlt.u32 v4, $0x40000000  }
0x313: {  	vm2 =	vmxor vm1, vm2  }
0x314: {  	s0 =	ssub.s32 $0x2000, s20  }
0x315: {  	s0 =	smov.u32 @p0 s20  }
0x316: {  	v5 =	vadd.s32 s0, v0;
	s1 =	sadd.s32 $0x10, s0  }
0x317: {  	s23 =	sadd.s32 $0x20, s0;
	v6 =	vadd.s32 s1, v0  }
0x318: {  	s25 =	sadd.s32 $0x30, s0;
	v7 =	vadd.s32 s23, v0  }
0x319: {  	s26 =	sadd.s32 $0x40, s0;
	v8 =	vadd.s32 s25, v0  }
0x31a: {  	[tilespmem:s24+$0x8000] =	vst.msk vm2, v4;
	s21 =	smov.u32 s20;
	s24 =	simm.s32 $0x7F800000;
	s28 =	sadd.s32 $0x50, s0;
	v4 =	vadd.s32 s26, v0  }
0x31b: {  	s21 =	simm.s32 @p0 $0x0;
	s2 =	sadd.s32 $0x7F, s0;
	s29 =	sadd.s32 $0x60, s0;
	[tilespmem:v5+s13+$0x0] =	vst.idx.msk $0xffff, v2;
	v5 =	vadd.s32 s28, v0  }
0x31c: {  	s20 =	simm.s32 @!p0 $0x2000;
	s0 =	sadd.s32 $0x70, s0;
	s3 =	sand.u32 $0x7F, s2;
	v62 =	vadd.s32 s29, v0;
	[tilespmem:v6+s13+$0x0] =	vst.idx.msk $0xffff, v2  }
0x31d: {  	s30 =	sshra.s32 s2, $0x1F;
	p1 =	slt.s32 s2, $0x1;
	v63 =	vadd.s32 s0, v0;
	p2 =	sne.s32 s3, $0x0;
	[tilespmem:v7+s13+$0x0] =	vst.idx.msk $0xffff, v2  }
.Ltmp23:
0x31e: {  	s31 =	sshrl.u32 s30, $0x19;
	p1 =	por !p1, !p2;
	[tilespmem:v8+s13+$0x0] =	vst.idx.msk $0xffff, v2;
	(pc) =	sbr.rel .LBB2_33-.Ltmp23, $4  }
0x31f: {  	s1 =	simm.s32 $0x1;
	s0 =	sadd.s32 s31, s2;
	p1 =	por !p1, !p1;
	[tilespmem:v4+s13+$0x0] =	vst.idx.msk $0xffff, v2  }
0x320: {  	s24 =	simm.s32 @!p0 $0x40000000;
	s0 =	sshra.s32 s0, $0x7;
	s1 =	simm.s32 @!p1 $0x0;
	[tilespmem:v5+s13+$0x0] =	vst.idx.msk $0xffff, v2  }
0x321: {  	s23 =	simm.s32 $0x40000000;
	s22 =	ssub.s32 s0, s1;
	s0 =	simm.s32 $0x3F800000;
	[tilespmem:v62+s13+$0x0] =	vst.idx.msk $0xffff, v2  }
0x322: {  	s23 =	simm.s32 @!p0 $0x0;
	s0 =	simm.s32 @!p0 $0x40000000;
	p0 =	slt.s32 s22, $0x1;
	[tilespmem:v63+s13+$0x0] =	vst.idx.msk $0xffff, v2  }
.LBB2_34:
0x323: {  	v4 =	vimm.s32 $0x0  }
.LBB2_40:
0x324: {  	(xrf0) =	vadd.scan.msk.s32 $0xffff, v4;
	_ =	sdelay $0x5  }
0x325: {  	v4, _, _ =	vpop (xrf0)  }
0x326: {  	(v2sf) =	vpush v4, $0xF;
	_ =	sdelay $0xe  }
0x327: {  	s0 =	spop (v2sf)  }
0x328: {  	s1 =	sadd.s32 s21, s0  }
0x329: {  	p1 =	sgt.s32 s1, $0xFF  }
0x32a: {  	s23 =	smov.u32 @p1 s25;
	s25 =	smov.u32 @p1 s24  }
0x32b: {  	s0 =	ssub.s32 s25, s23  }
0x32c: {  	p2 =	sgt.s32 s0, $0x1  }
.Ltmp24:
0x32d: {  	_ = 	snop;
	(pc) =	sbr.rel @!p2 .LBB2_41-.Ltmp24, $2  }
0x32e: {  	_ =	sdelay $0x2  }
0x32f: {  	s20 =	smov.u32 @p1 s1;
	s24 =	smov.u32 s25  }
.LBB2_33:
.Ltmp25:
0x330: {  	(pc) =	sbr.rel @p0 .LBB2_34-.Ltmp25, $3  }
0x331: {  	_ =	sdelay $0x1  }
0x332: {  	s0 =	sshrl.u32 s0, $0x1  }
0x333: {  	s25 =	sadd.s32 s23, s0  }
0x334: {  	p2 =	sne.s32 s22, $0x1  }
.Ltmp26:
0x335: {  	_ = 	snop;
	(pc) =	sbr.rel @!p2 .LBB2_36-.Ltmp26, $3  }
0x336: {  	_ =	sdelay $0x1  }
0x337: {  	s0 =	simm.s32 $0x8040  }
0x338: {  	v4 =	vmov s25;
	v5 =	vimm.s32 $0x0;
	s1 =	sadd.s32 $0xFFFFFFFF, s22;
	p1 =	por $0x0, $0x0;
	v6 =	vld [tilespmem:s0+$0xFFFFFFC0]  }
0x339: {  	v10 =	vld [tilespmem:s0+$0xFFFFFFD0]  }
0x33a: {  	v11 =	vld [tilespmem:s0+$0xFFFFFFE0]  }
0x33b: {  	v13 =	vld [tilespmem:s0+$0xFFFFFFF0];
	p2 =	sne.s32 s1, $0x1  }
.Ltmp27:
0x33c: {  	v9 =	vld [tilespmem:s0+$0x0];
	(pc) =	sbr.rel @!p2 .LBB2_39-.Ltmp27, $4  }
0x33d: {  	v7 =	vld [tilespmem:s0+$0x10];
	vm1 =	vge.s32 v6, v4  }
0x33e: {  	v8 =	vld [tilespmem:s0+$0x20];
	v6 =	vsel vm1, $0x1, v2;
	vm1 =	vge.s32 v10, v4  }
0x33f: {  	v10 =	vld [tilespmem:s0+$0x30];
	s0 =	simm.s32 $0x80C0;
	v12 =	vadd.s32 v6, v5;
	v14 =	vsel vm1, $0x1, v2;
	vm1 =	vge.s32 v11, v4  }
0x340: {  	s1 =	sadd.s32 $0xFFFFFFFF, s1;
	p1 =	por $0x1, $0x1;
	v6 =	vld [tilespmem:s0+$0xFFFFFFC0];
	v11 =	vadd.s32 v14, v12;
	v12 =	vsel vm1, $0x1, v2;
	vm1 =	vge.s32 v13, v4  }
.LBB2_38:
0x341: {  	p2 =	sne.s32 s1, $0x1;
	v13 =	vld [tilespmem:s0+$0xFFFFFFD0];
	v11 =	vadd.s32 v12, v11;
	v12 =	vsel vm1, $0x1, v2;
	vm1 =	vge.s32 v9, v4  }
0x342: {  	v14 =	vld [tilespmem:s0+$0xFFFFFFE0];
	v9 =	vadd.s32 v12, v11;
	v11 =	vsel vm1, $0x1, v2;
	vm1 =	vge.s32 v7, v4  }
0x343: {  	v15 =	vld [tilespmem:s0+$0xFFFFFFF0];
	v7 =	vadd.s32 v11, v9;
	v11 =	vsel vm1, $0x1, v2;
	vm1 =	vge.s32 v8, v4  }
.Ltmp28:
0x344: {  	v9 =	vld [tilespmem:s0+$0x0];
	v8 =	vadd.s32 v11, v7;
	v11 =	vsel vm1, $0x1, v2;
	vm1 =	vge.s32 v10, v4;
	(pc) =	sbr.rel @p2 .LBB2_38-.Ltmp28, $4  }
0x345: {  	vm2 =	vge.s32 v6, v4;
	v7 =	vld [tilespmem:s0+$0x10];
	v6 =	vadd.s32 v11, v8;
	v10 =	vsel vm1, $0x1, v2  }
0x346: {  	v11 =	vsel vm2, $0x1, v2;
	vm1 =	vge.s32 v13, v4;
	v8 =	vld [tilespmem:s0+$0x20];
	v6 =	vadd.s32 v10, v6  }
0x347: {  	v11 =	vadd.s32 v11, v6;
	v12 =	vsel vm1, $0x1, v2;
	vm1 =	vge.s32 v14, v4;
	v10 =	vld [tilespmem:s0+$0x30];
	s0 =	sadd.s32 $0x80, s0  }
0x348: {  	s1 =	sadd.s32 $0xFFFFFFFF, s1;
	v6 =	vld [tilespmem:s0+$0xFFFFFFC0];
	v11 =	vadd.s32 v12, v11;
	v12 =	vsel vm1, $0x1, v2;
	vm1 =	vge.s32 v15, v4  }
.LBB2_39:
0x349: {  	v11 =	vadd.s32 @p1 v12, v11;
	v12 =	vsel @p1 vm1, $0x1, v2;
	vm1 =	vge.s32 @p1 v9, v4  }
0x34a: {  	v56 =	vld [tilespmem:s0+$0xFFFFFFD0];
	v11 =	vadd.s32 @p1 v12, v11;
	v12 =	vsel @p1 vm1, $0x1, v2;
	vm1 =	vge.s32 @p1 v7, v4  }
0x34b: {  	v7 =	vld [tilespmem:s0+$0xFFFFFFE0];
	v11 =	vadd.s32 @p1 v12, v11;
	v12 =	vsel @p1 vm1, $0x1, v2;
	vm1 =	vge.s32 @p1 v8, v4  }
0x34c: {  	v57 =	vld [tilespmem:s0+$0xFFFFFFF0];
	v11 =	vadd.s32 @p1 v12, v11;
	v12 =	vsel @p1 vm1, $0x1, v2;
	vm1 =	vge.s32 @p1 v10, v4  }
0x34d: {  	v58 =	vld [tilespmem:s0+$0x0];
	v11 =	vadd.s32 @p1 v12, v11;
	v12 =	vsel @p1 vm1, $0x1, v2  }
0x34e: {  	vm1 =	vge.s32 v6, v4;
	v6 =	vld [tilespmem:s0+$0x10];
	v11 =	vadd.s32 @p1 v12, v11  }
0x34f: {  	v60 =	vld [tilespmem:s0+$0x20];
	v59 =	vsel vm1, $0x1, v2;
	vm1 =	vge.s32 v56, v4;
	v5 =	vpsel p1, v11, v5  }
0x350: {  	v61 =	vsel vm1, $0x1, v2;
	vm1 =	vge.s32 v7, v4;
	v7 =	vld [tilespmem:s0+$0x30];
	v5 =	vadd.s32 v59, v5  }
0x351: {  	v62 =	vsel vm1, $0x1, v2;
	vm1 =	vge.s32 v57, v4;
	v5 =	vadd.s32 v61, v5  }
0x352: {  	v8 =	vsel vm1, $0x1, v2;
	vm1 =	vge.s32 v58, v4;
	v5 =	vadd.s32 v62, v5  }
.Ltmp29:
0x353: {  	v63 =	vsel vm1, $0x1, v2;
	vm1 =	vge.s32 v6, v4;
	v5 =	vadd.s32 v8, v5;
	(pc) =	sbr.rel .LBB2_40-.Ltmp29, $4  }
0x354: {  	v6 =	vsel vm1, $0x1, v2;
	vm1 =	vge.s32 v60, v4;
	v5 =	vadd.s32 v63, v5  }
0x355: {  	v5 =	vadd.s32 v6, v5;
	v6 =	vsel vm1, $0x1, v2;
	vm1 =	vge.s32 v7, v4  }
0x356: {  	v4 =	vadd.s32 v6, v5;
	v5 =	vsel vm1, $0x1, v2  }
0x357: {  	v4 =	vadd.s32 v5, v4  }
.LBB2_36:
.Ltmp30:
0x358: {  	(pc) =	sbr.rel .LBB2_39-.Ltmp30, $2  }
0x359: {  	_ =	sdelay $0x2  }
0x35a: {  	_ = 	snop  }
.LBB2_41:
0x35b: {  	s1 =	simm.s32 $0x0  }
0x35c: {  	v5 =	vld [tilespmem:s1+$0x2070]  }
0x35d: {  	v7 =	vld [tilespmem:s1+$0x2000]  }
0x35e: {  	v10 =	vld [tilespmem:s1+$0x2010]  }
0x35f: {  	v9 =	vld [tilespmem:s1+$0x2020]  }
0x360: {  	v8 =	vld [tilespmem:s1+$0x2030]  }
0x361: {  	v4 =	vmov s23;
	v6 =	vld [tilespmem:s1+$0x2040];
	v11 =	vand.u32 $0x7FFFFFFF, v5  }
0x362: {  	v7 =	vand.u32 $0x7FFFFFFF, v7;
	v5 =	vld [tilespmem:s1+$0x2050];
	vm2 =	vlt.s32 v11, v4  }
0x363: {  	s0 =	simm.s32 $0x80;
	s2 =	simm.s32 $0x400;
	v10 =	vand.u32 $0x7FFFFFFF, v10;
	vm1 =	vlt.s32 v7, v4;
	v7 =	vld [tilespmem:s1+$0x2060];
	v11 =	vsel vm2, $0x0, v3  }
.LBB2_42:
0x364: {  	p0 =	sne.s32 s2, $0x7E00;
	v12 =	vld [tilespmem:s0+$0x2070];
	v13 =	vsel vm1, $0x0, v3;
	vm1 =	vlt.s32 v10, v4;
	v9 =	vand.u32 $0x7FFFFFFF, v9;
	[tilespmem:s1+$0x6070] =	vst v11  }
0x365: {  	v10 =	vld [tilespmem:s0+$0x2000];
	[tilespmem:s1+$0x6000] =	vst v13;
	v11 =	vsel vm1, $0x0, v3;
	vm1 =	vlt.s32 v9, v4;
	v8 =	vand.u32 $0x7FFFFFFF, v8  }
0x366: {  	v13 =	vld [tilespmem:s0+$0x2010];
	[tilespmem:s1+$0x6010] =	vst v11;
	v11 =	vsel vm1, $0x0, v3;
	vm1 =	vlt.s32 v8, v4;
	v6 =	vand.u32 $0x7FFFFFFF, v6  }
.Ltmp31:
0x367: {  	v9 =	vld [tilespmem:s0+$0x2020];
	[tilespmem:s1+$0x6020] =	vst v11;
	v11 =	vsel vm1, $0x0, v3;
	vm1 =	vlt.s32 v6, v4;
	v5 =	vand.u32 $0x7FFFFFFF, v5;
	(pc) =	sbr.rel @p0 .LBB2_42-.Ltmp31, $4  }
0x368: {  	v8 =	vld [tilespmem:s0+$0x2030];
	[tilespmem:s1+$0x6030] =	vst v11;
	v11 =	vsel vm1, $0x0, v3;
	vm1 =	vlt.s32 v5, v4;
	v5 =	vand.u32 $0x7FFFFFFF, v7  }
0x369: {  	v6 =	vld [tilespmem:s0+$0x2040];
	v7 =	vand.u32 $0x7FFFFFFF, v12;
	[tilespmem:s1+$0x6040] =	vst v11;
	v11 =	vsel vm1, $0x0, v3;
	vm1 =	vlt.s32 v5, v4  }
0x36a: {  	v10 =	vand.u32 $0x7FFFFFFF, v10;
	v5 =	vld [tilespmem:s0+$0x2050];
	vm2 =	vlt.s32 v7, v4;
	[tilespmem:s1+$0x6050] =	vst v11;
	v12 =	vsel vm1, $0x0, v3  }
0x36b: {  	vm1 =	vlt.s32 v10, v4;
	v10 =	vand.u32 $0x7FFFFFFF, v13;
	v7 =	vld [tilespmem:s0+$0x2060];
	v11 =	vsel vm2, $0x0, v3;
	[tilespmem:s1+$0x6060] =	vst v12;
	s1 =	smov.u32 s0;
	s0 =	sshra.s32 s2, $0x2;
	s2 =	sadd.s32 $0x200, s2  }
0x36c: {  	v12 =	vld [tilespmem:s0+$0x2070];
	[tilespmem:s1+$0x6070] =	vst v11;
	v61 =	vsel vm1, $0x0, v3;
	vm1 =	vlt.s32 v10, v4;
	v9 =	vand.u32 $0x7FFFFFFF, v9  }
0x36d: {  	v13 =	vld [tilespmem:s0+$0x2000];
	[tilespmem:s1+$0x6000] =	vst v61;
	v10 =	vsel vm1, $0x0, v3;
	vm1 =	vlt.s32 v9, v4;
	v8 =	vand.u32 $0x7FFFFFFF, v8  }
0x36e: {  	v11 =	vld [tilespmem:s0+$0x2010];
	[tilespmem:s1+$0x6010] =	vst v10;
	v9 =	vsel vm1, $0x0, v3;
	vm1 =	vlt.s32 v8, v4;
	v6 =	vand.u32 $0x7FFFFFFF, v6  }
0x36f: {  	v10 =	vld [tilespmem:s0+$0x2020];
	[tilespmem:s1+$0x6020] =	vst v9;
	v8 =	vsel vm1, $0x0, v3;
	vm1 =	vlt.s32 v6, v4;
	v5 =	vand.u32 $0x7FFFFFFF, v5  }
0x370: {  	v9 =	vld [tilespmem:s0+$0x2030];
	[tilespmem:s1+$0x6030] =	vst v8;
	v6 =	vsel vm1, $0x0, v3;
	vm1 =	vlt.s32 v5, v4;
	v5 =	vand.u32 $0x7FFFFFFF, v7  }
0x371: {  	v8 =	vld [tilespmem:s0+$0x2040];
	[tilespmem:s1+$0x6040] =	vst v6;
	v6 =	vsel vm1, $0x0, v3;
	v12 =	vand.u32 $0x7FFFFFFF, v12;
	vm1 =	vlt.s32 v5, v4  }
0x372: {  	v7 =	vld [tilespmem:s0+$0x2050];
	[tilespmem:s1+$0x6050] =	vst v6;
	v5 =	vand.u32 $0x7FFFFFFF, v13;
	vm2 =	vlt.s32 v12, v4;
	v6 =	vsel vm1, $0x0, v3  }
0x373: {  	v62 =	vld [tilespmem:s0+$0x2060];
	vm1 =	vlt.s32 v5, v4;
	v5 =	vand.u32 $0x7FFFFFFF, v11;
	v63 =	vsel vm2, $0x0, v3;
	[tilespmem:s1+$0x6060] =	vst v6  }
0x374: {  	v6 =	vsel vm1, $0x0, v3;
	vm1 =	vlt.s32 v5, v4;
	v5 =	vand.u32 $0x7FFFFFFF, v10;
	[tilespmem:s0+$0x6070] =	vst v63  }
0x375: {  	[tilespmem:s0+$0x6000] =	vst v6;
	v6 =	vsel vm1, $0x0, v3;
	vm1 =	vlt.s32 v5, v4;
	v5 =	vand.u32 $0x7FFFFFFF, v9  }
0x376: {  	p0 =	slt.s32 s20, $0x101;
	[tilespmem:s0+$0x6010] =	vst v6;
	v6 =	vsel vm1, $0x0, v3;
	vm1 =	vlt.s32 v5, v4;
	v5 =	vand.u32 $0x7FFFFFFF, v8  }
.Ltmp32:
0x377: {  	[tilespmem:s0+$0x6020] =	vst v6;
	v6 =	vsel vm1, $0x0, v3;
	vm1 =	vlt.s32 v5, v4;
	v5 =	vand.u32 $0x7FFFFFFF, v7;
	(pc) =	sbr.rel @p0 .LBB2_47-.Ltmp32, $4  }
0x378: {  	[tilespmem:s0+$0x6030] =	vst v6;
	v6 =	vsel vm1, $0x0, v3;
	vm1 =	vlt.s32 v5, v4;
	v5 =	vand.u32 $0x7FFFFFFF, v62  }
0x379: {  	[tilespmem:s0+$0x6040] =	vst v6;
	v6 =	vsel vm1, $0x0, v3;
	vm1 =	vlt.s32 v5, v4  }
0x37a: {  	[tilespmem:s0+$0x6050] =	vst v6;
	v5 =	vsel vm1, $0x0, v3  }
0x37b: {  	[tilespmem:s0+$0x6060] =	vst v5  }
0x37c: {  	s14 =	simm.s32 $0x1FF0  }
0x37d: {  	v5 =	vld [tilespmem:s14+$0x2000];
	_ =	sdelay $0x2  }
0x37e: {  	s1 =	simm.s32 $0x1FE0  }
0x37f: {  	v6 =	vld [tilespmem:s1+$0x2000]  }
0x380: {  	v5 =	vand.u32 $0x7FFFFFFF, v5  }
0x381: {  	vm1 =	veq.s32 v5, v4  }
0x382: {  	v8 =	vsel vm1, $0x1, v2  }
0x383: {  	(xrf0) =	vadd.scan.msk.s32 $0xffff, v8  }
0x384: {  	v5 =	vand.u32 $0x7FFFFFFF, v6  }
0x385: {  	vm2 =	veq.s32 v5, v4  }
0x386: {  	v6 =	vsel vm2, $0x1, v2  }
0x387: {  	(xrf0) =	vadd.scan.msk.s32 $0xffff, v6  }
0x388: {  	s0 =	simm.s32 $0x1FD0  }
0x389: {  	v5 =	vld [tilespmem:s0+$0x2000];
	v9, _, _ =	vpop (xrf0)  }
0x38a: {  	(v2sf) =	vpush v9, $0xF;
	_ =	sdelay $0x2  }
0x38b: {  	v7, _, _ =	vpop (xrf0)  }
0x38c: {  	v5 =	vand.u32 $0x7FFFFFFF, v5;
	(v2sf) =	vpush v7, $0xF  }
0x38d: {  	s21 =	simm.s32 $0x1FC0;
	vm5 =	veq.s32 v5, v4  }
0x38e: {  	v10 =	vld [tilespmem:s21+$0x2000];
	v5 =	vsel vm5, $0x1, v2  }
0x38f: {  	(xrf0) =	vadd.scan.msk.s32 $0xffff, v5;
	_ =	sdelay $0x1  }
0x390: {  	vm1 =	vmmov vm1  }
0x391: {  	vm1 =	vmmov vm1;
	vm2 =	vmmov vm2  }
0x392: {  	v10 =	vand.u32 $0x7FFFFFFF, v10;
	vm4 =	vmmov vm1;
	vm3 =	vmmov vm2  }
0x393: {  	s2 =	sadd.s32 $0xFFFFFF00, s20;
	s10 =	simm.s32 $0x1FB0;
	s3 =	simm.s32 $0x7E80;
	vm1 =	veq.s32 v10, v4;
	v10 =	vld [tilespmem:s14+$0x6000];
	vm2 =	vmmov vm5;
	v11 =	vbroadcast v9, $0xF  }
.LBB2_45:
0x394: {  	p0 =	sne.s32 s3, $0x0;
	v12 =	vld [tilespmem:s10+$0x2000];
	v13 =	vsel vm1, $0x1, v2;
	v14, _, _ =	vpop (xrf0);
	v15 =	vsub.s32 v8, v9;
	v8 =	vmov v6;
	s4 =	smov.u32 s21;
	s21 =	smov.u32 s10  }
0x395: {  	v6 =	vmovc v5;
	(xrf0) =	vadd.scan.msk.s32 $0xffff, v13;
	(v2sf) =	vpush v14, $0xF;
	v11 =	vadd.s32 v11, v15;
	v5 =	vmov v13  }
.Ltmp33:
0x396: {  	v9 =	vmov v7;
	v7 =	vmov v14;
	vm5 =	vle.s32 v11, s2;
	s5 =	spop (v2sf);
	(pc) =	sbr.rel @p0 .LBB2_45-.Ltmp33, $4  }
0x397: {  	vm5 =	vmand vm4, vm5;
	s2 =	ssub.s32 s2, s5;
	vm4 =	vmmov vm3;
	vm3 =	vmmov vm2  }
0x398: {  	vm2 =	vmmov vm1;
	v10 =	vsel vm5, $0x0, v10;
	p1 =	sgt.s32 s2, $0x0  }
0x399: {  	v11 =	vand.u32 $0x7FFFFFFF, v12;
	[tilespmem:s14+$0x6000] =	vst v10;
	s2 =	simm.s32 @!p1 $0x0;
	s14 =	smov.u32 s1;
	s1 =	smov.u32 s0  }
0x39a: {  	s10 =	sshra.s32 s3, $0x2;
	s3 =	sadd.s32 $0xFFFFFFC0, s3;
	s0 =	smov.u32 s4;
	vm1 =	veq.s32 v11, v4;
	v11 =	vbroadcast v9, $0xF;
	v10 =	vld [tilespmem:s14+$0x6000]  }
0x39b: {  	v8 =	vsub.s32 v8, v9  }
0x39c: {  	v8 =	vadd.s32 v11, v8  }
0x39d: {  	vm5 =	vle.s32 v8, s2  }
0x39e: {  	v49 =	vld [tilespmem:s10+$0x2000];
	v50 =	vsel vm1, $0x1, v2;
	v51, _, _ =	vpop (xrf0);
	vm4 =	vmand vm4, vm5  }
0x39f: {  	(xrf0) =	vadd.scan.msk.s32 $0xffff, v50;
	(v2sf) =	vpush v51, $0xF;
	v10 =	vsel vm4, $0x0, v10  }
0x3a0: {  	s3 =	spop (v2sf);
	[tilespmem:s14+$0x6000] =	vst v10  }
0x3a1: {  	v52 =	vbroadcast v7, $0xF;
	s2 =	ssub.s32 s2, s3;
	v12 =	vld [tilespmem:s1+$0x6000]  }
0x3a2: {  	v6 =	vsub.s32 v6, v7;
	p0 =	sgt.s32 s2, $0x0  }
0x3a3: {  	v6 =	vadd.s32 v52, v6;
	s2 =	simm.s32 @!p0 $0x0;
	v53 =	vand.u32 $0x7FFFFFFF, v49  }
0x3a4: {  	vm13 =	vmmov vm3;
	vm14 =	vle.s32 v6, s2;
	vm3 =	veq.s32 v53, v4  }
0x3a5: {  	vm4 =	vmand vm13, vm14;
	v4 =	vsel vm3, $0x1, v2;
	v54, _, _ =	vpop (xrf0)  }
0x3a6: {  	(xrf0) =	vadd.scan.msk.s32 $0xffff, v4;
	(v2sf) =	vpush v54, $0xF;
	v55 =	vsel vm4, $0x0, v12  }
0x3a7: {  	v56 =	vbroadcast v51, $0xF;
	s28 =	spop (v2sf);
	[tilespmem:s1+$0x6000] =	vst v55  }
0x3a8: {  	v5 =	vsub.s32 v5, v51;
	s1 =	ssub.s32 s2, s28;
	v57 =	vld [tilespmem:s0+$0x6000]  }
0x3a9: {  	v5 =	vadd.s32 v56, v5;
	p0 =	sgt.s32 s1, $0x0  }
0x3aa: {  	vm2 =	vmmov vm2;
	s1 =	simm.s32 @!p0 $0x0  }
0x3ab: {  	vm2 =	vmmov vm2;
	vm15 =	vle.s32 v5, s1  }
0x3ac: {  	v5, _, _ =	vpop (xrf0);
	vm2 =	vmand vm2, vm15  }
0x3ad: {  	(v2sf) =	vpush v5, $0xF;
	v58 =	vsel vm2, $0x0, v57  }
0x3ae: {  	s29 =	spop (v2sf);
	[tilespmem:s0+$0x6000] =	vst v58  }
0x3af: {  	v59 =	vbroadcast v54, $0xF;
	s0 =	ssub.s32 s1, s29;
	v60 =	vld [tilespmem:s21+$0x6000]  }
0x3b0: {  	vm1 =	vmmov vm1;
	v6 =	vsub.s32 v50, v54;
	p0 =	sgt.s32 s0, $0x0  }
0x3b1: {  	vm1 =	vmmov vm1;
	v6 =	vadd.s32 v59, v6;
	s0 =	simm.s32 @!p0 $0x0  }
0x3b2: {  	vm1 =	vmmov vm1;
	vm2 =	vle.s32 v6, s0  }
0x3b3: {  	vm1 =	vmand vm1, vm2  }
0x3b4: {  	v61 =	vsel vm1, $0x0, v60  }
0x3b5: {  	s30 =	spop (v2sf);
	[tilespmem:s21+$0x6000] =	vst v61  }
0x3b6: {  	v62 =	vbroadcast v5, $0xF;
	s0 =	ssub.s32 s0, s30;
	v63 =	vld [tilespmem:s10+$0x6000]  }
0x3b7: {  	v4 =	vsub.s32 v4, v5;
	vm1 =	vmmov vm3;
	p0 =	sgt.s32 s0, $0x0  }
.Ltmp34:
0x3b8: {  	v4 =	vadd.s32 v62, v4;
	vm1 =	vmmov vm1;
	s0 =	simm.s32 @!p0 $0x0;
	(pc) =	sbr.rel .LBB2_47-.Ltmp34, $4  }
0x3b9: {  	vm1 =	vmmov vm1;
	vm2 =	vle.s32 v4, s0  }
0x3ba: {  	vm1 =	vmand vm1, vm2  }
0x3bb: {  	v4 =	vsel vm1, $0x0, v63  }
0x3bc: {  	s31 =	spop (v2sf);
	[tilespmem:s10+$0x6000] =	vst v4  }
.LBB2_2:
.Ltmp35:
0x3bd: {  	(pc) =	sbr.rel .LBB2_5-.Ltmp35, $2  }
0x3be: {  	_ =	sdelay $0x2  }
0x3bf: {  	s20 =	simm.s32 $0x0  }
.LBB2_25:
.Ltmp36:
0x3c0: {  	(pc) =	sbr.rel .LBB2_28-.Ltmp36, $2  }
0x3c1: {  	_ =	sdelay $0x2  }
0x3c2: {  	s21 =	simm.s32 $0x0  }
.LBB2_48:
0x3c3: {  	_ =	sfence.sel $0x180000  }
0x3c4: {  	[bflag:$0x0] =	sbarrier.arrive $0xFFFF  }
0x3c5: {  	_ =	strace $0x90000047  }
0x3c6: {  	s0 =	stileid.u32;
	[bflag:$0x2] =	sbarrier.arrive $0xFFFF  }
0x3c7: {  	p0 =	sne.s32 s0, $0x0;
	s0 =	rddreg [dreg:$0x2]  }
0x3c8: {  	s0 =	sadd.s32 @!p0 $0x100000, s0  }
0x3c9: {  	[sflag:s0] =	ssyncadd.tile.s32 @!p0 $0x1;
	_ =	shalt  }
.Lfunc_end2:
_tile_overlayer_lowered:
.L_overlay_start_2:
0x3ca: {  	(tag) =	ssettag $0x2  }
0x3cb: {  	s0 =	rddreg [dreg:$0x0];
	s2 =	stileid.u32  }
0x3cc: {  	s1 =	rddreg [dreg:$0x1];
	p0 =	sne.s32 s2, $0x0  }
0x3cd: {  	s3 =	rddreg [dreg:$0x2];
	[bflag:$0x3] =	sbarrier.arrive $0xFFFF;
	s2 =	simm.s32 @!p0 $0x1C05  }
0x3ce: {  	[timem:s3], [sflag:s2] =	dma.local @!p0 [hbm:s0], s1  }
0x3cf: {  	s0 =	simm.s32 @!p0 $0x5  }
0x3d0: {  	_ =	swait.ge @!p0 [sflag:s0], s1  }
0x3d1: {  	s1 =	ssub.s32 @!p0 $0x0, s1;
	[sflag:s0] =	ssyncset.done @!p0 $0x0  }
0x3d2: {  	[sflag:s0] =	ssyncadd.s32 @!p0 s1  }
0x3d3: {  	[bflag:$0x3] =	sbarrier.arrive $0xFFFF  }
0x3d4: {  	_ =	shalt  }

</sc_bundles>
